<compile_context>
chip_gen: v7x
topology: tpu7x:2x2x1
jax: 0.10.2.dev20260603
libtpu: 0.0.44.dev20260713+nightly
codegen_flags: <defaults>
</compile_context>

<pallas_src>
import functools

import jax
import jax.numpy as jnp
from jax import lax
from jax.experimental import pallas as pl
from jax.experimental.pallas import tpu as pltpu
from jax.experimental.pallas import tpu_sc as plsc

_NT = 4096
_TK = 8
_H = 4096
_PW = _H
_TE = _NT * _TK
_NC = 2
_NS = 16
_NW = _NC * _NS
_TPW = _NT // _NW
_EPW = _TPW * _TK
_NG = _PW // 16

_mesh = plsc.VectorSubcoreMesh(core_axis_name="c", subcore_axis_name="s")


@functools.partial(
    pl.kernel,
    out_type=jax.ShapeDtypeStruct((_NT, _H), jnp.bfloat16),
    mesh=_mesh,
    compiler_params=pltpu.CompilerParams(
        use_tc_tiling_on_sc=True, needs_layout_passes=False),
    scratch_types=[
        pltpu.VMEM((_EPW,), jnp.int32),
        pltpu.VMEM((2, _TK, 16), jnp.int32),
        pltpu.VMEM((_TK, _PW), jnp.int32),
        pltpu.VMEM((_TK, _PW), jnp.int32),
        pltpu.VMEM((_PW,), jnp.int32),
        pltpu.VMEM((_PW,), jnp.int32),
        pltpu.VMEM((_PW,), jnp.int32),
        pltpu.SemaphoreType.DMA,
        pltpu.SemaphoreType.DMA,
        pltpu.SemaphoreType.DMA,
        pltpu.SemaphoreType.DMA,
        pltpu.SemaphoreType.DMA,
        pltpu.SemaphoreType.DMA,
    ],
)
def _combine(expert_hbm, inv2_hbm, w_hbm, out_hbm,
             idx_v, w_v, rows0, rows1, ob0, ob1, stg,
             g0, g1, o0, o1, ws0, ws1):
  wid = lax.axis_index("s") * _NC + lax.axis_index("c")
  tbase = wid * _TPW
  expert_w = expert_hbm.bitcast(jnp.int32)
  out_w = out_hbm.bitcast(jnp.int32)

  pltpu.sync_copy(inv2_hbm.at[pl.ds(wid * _EPW, _EPW)], idx_v)

  rows = (rows0, rows1)
  obufs = (ob0, ob1)
  gsems = (g0, g1)
  osems = (o0, o1)
  wsems = (ws0, ws1)

  pltpu.async_copy(w_hbm.at[wid, 0], w_v.at[0], ws0)
  pltpu.async_copy(w_hbm.at[wid, 1], w_v.at[1], ws1)
  pltpu.async_copy(expert_w.at[idx_v.at[pl.ds(0, _TK)]], rows0, g0)
  pltpu.async_copy(expert_w.at[idx_v.at[pl.ds(_TK, _TK)]], rows1, g1)

  @pl.loop(0, _TPW, step=4)
  def _groups(c):
    for pb in range(2):
      for b in range(2):
        tok = c + pb * 2 + b
        pltpu.make_async_copy(
            expert_w.at[idx_v.at[pl.ds(tok * _TK, _TK)]], rows[b],
            gsems[b]).wait()
        pltpu.make_async_copy(
            w_hbm.at[wid, tok], w_v.at[b], wsems[b]).wait()

        if b == 1:
          @pl.when(c >= 4)
          def _():
            pltpu.make_async_copy(
                obufs[pb], out_w.at[(tbase + tok - 5) // 2],
                osems[pb]).wait()

        w = [plsc.bitcast(w_v[b, k, :], jnp.bfloat16) for k in range(_TK)]

        @plsc.parallel_loop(0, _NG, unroll=4)
        def _sloop(s, _w=w, _b=b, _pb=pb):
          sl = pl.ds(pl.multiple_of(s * 16, 16), 16)
          acc = _w[0] * plsc.bitcast(rows[_b][0, sl], jnp.bfloat16)
          for k in range(1, _TK):
            acc = acc + _w[k] * plsc.bitcast(rows[_b][k, sl], jnp.bfloat16)
          if _b == 0:
            stg[sl] = plsc.bitcast(acc, jnp.int32)
          else:
            pe = plsc.bitcast(stg[sl], jnp.bfloat16)
            e0, e1 = plsc.unpack(pe, format=plsc.PackFormat.INTERLEAVED)
            q0, q1 = plsc.unpack(acc, format=plsc.PackFormat.INTERLEAVED)
            packed = plsc.pack(e0 + e1, q0 + q1,
                               format=plsc.PackFormat.INTERLEAVED)
            obufs[_pb][sl] = plsc.bitcast(packed, jnp.int32)

        if b == 1:
          pltpu.async_copy(
              obufs[pb], out_w.at[(tbase + tok - 1) // 2], osems[pb])

        @pl.when(tok + 2 < _TPW)
        def _():
          pltpu.async_copy(
              expert_w.at[idx_v.at[pl.ds((tok + 2) * _TK, _TK)]],
              rows[b], gsems[b])
          pltpu.async_copy(w_hbm.at[wid, tok + 2], w_v.at[b], wsems[b])

  for pb in range(2):
    pltpu.make_async_copy(
        obufs[pb], out_w.at[tbase // 2 + _TPW // 2 - 2 + pb],
        osems[pb]).wait()


def kernel(expert_output, topk_vals, inv_perm):
  inv = inv_perm.astype(jnp.int32)
  inv2 = inv // 2
  par = (inv & 1).reshape(_NW, _TPW, _TK, 1)
  wbits = jax.lax.bitcast_convert_type(
      topk_vals.astype(jnp.bfloat16).reshape(_NW, _TPW, _TK, 1, 1),
      jnp.uint16).astype(jnp.int32).reshape(_NW, _TPW, _TK, 1)
  wword = jnp.where(par == 0, wbits, wbits << 16)
  wv = jnp.broadcast_to(wword, (_NW, _TPW, _TK, 16))
  return _combine(expert_output, inv2, wv)

# --- scband reference (transcript-rebuilt; emitter-appended) ---
"""Pipeline reference for scband-model-25056839205398 (READ-ONLY COPY).

The authoritative reference and input builder live on the scoring server;
editing this copy changes nothing except your own understanding.
"""

import jax, jax.numpy as jnp
import numpy as np

NUM_TOKENS = 4096
TOPK = 8
HIDDEN = 4096
TOTAL_EXPANDED = NUM_TOKENS * TOPK

def setup_inputs(seed: int = 0) -> dict:
    key = jax.random.key(seed)
    k1, k2, k3 = jax.random.split(key, 3)
    expert_output = jax.random.normal(k1, (TOTAL_EXPANDED, HIDDEN), dtype=jnp.bfloat16)
    topk_vals = jax.random.uniform(k2, (NUM_TOKENS, TOPK), dtype=jnp.bfloat16)
    inv_perm = jax.random.randint(k3, (TOTAL_EXPANDED,), 0, TOTAL_EXPANDED, dtype=jnp.int64)
    return {"expert_output": expert_output, "topk_vals": topk_vals, "inv_perm": inv_perm}

def reference(expert_output, topk_vals, inv_perm):
    M, topk = topk_vals.shape
    K = expert_output.shape[1]
    reordered = jnp.take(expert_output, inv_perm, axis=0)
    reordered = reordered.reshape(M, topk, K)
    weighted = reordered * topk_vals[:, :, None]
    out = weighted.sum(axis=1)
    return out

if __name__ == "__main__":
    import jax
    _d = setup_inputs()
    print(jax.jit(kernel)(*tuple(_d.values())))

</pallas_src>

<mosaic_0001>
#map = affine_map<(d0, d1) -> (0, 0)>
#map1 = affine_map<(d0, d1) -> (0)>
#map2 = affine_map<(d0, d1) -> (0, 0, 0, 0)>
module attributes {stable_mosaic.version = 14 : i64} {
  func.func @_combine(%arg0: i32, %arg1: i32, %arg2: memref<32768x4096xbf16, #tpu.memory_space<hbm>>, %arg3: memref<32768xi32, #tpu.memory_space<hbm>>, %arg4: memref<32x128x8x16xi32, #tpu.memory_space<hbm>>, %arg5: memref<4096x4096xbf16, #tpu.memory_space<hbm>>, %arg6: memref<1024xi32, #tpu.memory_space<vmem>>, %arg7: memref<2x8x16xi32, #tpu.memory_space<vmem>>, %arg8: memref<8x4096xi32, #tpu.memory_space<vmem>>, %arg9: memref<8x4096xi32, #tpu.memory_space<vmem>>, %arg10: memref<4096xi32, #tpu.memory_space<vmem>>, %arg11: memref<4096xi32, #tpu.memory_space<vmem>>, %arg12: memref<4096xi32, #tpu.memory_space<vmem>>, %arg13: memref<!tpu.dma_semaphore, #tpu.memory_space<semaphore_mem>>, %arg14: memref<!tpu.dma_semaphore, #tpu.memory_space<semaphore_mem>>, %arg15: memref<!tpu.dma_semaphore, #tpu.memory_space<semaphore_mem>>, %arg16: memref<!tpu.dma_semaphore, #tpu.memory_space<semaphore_mem>>, %arg17: memref<!tpu.dma_semaphore, #tpu.memory_space<semaphore_mem>>, %arg18: memref<!tpu.dma_semaphore, #tpu.memory_space<semaphore_mem>>) attributes {dimension_semantics = [#tpu.dimension_semantics<core_parallel>, #tpu.dimension_semantics<subcore_parallel>], iteration_bounds = array<i64: 2, 16>, scalar_prefetch = 0 : i64, scratch_operands = 13 : i64, tpu.core_type = #tpu.core_type<sc_vector_subcore>, window_params = [{transform_indices = #map}, {transform_indices = #map1}, {transform_indices = #map2}, {transform_indices = #map}]} {
    %mul3A = arith.constant 2 : i32
    %mul3A_0 = arith.muli %arg1, %mul3A : i32
    %add3A = arith.addi %mul3A_0, %arg0 : i32
    %mul3A_1 = arith.constant 128 : i32
    %mul3A_2 = arith.muli %add3A, %mul3A_1 : i32
    %mul3A_3 = arith.constant 1024 : i32
    %mul3A_4 = arith.muli %add3A, %mul3A_3 : i32
    "tpu.region"() ({
      %run_scoped3A = tpu.sem_alloc : memref<!tpu.dma_semaphore, #tpu.memory_space<semaphore_mem>>
      %dma_start3A_123 = tpu.memref_slice %arg3[%mul3A_4] : memref<32768xi32, #tpu.memory_space<hbm>> -> memref<1024xi32, #tpu.memory_space<hbm>>
      %dma_start3A_124 = tpu.memref_slice %arg3[%mul3A_4] : memref<32768xi32, #tpu.memory_space<hbm>> -> memref<1024xi32, #tpu.memory_space<hbm>>
      tpu.enqueue_dma source(%dma_start3A_124 : memref<1024xi32, #tpu.memory_space<hbm>>) target(%arg6 : memref<1024xi32, #tpu.memory_space<vmem>>) target_semaphore(%run_scoped3A : memref<!tpu.dma_semaphore, #tpu.memory_space<semaphore_mem>>)
      %dma_wait3A_125 = tpu.memref_slice %arg3[%mul3A_4] : memref<32768xi32, #tpu.memory_space<hbm>> -> memref<1024xi32, #tpu.memory_space<hbm>>
      %dma_wait3A_126 = tpu.memref_slice %arg3[%mul3A_4] : memref<32768xi32, #tpu.memory_space<hbm>> -> memref<1024xi32, #tpu.memory_space<hbm>>
      tpu.wait_dma2 semaphore(%run_scoped3A : memref<!tpu.dma_semaphore, #tpu.memory_space<semaphore_mem>>) src(%dma_wait3A_126 : memref<1024xi32, #tpu.memory_space<hbm>>) dst(%arg6 : memref<1024xi32, #tpu.memory_space<vmem>>)
      tpu.yield
    }) : () -> ()
    %dma_start3A = arith.constant 0 : i32
    %dma_start3A_5 = arith.constant 0 : i32
    %dma_start3A_6 = arith.constant 0 : i32
    %dma_start3A_7 = arith.constant 0 : i32
    %dma_start3A_8 = tpu.memref_slice %arg7[%dma_start3A_5, %dma_start3A_6, %dma_start3A_7] : memref<2x8x16xi32, #tpu.memory_space<vmem>> -> memref<1x8x16xi32, #tpu.memory_space<vmem>>
    %dma_start3A_9 = tpu.memref_squeeze %dma_start3A_8 : memref<1x8x16xi32, #tpu.memory_space<vmem>> -> memref<8x16xi32, #tpu.memory_space<vmem>>
    %dma_start3A_10 = arith.constant 0 : i32
    %dma_start3A_11 = arith.constant 0 : i32
    %dma_start3A_12 = tpu.memref_slice %arg4[%add3A, %dma_start3A, %dma_start3A_10, %dma_start3A_11] : memref<32x128x8x16xi32, #tpu.memory_space<hbm>> -> memref<1x1x8x16xi32, #tpu.memory_space<hbm>>
    %dma_start3A_13 = tpu.memref_squeeze %dma_start3A_12 : memref<1x1x8x16xi32, #tpu.memory_space<hbm>> -> memref<8x16xi32, #tpu.memory_space<hbm>>
    %dma_start3A_14 = arith.constant 0 : i32
    %dma_start3A_15 = arith.constant 0 : i32
    %dma_start3A_16 = tpu.memref_slice %arg7[%dma_start3A_5, %dma_start3A_14, %dma_start3A_15] : memref<2x8x16xi32, #tpu.memory_space<vmem>> -> memref<1x8x16xi32, #tpu.memory_space<vmem>>
    %dma_start3A_17 = tpu.memref_squeeze %dma_start3A_16 : memref<1x8x16xi32, #tpu.memory_space<vmem>> -> memref<8x16xi32, #tpu.memory_space<vmem>>
    %dma_start3A_18 = arith.constant 0 : i32
    %dma_start3A_19 = arith.constant 0 : i32
    %dma_start3A_20 = tpu.memref_slice %arg4[%add3A, %dma_start3A, %dma_start3A_18, %dma_start3A_19] : memref<32x128x8x16xi32, #tpu.memory_space<hbm>> -> memref<1x1x8x16xi32, #tpu.memory_space<hbm>>
    %dma_start3A_21 = tpu.memref_squeeze %dma_start3A_20 : memref<1x1x8x16xi32, #tpu.memory_space<hbm>> -> memref<8x16xi32, #tpu.memory_space<hbm>>
    tpu.enqueue_dma source(%dma_start3A_21 : memref<8x16xi32, #tpu.memory_space<hbm>>) target(%dma_start3A_17 : memref<8x16xi32, #tpu.memory_space<vmem>>) target_semaphore(%arg17 : memref<!tpu.dma_semaphore, #tpu.memory_space<semaphore_mem>>)
    %dma_start3A_22 = arith.constant 1 : i32
    %dma_start3A_23 = arith.constant 1 : i32
    %dma_start3A_24 = arith.constant 0 : i32
    %dma_start3A_25 = arith.constant 0 : i32
    %dma_start3A_26 = tpu.memref_slice %arg7[%dma_start3A_23, %dma_start3A_24, %dma_start3A_25] : memref<2x8x16xi32, #tpu.memory_space<vmem>> -> memref<1x8x16xi32, #tpu.memory_space<vmem>>
    %dma_start3A_27 = tpu.memref_squeeze %dma_start3A_26 : memref<1x8x16xi32, #tpu.memory_space<vmem>> -> memref<8x16xi32, #tpu.memory_space<vmem>>
    %dma_start3A_28 = arith.constant 0 : i32
    %dma_start3A_29 = arith.constant 0 : i32
    %dma_start3A_30 = tpu.memref_slice %arg4[%add3A, %dma_start3A_22, %dma_start3A_28, %dma_start3A_29] : memref<32x128x8x16xi32, #tpu.memory_space<hbm>> -> memref<1x1x8x16xi32, #tpu.memory_space<hbm>>
    %dma_start3A_31 = tpu.memref_squeeze %dma_start3A_30 : memref<1x1x8x16xi32, #tpu.memory_space<hbm>> -> memref<8x16xi32, #tpu.memory_space<hbm>>
    %dma_start3A_32 = arith.constant 0 : i32
    %dma_start3A_33 = arith.constant 0 : i32
    %dma_start3A_34 = tpu.memref_slice %arg7[%dma_start3A_23, %dma_start3A_32, %dma_start3A_33] : memref<2x8x16xi32, #tpu.memory_space<vmem>> -> memref<1x8x16xi32, #tpu.memory_space<vmem>>
    %dma_start3A_35 = tpu.memref_squeeze %dma_start3A_34 : memref<1x8x16xi32, #tpu.memory_space<vmem>> -> memref<8x16xi32, #tpu.memory_space<vmem>>
    %dma_start3A_36 = arith.constant 0 : i32
    %dma_start3A_37 = arith.constant 0 : i32
    %dma_start3A_38 = tpu.memref_slice %arg4[%add3A, %dma_start3A_22, %dma_start3A_36, %dma_start3A_37] : memref<32x128x8x16xi32, #tpu.memory_space<hbm>> -> memref<1x1x8x16xi32, #tpu.memory_space<hbm>>
    %dma_start3A_39 = tpu.memref_squeeze %dma_start3A_38 : memref<1x1x8x16xi32, #tpu.memory_space<hbm>> -> memref<8x16xi32, #tpu.memory_space<hbm>>
    tpu.enqueue_dma source(%dma_start3A_39 : memref<8x16xi32, #tpu.memory_space<hbm>>) target(%dma_start3A_35 : memref<8x16xi32, #tpu.memory_space<vmem>>) target_semaphore(%arg18 : memref<!tpu.dma_semaphore, #tpu.memory_space<semaphore_mem>>)
    %dma_start3A_40 = arith.constant 0 : i32
    %dma_start3A_41 = tpu.memref_slice %arg6[%dma_start3A_40] : memref<1024xi32, #tpu.memory_space<vmem>> -> memref<8xi32, #tpu.memory_space<vmem>>
    %dma_start3A_42 = tpu.memref_bitcast %arg2 : memref<32768x4096xbf16, #tpu.memory_space<hbm>> -> memref<16384x4096xi32, #tpu.memory_space<hbm>>
    %dma_start3A_43 = arith.constant 0 : i32
    %dma_start3A_44 = arith.constant 0 : i32
    %dma_start3A_45 = tpu.memref_slice %dma_start3A_42[%dma_start3A_43, %dma_start3A_44] : memref<16384x4096xi32, #tpu.memory_space<hbm>> -> memref<16384x4096xi32, #tpu.memory_space<hbm>>
    tpu.enqueue_indirect_dma source(%dma_start3A_45 : memref<16384x4096xi32, #tpu.memory_space<hbm>>) target(%arg8 : memref<8x4096xi32, #tpu.memory_space<vmem>>) offsets(%dma_start3A_41 : memref<8xi32, #tpu.memory_space<vmem>>) semaphore(%arg13 : memref<!tpu.dma_semaphore, #tpu.memory_space<semaphore_mem>>)
    %dma_start3A_46 = arith.constant 8 : i32
    %dma_start3A_47 = tpu.memref_slice %arg6[%dma_start3A_46] : memref<1024xi32, #tpu.memory_space<vmem>> -> memref<8xi32, #tpu.memory_space<vmem>>
    %dma_start3A_48 = tpu.memref_bitcast %arg2 : memref<32768x4096xbf16, #tpu.memory_space<hbm>> -> memref<16384x4096xi32, #tpu.memory_space<hbm>>
    %dma_start3A_49 = arith.constant 0 : i32
    %dma_start3A_50 = arith.constant 0 : i32
    %dma_start3A_51 = tpu.memref_slice %dma_start3A_48[%dma_start3A_49, %dma_start3A_50] : memref<16384x4096xi32, #tpu.memory_space<hbm>> -> memref<16384x4096xi32, #tpu.memory_space<hbm>>
    tpu.enqueue_indirect_dma source(%dma_start3A_51 : memref<16384x4096xi32, #tpu.memory_space<hbm>>) target(%arg9 : memref<8x4096xi32, #tpu.memory_space<vmem>>) offsets(%dma_start3A_47 : memref<8xi32, #tpu.memory_space<vmem>>) semaphore(%arg14 : memref<!tpu.dma_semaphore, #tpu.memory_space<semaphore_mem>>)
    %scan3A = arith.constant 0 : i32
    %scan3A_52 = arith.constant 32 : i32
    %scan3A_53 = arith.addi %scan3A, %scan3A_52 : i32
    %scan3A_54 = arith.constant 1 : i32
    scf.for %scan3A_123 = %scan3A to %scan3A_53 step %scan3A_54  : i32 {
      %mul3A_124 = arith.constant 4 : i32
      %mul3A_125 = arith.muli %scan3A_123, %mul3A_124 : i32
      %add3A_126 = arith.constant 0 : i32
      %add3A_127 = arith.addi %add3A_126, %mul3A_125 : i32
      %add3A_128 = arith.constant 0 : i32
      %add3A_129 = arith.addi %add3A_127, %add3A_128 : i32
      %add3A_130 = arith.constant 0 : i32
      %add3A_131 = arith.addi %add3A_129, %add3A_130 : i32
      %mul3A_132 = arith.constant 8 : i32
      %mul3A_133 = arith.muli %add3A_131, %mul3A_132 : i32
      %dma_wait3A_134 = tpu.memref_slice %arg6[%mul3A_133] : memref<1024xi32, #tpu.memory_space<vmem>> -> memref<8xi32, #tpu.memory_space<vmem>>
      %dma_wait3A_135 = tpu.memref_bitcast %arg2 : memref<32768x4096xbf16, #tpu.memory_space<hbm>> -> memref<16384x4096xi32, #tpu.memory_space<hbm>>
      %dma_wait3A_136 = arith.constant 0 : i32
      %dma_wait3A_137 = arith.constant 0 : i32
      %dma_wait3A_138 = tpu.memref_slice %dma_wait3A_135[%dma_wait3A_136, %dma_wait3A_137] : memref<16384x4096xi32, #tpu.memory_space<hbm>> -> memref<16384x4096xi32, #tpu.memory_space<hbm>>
      tpu.wait_indirect_dma semaphore(%arg13 : memref<!tpu.dma_semaphore, #tpu.memory_space<semaphore_mem>>) src(%dma_wait3A_138 : memref<16384x4096xi32, #tpu.memory_space<hbm>>) dst(%arg8 : memref<8x4096xi32, #tpu.memory_space<vmem>>)
      %dma_wait3A_139 = arith.constant 0 : i32
      %dma_wait3A_140 = arith.constant 0 : i32
      %dma_wait3A_141 = arith.constant 0 : i32
      %dma_wait3A_142 = tpu.memref_slice %arg7[%dma_wait3A_139, %dma_wait3A_140, %dma_wait3A_141] : memref<2x8x16xi32, #tpu.memory_space<vmem>> -> memref<1x8x16xi32, #tpu.memory_space<vmem>>
      %dma_wait3A_143 = tpu.memref_squeeze %dma_wait3A_142 : memref<1x8x16xi32, #tpu.memory_space<vmem>> -> memref<8x16xi32, #tpu.memory_space<vmem>>
      %dma_wait3A_144 = arith.constant 0 : i32
      %dma_wait3A_145 = arith.constant 0 : i32
      %dma_wait3A_146 = tpu.memref_slice %arg4[%add3A, %add3A_131, %dma_wait3A_144, %dma_wait3A_145] : memref<32x128x8x16xi32, #tpu.memory_space<hbm>> -> memref<1x1x8x16xi32, #tpu.memory_space<hbm>>
      %dma_wait3A_147 = tpu.memref_squeeze %dma_wait3A_146 : memref<1x1x8x16xi32, #tpu.memory_space<hbm>> -> memref<8x16xi32, #tpu.memory_space<hbm>>
      %dma_wait3A_148 = arith.constant 0 : i32
      %dma_wait3A_149 = arith.constant 0 : i32
      %dma_wait3A_150 = tpu.memref_slice %arg7[%dma_wait3A_139, %dma_wait3A_148, %dma_wait3A_149] : memref<2x8x16xi32, #tpu.memory_space<vmem>> -> memref<1x8x16xi32, #tpu.memory_space<vmem>>
      %dma_wait3A_151 = tpu.memref_squeeze %dma_wait3A_150 : memref<1x8x16xi32, #tpu.memory_space<vmem>> -> memref<8x16xi32, #tpu.memory_space<vmem>>
      %dma_wait3A_152 = arith.constant 0 : i32
      %dma_wait3A_153 = arith.constant 0 : i32
      %dma_wait3A_154 = tpu.memref_slice %arg4[%add3A, %add3A_131, %dma_wait3A_152, %dma_wait3A_153] : memref<32x128x8x16xi32, #tpu.memory_space<hbm>> -> memref<1x1x8x16xi32, #tpu.memory_space<hbm>>
      %dma_wait3A_155 = tpu.memref_squeeze %dma_wait3A_154 : memref<1x1x8x16xi32, #tpu.memory_space<hbm>> -> memref<8x16xi32, #tpu.memory_space<hbm>>
      tpu.wait_dma2 semaphore(%arg17 : memref<!tpu.dma_semaphore, #tpu.memory_space<semaphore_mem>>) src(%dma_wait3A_155 : memref<8x16xi32, #tpu.memory_space<hbm>>) dst(%dma_wait3A_151 : memref<8x16xi32, #tpu.memory_space<vmem>>)
      %get3A = arith.constant 0 : i32
      %get3A_156 = arith.constant 0 : i32
      %get3A_157 = arith.index_cast %get3A : i32 to index
      %get3A_158 = arith.index_cast %get3A_156 : i32 to index
      %get3A_159 = arith.constant 0 : index
      %get3A_160 = tpu.vector_load %arg7[%get3A_157, %get3A_158, %get3A_159] {strides = array<i32>} : memref<2x8x16xi32, #tpu.memory_space<vmem>>, vector<16xi32>,
      %bitcast3A = vector.bitcast %get3A_160 : vector<16xi32> to vector<32xbf16>
      %get3A_161 = arith.constant 0 : i32
      %get3A_162 = arith.constant 1 : i32
      %get3A_163 = arith.index_cast %get3A_161 : i32 to index
      %get3A_164 = arith.index_cast %get3A_162 : i32 to index
      %get3A_165 = arith.constant 0 : index
      %get3A_166 = tpu.vector_load %arg7[%get3A_163, %get3A_164, %get3A_165] {strides = array<i32>} : memref<2x8x16xi32, #tpu.memory_space<vmem>>, vector<16xi32>,
      %bitcast3A_167 = vector.bitcast %get3A_166 : vector<16xi32> to vector<32xbf16>
      %get3A_168 = arith.constant 0 : i32
      %get3A_169 = arith.constant 2 : i32
      %get3A_170 = arith.index_cast %get3A_168 : i32 to index
      %get3A_171 = arith.index_cast %get3A_169 : i32 to index
      %get3A_172 = arith.constant 0 : index
      %get3A_173 = tpu.vector_load %arg7[%get3A_170, %get3A_171, %get3A_172] {strides = array<i32>} : memref<2x8x16xi32, #tpu.memory_space<vmem>>, vector<16xi32>,
      %bitcast3A_174 = vector.bitcast %get3A_173 : vector<16xi32> to vector<32xbf16>
      %get3A_175 = arith.constant 0 : i32
      %get3A_176 = arith.constant 3 : i32
      %get3A_177 = arith.index_cast %get3A_175 : i32 to index
      %get3A_178 = arith.index_cast %get3A_176 : i32 to index
      %get3A_179 = arith.constant 0 : index
      %get3A_180 = tpu.vector_load %arg7[%get3A_177, %get3A_178, %get3A_179] {strides = array<i32>} : memref<2x8x16xi32, #tpu.memory_space<vmem>>, vector<16xi32>,
      %bitcast3A_181 = vector.bitcast %get3A_180 : vector<16xi32> to vector<32xbf16>
      %get3A_182 = arith.constant 0 : i32
      %get3A_183 = arith.constant 4 : i32
      %get3A_184 = arith.index_cast %get3A_182 : i32 to index
      %get3A_185 = arith.index_cast %get3A_183 : i32 to index
      %get3A_186 = arith.constant 0 : index
      %get3A_187 = tpu.vector_load %arg7[%get3A_184, %get3A_185, %get3A_186] {strides = array<i32>} : memref<2x8x16xi32, #tpu.memory_space<vmem>>, vector<16xi32>,
      %bitcast3A_188 = vector.bitcast %get3A_187 : vector<16xi32> to vector<32xbf16>
      %get3A_189 = arith.constant 0 : i32
      %get3A_190 = arith.constant 5 : i32
      %get3A_191 = arith.index_cast %get3A_189 : i32 to index
      %get3A_192 = arith.index_cast %get3A_190 : i32 to index
      %get3A_193 = arith.constant 0 : index
      %get3A_194 = tpu.vector_load %arg7[%get3A_191, %get3A_192, %get3A_193] {strides = array<i32>} : memref<2x8x16xi32, #tpu.memory_space<vmem>>, vector<16xi32>,
      %bitcast3A_195 = vector.bitcast %get3A_194 : vector<16xi32> to vector<32xbf16>
      %get3A_196 = arith.constant 0 : i32
      %get3A_197 = arith.constant 6 : i32
      %get3A_198 = arith.index_cast %get3A_196 : i32 to index
      %get3A_199 = arith.index_cast %get3A_197 : i32 to index
      %get3A_200 = arith.constant 0 : index
      %get3A_201 = tpu.vector_load %arg7[%get3A_198, %get3A_199, %get3A_200] {strides = array<i32>} : memref<2x8x16xi32, #tpu.memory_space<vmem>>, vector<16xi32>,
      %bitcast3A_202 = vector.bitcast %get3A_201 : vector<16xi32> to vector<32xbf16>
      %get3A_203 = arith.constant 0 : i32
      %get3A_204 = arith.constant 7 : i32
      %get3A_205 = arith.index_cast %get3A_203 : i32 to index
      %get3A_206 = arith.index_cast %get3A_204 : i32 to index
      %get3A_207 = arith.constant 0 : index
      %get3A_208 = tpu.vector_load %arg7[%get3A_205, %get3A_206, %get3A_207] {strides = array<i32>} : memref<2x8x16xi32, #tpu.memory_space<vmem>>, vector<16xi32>,
      %bitcast3A_209 = vector.bitcast %get3A_208 : vector<16xi32> to vector<32xbf16>
      %parallel_loop3A = arith.constant 0 : i32
      %parallel_loop3A_210 = arith.constant 256 : i32
      %parallel_loop3A_211 = arith.constant 1 : i32
      scf.for %parallel_loop3A_577 = %parallel_loop3A to %parallel_loop3A_210 step %parallel_loop3A_211  : i32 {
        %parallel_loop3A_578 = arith.constant 16 : i32
        %parallel_loop3A_579 = arith.muli %parallel_loop3A_577, %parallel_loop3A_578 : i32
        %parallel_loop3A_580 = tpu.assume_multiple %parallel_loop3A_579, 16 : i32
        %parallel_loop3A_581 = arith.constant 0 : i32
        %parallel_loop3A_582 = arith.index_cast %parallel_loop3A_581 : i32 to index
        %parallel_loop3A_583 = arith.index_cast %parallel_loop3A_580 : i32 to index
        %parallel_loop3A_584 = tpu.vector_load %arg8[%parallel_loop3A_582, %parallel_loop3A_583] {strides = array<i32>} : memref<8x4096xi32, #tpu.memory_space<vmem>>, vector<16xi32>,
        %parallel_loop3A_585 = vector.bitcast %parallel_loop3A_584 : vector<16xi32> to vector<32xbf16>
        %parallel_loop3A_586 = arith.mulf %bitcast3A, %parallel_loop3A_585 : vector<32xbf16>
        %parallel_loop3A_587 = arith.constant 1 : i32
        %parallel_loop3A_588 = arith.index_cast %parallel_loop3A_587 : i32 to index
        %parallel_loop3A_589 = arith.index_cast %parallel_loop3A_580 : i32 to index
        %parallel_loop3A_590 = tpu.vector_load %arg8[%parallel_loop3A_588, %parallel_loop3A_589] {strides = array<i32>} : memref<8x4096xi32, #tpu.memory_space<vmem>>, vector<16xi32>,
        %parallel_loop3A_591 = vector.bitcast %parallel_loop3A_590 : vector<16xi32> to vector<32xbf16>
        %parallel_loop3A_592 = arith.mulf %bitcast3A_167, %parallel_loop3A_591 : vector<32xbf16>
        %parallel_loop3A_593 = arith.addf %parallel_loop3A_586, %parallel_loop3A_592 : vector<32xbf16>
        %parallel_loop3A_594 = arith.constant 2 : i32
        %parallel_loop3A_595 = arith.index_cast %parallel_loop3A_594 : i32 to index
        %parallel_loop3A_596 = arith.index_cast %parallel_loop3A_580 : i32 to index
        %parallel_loop3A_597 = tpu.vector_load %arg8[%parallel_loop3A_595, %parallel_loop3A_596] {strides = array<i32>} : memref<8x4096xi32, #tpu.memory_space<vmem>>, vector<16xi32>,
        %parallel_loop3A_598 = vector.bitcast %parallel_loop3A_597 : vector<16xi32> to vector<32xbf16>
        %parallel_loop3A_599 = arith.mulf %bitcast3A_174, %parallel_loop3A_598 : vector<32xbf16>
        %parallel_loop3A_600 = arith.addf %parallel_loop3A_593, %parallel_loop3A_599 : vector<32xbf16>
        %parallel_loop3A_601 = arith.constant 3 : i32
        %parallel_loop3A_602 = arith.index_cast %parallel_loop3A_601 : i32 to index
        %parallel_loop3A_603 = arith.index_cast %parallel_loop3A_580 : i32 to index
        %parallel_loop3A_604 = tpu.vector_load %arg8[%parallel_loop3A_602, %parallel_loop3A_603] {strides = array<i32>} : memref<8x4096xi32, #tpu.memory_space<vmem>>, vector<16xi32>,
        %parallel_loop3A_605 = vector.bitcast %parallel_loop3A_604 : vector<16xi32> to vector<32xbf16>
        %parallel_loop3A_606 = arith.mulf %bitcast3A_181, %parallel_loop3A_605 : vector<32xbf16>
        %parallel_loop3A_607 = arith.addf %parallel_loop3A_600, %parallel_loop3A_606 : vector<32xbf16>
        %parallel_loop3A_608 = arith.constant 4 : i32
        %parallel_loop3A_609 = arith.index_cast %parallel_loop3A_608 : i32 to index
        %parallel_loop3A_610 = arith.index_cast %parallel_loop3A_580 : i32 to index
        %parallel_loop3A_611 = tpu.vector_load %arg8[%parallel_loop3A_609, %parallel_loop3A_610] {strides = array<i32>} : memref<8x4096xi32, #tpu.memory_space<vmem>>, vector<16xi32>,
        %parallel_loop3A_612 = vector.bitcast %parallel_loop3A_611 : vector<16xi32> to vector<32xbf16>
        %parallel_loop3A_613 = arith.mulf %bitcast3A_188, %parallel_loop3A_612 : vector<32xbf16>
        %parallel_loop3A_614 = arith.addf %parallel_loop3A_607, %parallel_loop3A_613 : vector<32xbf16>
        %parallel_loop3A_615 = arith.constant 5 : i32
        %parallel_loop3A_616 = arith.index_cast %parallel_loop3A_615 : i32 to index
        %parallel_loop3A_617 = arith.index_cast %parallel_loop3A_580 : i32 to index
        %parallel_loop3A_618 = tpu.vector_load %arg8[%parallel_loop3A_616, %parallel_loop3A_617] {strides = array<i32>} : memref<8x4096xi32, #tpu.memory_space<vmem>>, vector<16xi32>,
        %parallel_loop3A_619 = vector.bitcast %parallel_loop3A_618 : vector<16xi32> to vector<32xbf16>
        %parallel_loop3A_620 = arith.mulf %bitcast3A_195, %parallel_loop3A_619 : vector<32xbf16>
        %parallel_loop3A_621 = arith.addf %parallel_loop3A_614, %parallel_loop3A_620 : vector<32xbf16>
        %parallel_loop3A_622 = arith.constant 6 : i32
        %parallel_loop3A_623 = arith.index_cast %parallel_loop3A_622 : i32 to index
        %parallel_loop3A_624 = arith.index_cast %parallel_loop3A_580 : i32 to index
        %parallel_loop3A_625 = tpu.vector_load %arg8[%parallel_loop3A_623, %parallel_loop3A_624] {strides = array<i32>} : memref<8x4096xi32, #tpu.memory_space<vmem>>, vector<16xi32>,
        %parallel_loop3A_626 = vector.bitcast %parallel_loop3A_625 : vector<16xi32> to vector<32xbf16>
        %parallel_loop3A_627 = arith.mulf %bitcast3A_202, %parallel_loop3A_626 : vector<32xbf16>
        %parallel_loop3A_628 = arith.addf %parallel_loop3A_621, %parallel_loop3A_627 : vector<32xbf16>
        %parallel_loop3A_629 = arith.constant 7 : i32
        %parallel_loop3A_630 = arith.index_cast %parallel_loop3A_629 : i32 to index
        %parallel_loop3A_631 = arith.index_cast %parallel_loop3A_580 : i32 to index
        %parallel_loop3A_632 = tpu.vector_load %arg8[%parallel_loop3A_630, %parallel_loop3A_631] {strides = array<i32>} : memref<8x4096xi32, #tpu.memory_space<vmem>>, vector<16xi32>,
        %parallel_loop3A_633 = vector.bitcast %parallel_loop3A_632 : vector<16xi32> to vector<32xbf16>
        %parallel_loop3A_634 = arith.mulf %bitcast3A_209, %parallel_loop3A_633 : vector<32xbf16>
        %parallel_loop3A_635 = arith.addf %parallel_loop3A_628, %parallel_loop3A_634 : vector<32xbf16>
        %parallel_loop3A_636 = vector.bitcast %parallel_loop3A_635 : vector<32xbf16> to vector<16xi32>
        %parallel_loop3A_637 = arith.index_cast %parallel_loop3A_580 : i32 to index
        %parallel_loop3A_638 = tpu.vector_load %arg12[%parallel_loop3A_637] {strides = array<i32>} : memref<4096xi32, #tpu.memory_space<vmem>>, vector<16xi32>,
        tpu.vector_store %arg12[%parallel_loop3A_637], %parallel_loop3A_636 {strides = array<i32>} : memref<4096xi32, #tpu.memory_space<vmem>>, vector<16xi32>,
      } {sc.loop_unroll_factor = 4 : i64, sc.parallel_access}
      %add3A_212 = arith.constant 2 : i32
      %add3A_213 = arith.addi %add3A_131, %add3A_212 : i32
      %lt3A = arith.constant 128 : i32
      %lt3A_214 = arith.cmpi slt, %add3A_213, %lt3A : i32
      %convert_element_type3A = arith.extui %lt3A_214 : i1 to i32
      %cond3A = arith.constant 0 : i32
      %cond3A_215 = arith.cmpi ne, %convert_element_type3A, %cond3A : i32
      scf.if %cond3A_215 {
        %add3A_577 = arith.constant 2 : i32
        %add3A_578 = arith.addi %add3A_131, %add3A_577 : i32
        %mul3A_579 = arith.constant 8 : i32
        %mul3A_580 = arith.muli %add3A_578, %mul3A_579 : i32
        %dma_start3A_581 = tpu.memref_slice %arg6[%mul3A_580] : memref<1024xi32, #tpu.memory_space<vmem>> -> memref<8xi32, #tpu.memory_space<vmem>>
        %dma_start3A_582 = tpu.memref_bitcast %arg2 : memref<32768x4096xbf16, #tpu.memory_space<hbm>> -> memref<16384x4096xi32, #tpu.memory_space<hbm>>
        %dma_start3A_583 = arith.constant 0 : i32
        %dma_start3A_584 = arith.constant 0 : i32
        %dma_start3A_585 = tpu.memref_slice %dma_start3A_582[%dma_start3A_583, %dma_start3A_584] : memref<16384x4096xi32, #tpu.memory_space<hbm>> -> memref<16384x4096xi32, #tpu.memory_space<hbm>>
        tpu.enqueue_indirect_dma source(%dma_start3A_585 : memref<16384x4096xi32, #tpu.memory_space<hbm>>) target(%arg8 : memref<8x4096xi32, #tpu.memory_space<vmem>>) offsets(%dma_start3A_581 : memref<8xi32, #tpu.memory_space<vmem>>) semaphore(%arg13 : memref<!tpu.dma_semaphore, #tpu.memory_space<semaphore_mem>>)
        %add3A_586 = arith.constant 2 : i32
        %add3A_587 = arith.addi %add3A_131, %add3A_586 : i32
        %dma_start3A_588 = arith.constant 0 : i32
        %dma_start3A_589 = arith.constant 0 : i32
        %dma_start3A_590 = arith.constant 0 : i32
        %dma_start3A_591 = tpu.memref_slice %arg7[%dma_start3A_588, %dma_start3A_589, %dma_start3A_590] : memref<2x8x16xi32, #tpu.memory_space<vmem>> -> memref<1x8x16xi32, #tpu.memory_space<vmem>>
        %dma_start3A_592 = tpu.memref_squeeze %dma_start3A_591 : memref<1x8x16xi32, #tpu.memory_space<vmem>> -> memref<8x16xi32, #tpu.memory_space<vmem>>
        %dma_start3A_593 = arith.constant 0 : i32
        %dma_start3A_594 = arith.constant 0 : i32
        %dma_start3A_595 = tpu.memref_slice %arg4[%add3A, %add3A_587, %dma_start3A_593, %dma_start3A_594] : memref<32x128x8x16xi32, #tpu.memory_space<hbm>> -> memref<1x1x8x16xi32, #tpu.memory_space<hbm>>
        %dma_start3A_596 = tpu.memref_squeeze %dma_start3A_595 : memref<1x1x8x16xi32, #tpu.memory_space<hbm>> -> memref<8x16xi32, #tpu.memory_space<hbm>>
        %dma_start3A_597 = arith.constant 0 : i32
        %dma_start3A_598 = arith.constant 0 : i32
        %dma_start3A_599 = tpu.memref_slice %arg7[%dma_start3A_588, %dma_start3A_597, %dma_start3A_598] : memref<2x8x16xi32, #tpu.memory_space<vmem>> -> memref<1x8x16xi32, #tpu.memory_space<vmem>>
        %dma_start3A_600 = tpu.memref_squeeze %dma_start3A_599 : memref<1x8x16xi32, #tpu.memory_space<vmem>> -> memref<8x16xi32, #tpu.memory_space<vmem>>
        %dma_start3A_601 = arith.constant 0 : i32
        %dma_start3A_602 = arith.constant 0 : i32
        %dma_start3A_603 = tpu.memref_slice %arg4[%add3A, %add3A_587, %dma_start3A_601, %dma_start3A_602] : memref<32x128x8x16xi32, #tpu.memory_space<hbm>> -> memref<1x1x8x16xi32, #tpu.memory_space<hbm>>
        %dma_start3A_604 = tpu.memref_squeeze %dma_start3A_603 : memref<1x1x8x16xi32, #tpu.memory_space<hbm>> -> memref<8x16xi32, #tpu.memory_space<hbm>>
        tpu.enqueue_dma source(%dma_start3A_604 : memref<8x16xi32, #tpu.memory_space<hbm>>) target(%dma_start3A_600 : memref<8x16xi32, #tpu.memory_space<vmem>>) target_semaphore(%arg17 : memref<!tpu.dma_semaphore, #tpu.memory_space<semaphore_mem>>)
      } else {
      }
      %add3A_216 = arith.constant 0 : i32
      %add3A_217 = arith.addi %add3A_127, %add3A_216 : i32
      %add3A_218 = arith.constant 1 : i32
      %add3A_219 = arith.addi %add3A_217, %add3A_218 : i32
      %mul3A_220 = arith.constant 8 : i32
      %mul3A_221 = arith.muli %add3A_219, %mul3A_220 : i32
      %dma_wait3A_222 = tpu.memref_slice %arg6[%mul3A_221] : memref<1024xi32, #tpu.memory_space<vmem>> -> memref<8xi32, #tpu.memory_space<vmem>>
      %dma_wait3A_223 = tpu.memref_bitcast %arg2 : memref<32768x4096xbf16, #tpu.memory_space<hbm>> -> memref<16384x4096xi32, #tpu.memory_space<hbm>>
      %dma_wait3A_224 = arith.constant 0 : i32
      %dma_wait3A_225 = arith.constant 0 : i32
      %dma_wait3A_226 = tpu.memref_slice %dma_wait3A_223[%dma_wait3A_224, %dma_wait3A_225] : memref<16384x4096xi32, #tpu.memory_space<hbm>> -> memref<16384x4096xi32, #tpu.memory_space<hbm>>
      tpu.wait_indirect_dma semaphore(%arg14 : memref<!tpu.dma_semaphore, #tpu.memory_space<semaphore_mem>>) src(%dma_wait3A_226 : memref<16384x4096xi32, #tpu.memory_space<hbm>>) dst(%arg9 : memref<8x4096xi32, #tpu.memory_space<vmem>>)
      %dma_wait3A_227 = arith.constant 1 : i32
      %dma_wait3A_228 = arith.constant 0 : i32
      %dma_wait3A_229 = arith.constant 0 : i32
      %dma_wait3A_230 = tpu.memref_slice %arg7[%dma_wait3A_227, %dma_wait3A_228, %dma_wait3A_229] : memref<2x8x16xi32, #tpu.memory_space<vmem>> -> memref<1x8x16xi32, #tpu.memory_space<vmem>>
      %dma_wait3A_231 = tpu.memref_squeeze %dma_wait3A_230 : memref<1x8x16xi32, #tpu.memory_space<vmem>> -> memref<8x16xi32, #tpu.memory_space<vmem>>
      %dma_wait3A_232 = arith.constant 0 : i32
      %dma_wait3A_233 = arith.constant 0 : i32
      %dma_wait3A_234 = tpu.memref_slice %arg4[%add3A, %add3A_219, %dma_wait3A_232, %dma_wait3A_233] : memref<32x128x8x16xi32, #tpu.memory_space<hbm>> -> memref<1x1x8x16xi32, #tpu.memory_space<hbm>>
      %dma_wait3A_235 = tpu.memref_squeeze %dma_wait3A_234 : memref<1x1x8x16xi32, #tpu.memory_space<hbm>> -> memref<8x16xi32, #tpu.memory_space<hbm>>
      %dma_wait3A_236 = arith.constant 0 : i32
      %dma_wait3A_237 = arith.constant 0 : i32
      %dma_wait3A_238 = tpu.memref_slice %arg7[%dma_wait3A_227, %dma_wait3A_236, %dma_wait3A_237] : memref<2x8x16xi32, #tpu.memory_space<vmem>> -> memref<1x8x16xi32, #tpu.memory_space<vmem>>
      %dma_wait3A_239 = tpu.memref_squeeze %dma_wait3A_238 : memref<1x8x16xi32, #tpu.memory_space<vmem>> -> memref<8x16xi32, #tpu.memory_space<vmem>>
      %dma_wait3A_240 = arith.constant 0 : i32
      %dma_wait3A_241 = arith.constant 0 : i32
      %dma_wait3A_242 = tpu.memref_slice %arg4[%add3A, %add3A_219, %dma_wait3A_240, %dma_wait3A_241] : memref<32x128x8x16xi32, #tpu.memory_space<hbm>> -> memref<1x1x8x16xi32, #tpu.memory_space<hbm>>
      %dma_wait3A_243 = tpu.memref_squeeze %dma_wait3A_242 : memref<1x1x8x16xi32, #tpu.memory_space<hbm>> -> memref<8x16xi32, #tpu.memory_space<hbm>>
      tpu.wait_dma2 semaphore(%arg18 : memref<!tpu.dma_semaphore, #tpu.memory_space<semaphore_mem>>) src(%dma_wait3A_243 : memref<8x16xi32, #tpu.memory_space<hbm>>) dst(%dma_wait3A_239 : memref<8x16xi32, #tpu.memory_space<vmem>>)
      %ge3A = arith.constant 4 : i32
      %ge3A_244 = arith.cmpi sge, %add3A_127, %ge3A : i32
      %convert_element_type3A_245 = arith.extui %ge3A_244 : i1 to i32
      %cond3A_246 = arith.constant 0 : i32
      %cond3A_247 = arith.cmpi ne, %convert_element_type3A_245, %cond3A_246 : i32
      scf.if %cond3A_247 {
        %add3A_577 = arith.addi %mul3A_2, %add3A_219 : i32
        %sub3A_578 = arith.constant 5 : i32
        %sub3A_579 = arith.subi %add3A_577, %sub3A_578 : i32
        %jit3A_580 = arith.constant 2 : i32
        %div3A_581 = arith.divsi %sub3A_579, %jit3A_580 : i32
        %sign3A_582 = arith.constant 0 : i32
        %sign3A_583 = arith.cmpi sgt, %sub3A_579, %sign3A_582 : i32
        %sign3A_584 = arith.extui %sign3A_583 : i1 to i32
        %sign3A_585 = arith.constant 0 : i32
        %sign3A_586 = arith.cmpi slt, %sub3A_579, %sign3A_585 : i32
        %sign3A_587 = arith.extui %sign3A_586 : i1 to i32
        %sign3A_588 = arith.subi %sign3A_584, %sign3A_587 : i32
        %sign3A_589 = arith.constant 0 : i32
        %sign3A_590 = arith.cmpi sgt, %jit3A_580, %sign3A_589 : i32
        %sign3A_591 = arith.extui %sign3A_590 : i1 to i32
        %sign3A_592 = arith.constant 0 : i32
        %sign3A_593 = arith.cmpi slt, %jit3A_580, %sign3A_592 : i32
        %sign3A_594 = arith.extui %sign3A_593 : i1 to i32
        %sign3A_595 = arith.subi %sign3A_591, %sign3A_594 : i32
        %ne3A_596 = arith.cmpi ne, %sign3A_588, %sign3A_595 : i32
        %rem3A_597 = arith.remsi %sub3A_579, %jit3A_580 : i32
        %ne3A_598 = arith.constant 0 : i32
        %ne3A_599 = arith.cmpi ne, %rem3A_597, %ne3A_598 : i32
        %and3A_600 = arith.andi %ne3A_596, %ne3A_599 : i1
        %sub3A_601 = arith.constant 1 : i32
        %sub3A_602 = arith.subi %div3A_581, %sub3A_601 : i32
        %select_n3A_603 = arith.select %and3A_600, %sub3A_602, %div3A_581 : i32
        %dma_wait3A_604 = tpu.memref_bitcast %arg5 : memref<4096x4096xbf16, #tpu.memory_space<hbm>> -> memref<2048x4096xi32, #tpu.memory_space<hbm>>
        %dma_wait3A_605 = arith.constant 0 : i32
        %dma_wait3A_606 = tpu.memref_slice %dma_wait3A_604[%select_n3A_603, %dma_wait3A_605] : memref<2048x4096xi32, #tpu.memory_space<hbm>> -> memref<1x4096xi32, #tpu.memory_space<hbm>>
        %dma_wait3A_607 = tpu.memref_squeeze %dma_wait3A_606 : memref<1x4096xi32, #tpu.memory_space<hbm>> -> memref<4096xi32, #tpu.memory_space<hbm>>
        %dma_wait3A_608 = tpu.memref_bitcast %arg5 : memref<4096x4096xbf16, #tpu.memory_space<hbm>> -> memref<2048x4096xi32, #tpu.memory_space<hbm>>
        %dma_wait3A_609 = arith.constant 0 : i32
        %dma_wait3A_610 = tpu.memref_slice %dma_wait3A_608[%select_n3A_603, %dma_wait3A_609] : memref<2048x4096xi32, #tpu.memory_space<hbm>> -> memref<1x4096xi32, #tpu.memory_space<hbm>>
        %dma_wait3A_611 = tpu.memref_squeeze %dma_wait3A_610 : memref<1x4096xi32, #tpu.memory_space<hbm>> -> memref<4096xi32, #tpu.memory_space<hbm>>
        tpu.wait_dma2 semaphore(%arg15 : memref<!tpu.dma_semaphore, #tpu.memory_space<semaphore_mem>>) src(%arg10 : memref<4096xi32, #tpu.memory_space<vmem>>) dst(%dma_wait3A_611 : memref<4096xi32, #tpu.memory_space<hbm>>)
      } else {
      }
      %get3A_248 = arith.constant 1 : i32
      %get3A_249 = arith.constant 0 : i32
      %get3A_250 = arith.index_cast %get3A_248 : i32 to index
      %get3A_251 = arith.index_cast %get3A_249 : i32 to index
      %get3A_252 = arith.constant 0 : index
      %get3A_253 = tpu.vector_load %arg7[%get3A_250, %get3A_251, %get3A_252] {strides = array<i32>} : memref<2x8x16xi32, #tpu.memory_space<vmem>>, vector<16xi32>,
      %bitcast3A_254 = vector.bitcast %get3A_253 : vector<16xi32> to vector<32xbf16>
      %get3A_255 = arith.constant 1 : i32
      %get3A_256 = arith.constant 1 : i32
      %get3A_257 = arith.index_cast %get3A_255 : i32 to index
      %get3A_258 = arith.index_cast %get3A_256 : i32 to index
      %get3A_259 = arith.constant 0 : index
      %get3A_260 = tpu.vector_load %arg7[%get3A_257, %get3A_258, %get3A_259] {strides = array<i32>} : memref<2x8x16xi32, #tpu.memory_space<vmem>>, vector<16xi32>,
      %bitcast3A_261 = vector.bitcast %get3A_260 : vector<16xi32> to vector<32xbf16>
      %get3A_262 = arith.constant 1 : i32
      %get3A_263 = arith.constant 2 : i32
      %get3A_264 = arith.index_cast %get3A_262 : i32 to index
      %get3A_265 = arith.index_cast %get3A_263 : i32 to index
      %get3A_266 = arith.constant 0 : index
      %get3A_267 = tpu.vector_load %arg7[%get3A_264, %get3A_265, %get3A_266] {strides = array<i32>} : memref<2x8x16xi32, #tpu.memory_space<vmem>>, vector<16xi32>,
      %bitcast3A_268 = vector.bitcast %get3A_267 : vector<16xi32> to vector<32xbf16>
      %get3A_269 = arith.constant 1 : i32
      %get3A_270 = arith.constant 3 : i32
      %get3A_271 = arith.index_cast %get3A_269 : i32 to index
      %get3A_272 = arith.index_cast %get3A_270 : i32 to index
      %get3A_273 = arith.constant 0 : index
      %get3A_274 = tpu.vector_load %arg7[%get3A_271, %get3A_272, %get3A_273] {strides = array<i32>} : memref<2x8x16xi32, #tpu.memory_space<vmem>>, vector<16xi32>,
      %bitcast3A_275 = vector.bitcast %get3A_274 : vector<16xi32> to vector<32xbf16>
      %get3A_276 = arith.constant 1 : i32
      %get3A_277 = arith.constant 4 : i32
      %get3A_278 = arith.index_cast %get3A_276 : i32 to index
      %get3A_279 = arith.index_cast %get3A_277 : i32 to index
      %get3A_280 = arith.constant 0 : index
      %get3A_281 = tpu.vector_load %arg7[%get3A_278, %get3A_279, %get3A_280] {strides = array<i32>} : memref<2x8x16xi32, #tpu.memory_space<vmem>>, vector<16xi32>,
      %bitcast3A_282 = vector.bitcast %get3A_281 : vector<16xi32> to vector<32xbf16>
      %get3A_283 = arith.constant 1 : i32
      %get3A_284 = arith.constant 5 : i32
      %get3A_285 = arith.index_cast %get3A_283 : i32 to index
      %get3A_286 = arith.index_cast %get3A_284 : i32 to index
      %get3A_287 = arith.constant 0 : index
      %get3A_288 = tpu.vector_load %arg7[%get3A_285, %get3A_286, %get3A_287] {strides = array<i32>} : memref<2x8x16xi32, #tpu.memory_space<vmem>>, vector<16xi32>,
      %bitcast3A_289 = vector.bitcast %get3A_288 : vector<16xi32> to vector<32xbf16>
      %get3A_290 = arith.constant 1 : i32
      %get3A_291 = arith.constant 6 : i32
      %get3A_292 = arith.index_cast %get3A_290 : i32 to index
      %get3A_293 = arith.index_cast %get3A_291 : i32 to index
      %get3A_294 = arith.constant 0 : index
      %get3A_295 = tpu.vector_load %arg7[%get3A_292, %get3A_293, %get3A_294] {strides = array<i32>} : memref<2x8x16xi32, #tpu.memory_space<vmem>>, vector<16xi32>,
      %bitcast3A_296 = vector.bitcast %get3A_295 : vector<16xi32> to vector<32xbf16>
      %get3A_297 = arith.constant 1 : i32
      %get3A_298 = arith.constant 7 : i32
      %get3A_299 = arith.index_cast %get3A_297 : i32 to index
      %get3A_300 = arith.index_cast %get3A_298 : i32 to index
      %get3A_301 = arith.constant 0 : index
      %get3A_302 = tpu.vector_load %arg7[%get3A_299, %get3A_300, %get3A_301] {strides = array<i32>} : memref<2x8x16xi32, #tpu.memory_space<vmem>>, vector<16xi32>,
      %bitcast3A_303 = vector.bitcast %get3A_302 : vector<16xi32> to vector<32xbf16>
      %parallel_loop3A_304 = arith.constant 0 : i32
      %parallel_loop3A_305 = arith.constant 256 : i32
      %parallel_loop3A_306 = arith.constant 1 : i32
      scf.for %parallel_loop3A_577 = %parallel_loop3A_304 to %parallel_loop3A_305 step %parallel_loop3A_306  : i32 {
        %parallel_loop3A_578 = arith.constant 16 : i32
        %parallel_loop3A_579 = arith.muli %parallel_loop3A_577, %parallel_loop3A_578 : i32
        %parallel_loop3A_580 = tpu.assume_multiple %parallel_loop3A_579, 16 : i32
        %parallel_loop3A_581 = arith.constant 0 : i32
        %parallel_loop3A_582 = arith.index_cast %parallel_loop3A_581 : i32 to index
        %parallel_loop3A_583 = arith.index_cast %parallel_loop3A_580 : i32 to index
        %parallel_loop3A_584 = tpu.vector_load %arg9[%parallel_loop3A_582, %parallel_loop3A_583] {strides = array<i32>} : memref<8x4096xi32, #tpu.memory_space<vmem>>, vector<16xi32>,
        %parallel_loop3A_585 = vector.bitcast %parallel_loop3A_584 : vector<16xi32> to vector<32xbf16>
        %parallel_loop3A_586 = arith.mulf %bitcast3A_254, %parallel_loop3A_585 : vector<32xbf16>
        %parallel_loop3A_587 = arith.constant 1 : i32
        %parallel_loop3A_588 = arith.index_cast %parallel_loop3A_587 : i32 to index
        %parallel_loop3A_589 = arith.index_cast %parallel_loop3A_580 : i32 to index
        %parallel_loop3A_590 = tpu.vector_load %arg9[%parallel_loop3A_588, %parallel_loop3A_589] {strides = array<i32>} : memref<8x4096xi32, #tpu.memory_space<vmem>>, vector<16xi32>,
        %parallel_loop3A_591 = vector.bitcast %parallel_loop3A_590 : vector<16xi32> to vector<32xbf16>
        %parallel_loop3A_592 = arith.mulf %bitcast3A_261, %parallel_loop3A_591 : vector<32xbf16>
        %parallel_loop3A_593 = arith.addf %parallel_loop3A_586, %parallel_loop3A_592 : vector<32xbf16>
        %parallel_loop3A_594 = arith.constant 2 : i32
        %parallel_loop3A_595 = arith.index_cast %parallel_loop3A_594 : i32 to index
        %parallel_loop3A_596 = arith.index_cast %parallel_loop3A_580 : i32 to index
        %parallel_loop3A_597 = tpu.vector_load %arg9[%parallel_loop3A_595, %parallel_loop3A_596] {strides = array<i32>} : memref<8x4096xi32, #tpu.memory_space<vmem>>, vector<16xi32>,
        %parallel_loop3A_598 = vector.bitcast %parallel_loop3A_597 : vector<16xi32> to vector<32xbf16>
        %parallel_loop3A_599 = arith.mulf %bitcast3A_268, %parallel_loop3A_598 : vector<32xbf16>
        %parallel_loop3A_600 = arith.addf %parallel_loop3A_593, %parallel_loop3A_599 : vector<32xbf16>
        %parallel_loop3A_601 = arith.constant 3 : i32
        %parallel_loop3A_602 = arith.index_cast %parallel_loop3A_601 : i32 to index
        %parallel_loop3A_603 = arith.index_cast %parallel_loop3A_580 : i32 to index
        %parallel_loop3A_604 = tpu.vector_load %arg9[%parallel_loop3A_602, %parallel_loop3A_603] {strides = array<i32>} : memref<8x4096xi32, #tpu.memory_space<vmem>>, vector<16xi32>,
        %parallel_loop3A_605 = vector.bitcast %parallel_loop3A_604 : vector<16xi32> to vector<32xbf16>
        %parallel_loop3A_606 = arith.mulf %bitcast3A_275, %parallel_loop3A_605 : vector<32xbf16>
        %parallel_loop3A_607 = arith.addf %parallel_loop3A_600, %parallel_loop3A_606 : vector<32xbf16>
        %parallel_loop3A_608 = arith.constant 4 : i32
        %parallel_loop3A_609 = arith.index_cast %parallel_loop3A_608 : i32 to index
        %parallel_loop3A_610 = arith.index_cast %parallel_loop3A_580 : i32 to index
        %parallel_loop3A_611 = tpu.vector_load %arg9[%parallel_loop3A_609, %parallel_loop3A_610] {strides = array<i32>} : memref<8x4096xi32, #tpu.memory_space<vmem>>, vector<16xi32>,
        %parallel_loop3A_612 = vector.bitcast %parallel_loop3A_611 : vector<16xi32> to vector<32xbf16>
        %parallel_loop3A_613 = arith.mulf %bitcast3A_282, %parallel_loop3A_612 : vector<32xbf16>
        %parallel_loop3A_614 = arith.addf %parallel_loop3A_607, %parallel_loop3A_613 : vector<32xbf16>
        %parallel_loop3A_615 = arith.constant 5 : i32
        %parallel_loop3A_616 = arith.index_cast %parallel_loop3A_615 : i32 to index
        %parallel_loop3A_617 = arith.index_cast %parallel_loop3A_580 : i32 to index
        %parallel_loop3A_618 = tpu.vector_load %arg9[%parallel_loop3A_616, %parallel_loop3A_617] {strides = array<i32>} : memref<8x4096xi32, #tpu.memory_space<vmem>>, vector<16xi32>,
        %parallel_loop3A_619 = vector.bitcast %parallel_loop3A_618 : vector<16xi32> to vector<32xbf16>
        %parallel_loop3A_620 = arith.mulf %bitcast3A_289, %parallel_loop3A_619 : vector<32xbf16>
        %parallel_loop3A_621 = arith.addf %parallel_loop3A_614, %parallel_loop3A_620 : vector<32xbf16>
        %parallel_loop3A_622 = arith.constant 6 : i32
        %parallel_loop3A_623 = arith.index_cast %parallel_loop3A_622 : i32 to index
        %parallel_loop3A_624 = arith.index_cast %parallel_loop3A_580 : i32 to index
        %parallel_loop3A_625 = tpu.vector_load %arg9[%parallel_loop3A_623, %parallel_loop3A_624] {strides = array<i32>} : memref<8x4096xi32, #tpu.memory_space<vmem>>, vector<16xi32>,
        %parallel_loop3A_626 = vector.bitcast %parallel_loop3A_625 : vector<16xi32> to vector<32xbf16>
        %parallel_loop3A_627 = arith.mulf %bitcast3A_296, %parallel_loop3A_626 : vector<32xbf16>
        %parallel_loop3A_628 = arith.addf %parallel_loop3A_621, %parallel_loop3A_627 : vector<32xbf16>
        %parallel_loop3A_629 = arith.constant 7 : i32
        %parallel_loop3A_630 = arith.index_cast %parallel_loop3A_629 : i32 to index
        %parallel_loop3A_631 = arith.index_cast %parallel_loop3A_580 : i32 to index
        %parallel_loop3A_632 = tpu.vector_load %arg9[%parallel_loop3A_630, %parallel_loop3A_631] {strides = array<i32>} : memref<8x4096xi32, #tpu.memory_space<vmem>>, vector<16xi32>,
        %parallel_loop3A_633 = vector.bitcast %parallel_loop3A_632 : vector<16xi32> to vector<32xbf16>
        %parallel_loop3A_634 = arith.mulf %bitcast3A_303, %parallel_loop3A_633 : vector<32xbf16>
        %parallel_loop3A_635 = arith.addf %parallel_loop3A_628, %parallel_loop3A_634 : vector<32xbf16>
        %parallel_loop3A_636 = arith.index_cast %parallel_loop3A_580 : i32 to index
        %parallel_loop3A_637 = tpu.vector_load %arg12[%parallel_loop3A_636] {strides = array<i32>} : memref<4096xi32, #tpu.memory_space<vmem>>, vector<16xi32>,
        %parallel_loop3A_638 = vector.bitcast %parallel_loop3A_637 : vector<16xi32> to vector<32xbf16>
        %parallel_loop3A_639 = tpu.unpack_subelements %parallel_loop3A_638, 0 {pack_format = #tpu.pack_format<interleaved>} : vector<32xbf16> -> vector<16xf32>
        %parallel_loop3A_640 = tpu.unpack_subelements %parallel_loop3A_638, 1 {pack_format = #tpu.pack_format<interleaved>} : vector<32xbf16> -> vector<16xf32>
        %parallel_loop3A_641 = tpu.unpack_subelements %parallel_loop3A_635, 0 {pack_format = #tpu.pack_format<interleaved>} : vector<32xbf16> -> vector<16xf32>
        %parallel_loop3A_642 = tpu.unpack_subelements %parallel_loop3A_635, 1 {pack_format = #tpu.pack_format<interleaved>} : vector<32xbf16> -> vector<16xf32>
        %parallel_loop3A_643 = arith.addf %parallel_loop3A_639, %parallel_loop3A_640 : vector<16xf32>
        %parallel_loop3A_644 = arith.addf %parallel_loop3A_641, %parallel_loop3A_642 : vector<16xf32>
        %parallel_loop3A_645 = tpu.pack_subelements %parallel_loop3A_643, %parallel_loop3A_644 {pack_format = #tpu.pack_format<interleaved>, positions = array<i32: 0, 1>} : vector<16xf32>, vector<16xf32> -> vector<32xbf16>
        %parallel_loop3A_646 = vector.bitcast %parallel_loop3A_645 : vector<32xbf16> to vector<16xi32>
        %parallel_loop3A_647 = arith.index_cast %parallel_loop3A_580 : i32 to index
        %parallel_loop3A_648 = tpu.vector_load %arg10[%parallel_loop3A_647] {strides = array<i32>} : memref<4096xi32, #tpu.memory_space<vmem>>, vector<16xi32>,
        tpu.vector_store %arg10[%parallel_loop3A_647], %parallel_loop3A_646 {strides = array<i32>} : memref<4096xi32, #tpu.memory_space<vmem>>, vector<16xi32>,
      } {sc.loop_unroll_factor = 4 : i64, sc.parallel_access}
      %add3A_307 = arith.addi %mul3A_2, %add3A_219 : i32
      %sub3A_308 = arith.constant 1 : i32
      %sub3A_309 = arith.subi %add3A_307, %sub3A_308 : i32
      %jit3A_310 = arith.constant 2 : i32
      %div3A_311 = arith.divsi %sub3A_309, %jit3A_310 : i32
      %sign3A_312 = arith.constant 0 : i32
      %sign3A_313 = arith.cmpi sgt, %sub3A_309, %sign3A_312 : i32
      %sign3A_314 = arith.extui %sign3A_313 : i1 to i32
      %sign3A_315 = arith.constant 0 : i32
      %sign3A_316 = arith.cmpi slt, %sub3A_309, %sign3A_315 : i32
      %sign3A_317 = arith.extui %sign3A_316 : i1 to i32
      %sign3A_318 = arith.subi %sign3A_314, %sign3A_317 : i32
      %sign3A_319 = arith.constant 0 : i32
      %sign3A_320 = arith.cmpi sgt, %jit3A_310, %sign3A_319 : i32
      %sign3A_321 = arith.extui %sign3A_320 : i1 to i32
      %sign3A_322 = arith.constant 0 : i32
      %sign3A_323 = arith.cmpi slt, %jit3A_310, %sign3A_322 : i32
      %sign3A_324 = arith.extui %sign3A_323 : i1 to i32
      %sign3A_325 = arith.subi %sign3A_321, %sign3A_324 : i32
      %ne3A_326 = arith.cmpi ne, %sign3A_318, %sign3A_325 : i32
      %rem3A_327 = arith.remsi %sub3A_309, %jit3A_310 : i32
      %ne3A_328 = arith.constant 0 : i32
      %ne3A_329 = arith.cmpi ne, %rem3A_327, %ne3A_328 : i32
      %and3A_330 = arith.andi %ne3A_326, %ne3A_329 : i1
      %sub3A_331 = arith.constant 1 : i32
      %sub3A_332 = arith.subi %div3A_311, %sub3A_331 : i32
      %select_n3A_333 = arith.select %and3A_330, %sub3A_332, %div3A_311 : i32
      %dma_start3A_334 = tpu.memref_bitcast %arg5 : memref<4096x4096xbf16, #tpu.memory_space<hbm>> -> memref<2048x4096xi32, #tpu.memory_space<hbm>>
      %dma_start3A_335 = arith.constant 0 : i32
      %dma_start3A_336 = tpu.memref_slice %dma_start3A_334[%select_n3A_333, %dma_start3A_335] : memref<2048x4096xi32, #tpu.memory_space<hbm>> -> memref<1x4096xi32, #tpu.memory_space<hbm>>
      %dma_start3A_337 = tpu.memref_squeeze %dma_start3A_336 : memref<1x4096xi32, #tpu.memory_space<hbm>> -> memref<4096xi32, #tpu.memory_space<hbm>>
      %dma_start3A_338 = tpu.memref_bitcast %arg5 : memref<4096x4096xbf16, #tpu.memory_space<hbm>> -> memref<2048x4096xi32, #tpu.memory_space<hbm>>
      %dma_start3A_339 = arith.constant 0 : i32
      %dma_start3A_340 = tpu.memref_slice %dma_start3A_338[%select_n3A_333, %dma_start3A_339] : memref<2048x4096xi32, #tpu.memory_space<hbm>> -> memref<1x4096xi32, #tpu.memory_space<hbm>>
      %dma_start3A_341 = tpu.memref_squeeze %dma_start3A_340 : memref<1x4096xi32, #tpu.memory_space<hbm>> -> memref<4096xi32, #tpu.memory_space<hbm>>
      tpu.enqueue_dma source(%arg10 : memref<4096xi32, #tpu.memory_space<vmem>>) target(%dma_start3A_341 : memref<4096xi32, #tpu.memory_space<hbm>>) target_semaphore(%arg15 : memref<!tpu.dma_semaphore, #tpu.memory_space<semaphore_mem>>)
      %add3A_342 = arith.constant 2 : i32
      %add3A_343 = arith.addi %add3A_219, %add3A_342 : i32
      %lt3A_344 = arith.constant 128 : i32
      %lt3A_345 = arith.cmpi slt, %add3A_343, %lt3A_344 : i32
      %convert_element_type3A_346 = arith.extui %lt3A_345 : i1 to i32
      %cond3A_347 = arith.constant 0 : i32
      %cond3A_348 = arith.cmpi ne, %convert_element_type3A_346, %cond3A_347 : i32
      scf.if %cond3A_348 {
        %add3A_577 = arith.constant 2 : i32
        %add3A_578 = arith.addi %add3A_219, %add3A_577 : i32
        %mul3A_579 = arith.constant 8 : i32
        %mul3A_580 = arith.muli %add3A_578, %mul3A_579 : i32
        %dma_start3A_581 = tpu.memref_slice %arg6[%mul3A_580] : memref<1024xi32, #tpu.memory_space<vmem>> -> memref<8xi32, #tpu.memory_space<vmem>>
        %dma_start3A_582 = tpu.memref_bitcast %arg2 : memref<32768x4096xbf16, #tpu.memory_space<hbm>> -> memref<16384x4096xi32, #tpu.memory_space<hbm>>
        %dma_start3A_583 = arith.constant 0 : i32
        %dma_start3A_584 = arith.constant 0 : i32
        %dma_start3A_585 = tpu.memref_slice %dma_start3A_582[%dma_start3A_583, %dma_start3A_584] : memref<16384x4096xi32, #tpu.memory_space<hbm>> -> memref<16384x4096xi32, #tpu.memory_space<hbm>>
        tpu.enqueue_indirect_dma source(%dma_start3A_585 : memref<16384x4096xi32, #tpu.memory_space<hbm>>) target(%arg9 : memref<8x4096xi32, #tpu.memory_space<vmem>>) offsets(%dma_start3A_581 : memref<8xi32, #tpu.memory_space<vmem>>) semaphore(%arg14 : memref<!tpu.dma_semaphore, #tpu.memory_space<semaphore_mem>>)
        %add3A_586 = arith.constant 2 : i32
        %add3A_587 = arith.addi %add3A_219, %add3A_586 : i32
        %dma_start3A_588 = arith.constant 1 : i32
        %dma_start3A_589 = arith.constant 0 : i32
        %dma_start3A_590 = arith.constant 0 : i32
        %dma_start3A_591 = tpu.memref_slice %arg7[%dma_start3A_588, %dma_start3A_589, %dma_start3A_590] : memref<2x8x16xi32, #tpu.memory_space<vmem>> -> memref<1x8x16xi32, #tpu.memory_space<vmem>>
        %dma_start3A_592 = tpu.memref_squeeze %dma_start3A_591 : memref<1x8x16xi32, #tpu.memory_space<vmem>> -> memref<8x16xi32, #tpu.memory_space<vmem>>
        %dma_start3A_593 = arith.constant 0 : i32
        %dma_start3A_594 = arith.constant 0 : i32
        %dma_start3A_595 = tpu.memref_slice %arg4[%add3A, %add3A_587, %dma_start3A_593, %dma_start3A_594] : memref<32x128x8x16xi32, #tpu.memory_space<hbm>> -> memref<1x1x8x16xi32, #tpu.memory_space<hbm>>
        %dma_start3A_596 = tpu.memref_squeeze %dma_start3A_595 : memref<1x1x8x16xi32, #tpu.memory_space<hbm>> -> memref<8x16xi32, #tpu.memory_space<hbm>>
        %dma_start3A_597 = arith.constant 0 : i32
        %dma_start3A_598 = arith.constant 0 : i32
        %dma_start3A_599 = tpu.memref_slice %arg7[%dma_start3A_588, %dma_start3A_597, %dma_start3A_598] : memref<2x8x16xi32, #tpu.memory_space<vmem>> -> memref<1x8x16xi32, #tpu.memory_space<vmem>>
        %dma_start3A_600 = tpu.memref_squeeze %dma_start3A_599 : memref<1x8x16xi32, #tpu.memory_space<vmem>> -> memref<8x16xi32, #tpu.memory_space<vmem>>
        %dma_start3A_601 = arith.constant 0 : i32
        %dma_start3A_602 = arith.constant 0 : i32
        %dma_start3A_603 = tpu.memref_slice %arg4[%add3A, %add3A_587, %dma_start3A_601, %dma_start3A_602] : memref<32x128x8x16xi32, #tpu.memory_space<hbm>> -> memref<1x1x8x16xi32, #tpu.memory_space<hbm>>
        %dma_start3A_604 = tpu.memref_squeeze %dma_start3A_603 : memref<1x1x8x16xi32, #tpu.memory_space<hbm>> -> memref<8x16xi32, #tpu.memory_space<hbm>>
        tpu.enqueue_dma source(%dma_start3A_604 : memref<8x16xi32, #tpu.memory_space<hbm>>) target(%dma_start3A_600 : memref<8x16xi32, #tpu.memory_space<vmem>>) target_semaphore(%arg18 : memref<!tpu.dma_semaphore, #tpu.memory_space<semaphore_mem>>)
      } else {
      }
      %add3A_349 = arith.constant 2 : i32
      %add3A_350 = arith.addi %add3A_127, %add3A_349 : i32
      %add3A_351 = arith.constant 0 : i32
      %add3A_352 = arith.addi %add3A_350, %add3A_351 : i32
      %mul3A_353 = arith.constant 8 : i32
      %mul3A_354 = arith.muli %add3A_352, %mul3A_353 : i32
      %dma_wait3A_355 = tpu.memref_slice %arg6[%mul3A_354] : memref<1024xi32, #tpu.memory_space<vmem>> -> memref<8xi32, #tpu.memory_space<vmem>>
      %dma_wait3A_356 = tpu.memref_bitcast %arg2 : memref<32768x4096xbf16, #tpu.memory_space<hbm>> -> memref<16384x4096xi32, #tpu.memory_space<hbm>>
      %dma_wait3A_357 = arith.constant 0 : i32
      %dma_wait3A_358 = arith.constant 0 : i32
      %dma_wait3A_359 = tpu.memref_slice %dma_wait3A_356[%dma_wait3A_357, %dma_wait3A_358] : memref<16384x4096xi32, #tpu.memory_space<hbm>> -> memref<16384x4096xi32, #tpu.memory_space<hbm>>
      tpu.wait_indirect_dma semaphore(%arg13 : memref<!tpu.dma_semaphore, #tpu.memory_space<semaphore_mem>>) src(%dma_wait3A_359 : memref<16384x4096xi32, #tpu.memory_space<hbm>>) dst(%arg8 : memref<8x4096xi32, #tpu.memory_space<vmem>>)
      %dma_wait3A_360 = arith.constant 0 : i32
      %dma_wait3A_361 = arith.constant 0 : i32
      %dma_wait3A_362 = arith.constant 0 : i32
      %dma_wait3A_363 = tpu.memref_slice %arg7[%dma_wait3A_360, %dma_wait3A_361, %dma_wait3A_362] : memref<2x8x16xi32, #tpu.memory_space<vmem>> -> memref<1x8x16xi32, #tpu.memory_space<vmem>>
      %dma_wait3A_364 = tpu.memref_squeeze %dma_wait3A_363 : memref<1x8x16xi32, #tpu.memory_space<vmem>> -> memref<8x16xi32, #tpu.memory_space<vmem>>
      %dma_wait3A_365 = arith.constant 0 : i32
      %dma_wait3A_366 = arith.constant 0 : i32
      %dma_wait3A_367 = tpu.memref_slice %arg4[%add3A, %add3A_352, %dma_wait3A_365, %dma_wait3A_366] : memref<32x128x8x16xi32, #tpu.memory_space<hbm>> -> memref<1x1x8x16xi32, #tpu.memory_space<hbm>>
      %dma_wait3A_368 = tpu.memref_squeeze %dma_wait3A_367 : memref<1x1x8x16xi32, #tpu.memory_space<hbm>> -> memref<8x16xi32, #tpu.memory_space<hbm>>
      %dma_wait3A_369 = arith.constant 0 : i32
      %dma_wait3A_370 = arith.constant 0 : i32
      %dma_wait3A_371 = tpu.memref_slice %arg7[%dma_wait3A_360, %dma_wait3A_369, %dma_wait3A_370] : memref<2x8x16xi32, #tpu.memory_space<vmem>> -> memref<1x8x16xi32, #tpu.memory_space<vmem>>
      %dma_wait3A_372 = tpu.memref_squeeze %dma_wait3A_371 : memref<1x8x16xi32, #tpu.memory_space<vmem>> -> memref<8x16xi32, #tpu.memory_space<vmem>>
      %dma_wait3A_373 = arith.constant 0 : i32
      %dma_wait3A_374 = arith.constant 0 : i32
      %dma_wait3A_375 = tpu.memref_slice %arg4[%add3A, %add3A_352, %dma_wait3A_373, %dma_wait3A_374] : memref<32x128x8x16xi32, #tpu.memory_space<hbm>> -> memref<1x1x8x16xi32, #tpu.memory_space<hbm>>
      %dma_wait3A_376 = tpu.memref_squeeze %dma_wait3A_375 : memref<1x1x8x16xi32, #tpu.memory_space<hbm>> -> memref<8x16xi32, #tpu.memory_space<hbm>>
      tpu.wait_dma2 semaphore(%arg17 : memref<!tpu.dma_semaphore, #tpu.memory_space<semaphore_mem>>) src(%dma_wait3A_376 : memref<8x16xi32, #tpu.memory_space<hbm>>) dst(%dma_wait3A_372 : memref<8x16xi32, #tpu.memory_space<vmem>>)
      %get3A_377 = arith.constant 0 : i32
      %get3A_378 = arith.constant 0 : i32
      %get3A_379 = arith.index_cast %get3A_377 : i32 to index
      %get3A_380 = arith.index_cast %get3A_378 : i32 to index
      %get3A_381 = arith.constant 0 : index
      %get3A_382 = tpu.vector_load %arg7[%get3A_379, %get3A_380, %get3A_381] {strides = array<i32>} : memref<2x8x16xi32, #tpu.memory_space<vmem>>, vector<16xi32>,
      %bitcast3A_383 = vector.bitcast %get3A_382 : vector<16xi32> to vector<32xbf16>
      %get3A_384 = arith.constant 0 : i32
      %get3A_385 = arith.constant 1 : i32
      %get3A_386 = arith.index_cast %get3A_384 : i32 to index
      %get3A_387 = arith.index_cast %get3A_385 : i32 to index
      %get3A_388 = arith.constant 0 : index
      %get3A_389 = tpu.vector_load %arg7[%get3A_386, %get3A_387, %get3A_388] {strides = array<i32>} : memref<2x8x16xi32, #tpu.memory_space<vmem>>, vector<16xi32>,
      %bitcast3A_390 = vector.bitcast %get3A_389 : vector<16xi32> to vector<32xbf16>
      %get3A_391 = arith.constant 0 : i32
      %get3A_392 = arith.constant 2 : i32
      %get3A_393 = arith.index_cast %get3A_391 : i32 to index
      %get3A_394 = arith.index_cast %get3A_392 : i32 to index
      %get3A_395 = arith.constant 0 : index
      %get3A_396 = tpu.vector_load %arg7[%get3A_393, %get3A_394, %get3A_395] {strides = array<i32>} : memref<2x8x16xi32, #tpu.memory_space<vmem>>, vector<16xi32>,
      %bitcast3A_397 = vector.bitcast %get3A_396 : vector<16xi32> to vector<32xbf16>
      %get3A_398 = arith.constant 0 : i32
      %get3A_399 = arith.constant 3 : i32
      %get3A_400 = arith.index_cast %get3A_398 : i32 to index
      %get3A_401 = arith.index_cast %get3A_399 : i32 to index
      %get3A_402 = arith.constant 0 : index
      %get3A_403 = tpu.vector_load %arg7[%get3A_400, %get3A_401, %get3A_402] {strides = array<i32>} : memref<2x8x16xi32, #tpu.memory_space<vmem>>, vector<16xi32>,
      %bitcast3A_404 = vector.bitcast %get3A_403 : vector<16xi32> to vector<32xbf16>
      %get3A_405 = arith.constant 0 : i32
      %get3A_406 = arith.constant 4 : i32
      %get3A_407 = arith.index_cast %get3A_405 : i32 to index
      %get3A_408 = arith.index_cast %get3A_406 : i32 to index
      %get3A_409 = arith.constant 0 : index
      %get3A_410 = tpu.vector_load %arg7[%get3A_407, %get3A_408, %get3A_409] {strides = array<i32>} : memref<2x8x16xi32, #tpu.memory_space<vmem>>, vector<16xi32>,
      %bitcast3A_411 = vector.bitcast %get3A_410 : vector<16xi32> to vector<32xbf16>
      %get3A_412 = arith.constant 0 : i32
      %get3A_413 = arith.constant 5 : i32
      %get3A_414 = arith.index_cast %get3A_412 : i32 to index
      %get3A_415 = arith.index_cast %get3A_413 : i32 to index
      %get3A_416 = arith.constant 0 : index
      %get3A_417 = tpu.vector_load %arg7[%get3A_414, %get3A_415, %get3A_416] {strides = array<i32>} : memref<2x8x16xi32, #tpu.memory_space<vmem>>, vector<16xi32>,
      %bitcast3A_418 = vector.bitcast %get3A_417 : vector<16xi32> to vector<32xbf16>
      %get3A_419 = arith.constant 0 : i32
      %get3A_420 = arith.constant 6 : i32
      %get3A_421 = arith.index_cast %get3A_419 : i32 to index
      %get3A_422 = arith.index_cast %get3A_420 : i32 to index
      %get3A_423 = arith.constant 0 : index
      %get3A_424 = tpu.vector_load %arg7[%get3A_421, %get3A_422, %get3A_423] {strides = array<i32>} : memref<2x8x16xi32, #tpu.memory_space<vmem>>, vector<16xi32>,
      %bitcast3A_425 = vector.bitcast %get3A_424 : vector<16xi32> to vector<32xbf16>
      %get3A_426 = arith.constant 0 : i32
      %get3A_427 = arith.constant 7 : i32
      %get3A_428 = arith.index_cast %get3A_426 : i32 to index
      %get3A_429 = arith.index_cast %get3A_427 : i32 to index
      %get3A_430 = arith.constant 0 : index
      %get3A_431 = tpu.vector_load %arg7[%get3A_428, %get3A_429, %get3A_430] {strides = array<i32>} : memref<2x8x16xi32, #tpu.memory_space<vmem>>, vector<16xi32>,
      %bitcast3A_432 = vector.bitcast %get3A_431 : vector<16xi32> to vector<32xbf16>
      %parallel_loop3A_433 = arith.constant 0 : i32
      %parallel_loop3A_434 = arith.constant 256 : i32
      %parallel_loop3A_435 = arith.constant 1 : i32
      scf.for %parallel_loop3A_577 = %parallel_loop3A_433 to %parallel_loop3A_434 step %parallel_loop3A_435  : i32 {
        %parallel_loop3A_578 = arith.constant 16 : i32
        %parallel_loop3A_579 = arith.muli %parallel_loop3A_577, %parallel_loop3A_578 : i32
        %parallel_loop3A_580 = tpu.assume_multiple %parallel_loop3A_579, 16 : i32
        %parallel_loop3A_581 = arith.constant 0 : i32
        %parallel_loop3A_582 = arith.index_cast %parallel_loop3A_581 : i32 to index
        %parallel_loop3A_583 = arith.index_cast %parallel_loop3A_580 : i32 to index
        %parallel_loop3A_584 = tpu.vector_load %arg8[%parallel_loop3A_582, %parallel_loop3A_583] {strides = array<i32>} : memref<8x4096xi32, #tpu.memory_space<vmem>>, vector<16xi32>,
        %parallel_loop3A_585 = vector.bitcast %parallel_loop3A_584 : vector<16xi32> to vector<32xbf16>
        %parallel_loop3A_586 = arith.mulf %bitcast3A_383, %parallel_loop3A_585 : vector<32xbf16>
        %parallel_loop3A_587 = arith.constant 1 : i32
        %parallel_loop3A_588 = arith.index_cast %parallel_loop3A_587 : i32 to index
        %parallel_loop3A_589 = arith.index_cast %parallel_loop3A_580 : i32 to index
        %parallel_loop3A_590 = tpu.vector_load %arg8[%parallel_loop3A_588, %parallel_loop3A_589] {strides = array<i32>} : memref<8x4096xi32, #tpu.memory_space<vmem>>, vector<16xi32>,
        %parallel_loop3A_591 = vector.bitcast %parallel_loop3A_590 : vector<16xi32> to vector<32xbf16>
        %parallel_loop3A_592 = arith.mulf %bitcast3A_390, %parallel_loop3A_591 : vector<32xbf16>
        %parallel_loop3A_593 = arith.addf %parallel_loop3A_586, %parallel_loop3A_592 : vector<32xbf16>
        %parallel_loop3A_594 = arith.constant 2 : i32
        %parallel_loop3A_595 = arith.index_cast %parallel_loop3A_594 : i32 to index
        %parallel_loop3A_596 = arith.index_cast %parallel_loop3A_580 : i32 to index
        %parallel_loop3A_597 = tpu.vector_load %arg8[%parallel_loop3A_595, %parallel_loop3A_596] {strides = array<i32>} : memref<8x4096xi32, #tpu.memory_space<vmem>>, vector<16xi32>,
        %parallel_loop3A_598 = vector.bitcast %parallel_loop3A_597 : vector<16xi32> to vector<32xbf16>
        %parallel_loop3A_599 = arith.mulf %bitcast3A_397, %parallel_loop3A_598 : vector<32xbf16>
        %parallel_loop3A_600 = arith.addf %parallel_loop3A_593, %parallel_loop3A_599 : vector<32xbf16>
        %parallel_loop3A_601 = arith.constant 3 : i32
        %parallel_loop3A_602 = arith.index_cast %parallel_loop3A_601 : i32 to index
        %parallel_loop3A_603 = arith.index_cast %parallel_loop3A_580 : i32 to index
        %parallel_loop3A_604 = tpu.vector_load %arg8[%parallel_loop3A_602, %parallel_loop3A_603] {strides = array<i32>} : memref<8x4096xi32, #tpu.memory_space<vmem>>, vector<16xi32>,
        %parallel_loop3A_605 = vector.bitcast %parallel_loop3A_604 : vector<16xi32> to vector<32xbf16>
        %parallel_loop3A_606 = arith.mulf %bitcast3A_404, %parallel_loop3A_605 : vector<32xbf16>
        %parallel_loop3A_607 = arith.addf %parallel_loop3A_600, %parallel_loop3A_606 : vector<32xbf16>
        %parallel_loop3A_608 = arith.constant 4 : i32
        %parallel_loop3A_609 = arith.index_cast %parallel_loop3A_608 : i32 to index
        %parallel_loop3A_610 = arith.index_cast %parallel_loop3A_580 : i32 to index
        %parallel_loop3A_611 = tpu.vector_load %arg8[%parallel_loop3A_609, %parallel_loop3A_610] {strides = array<i32>} : memref<8x4096xi32, #tpu.memory_space<vmem>>, vector<16xi32>,
        %parallel_loop3A_612 = vector.bitcast %parallel_loop3A_611 : vector<16xi32> to vector<32xbf16>
        %parallel_loop3A_613 = arith.mulf %bitcast3A_411, %parallel_loop3A_612 : vector<32xbf16>
        %parallel_loop3A_614 = arith.addf %parallel_loop3A_607, %parallel_loop3A_613 : vector<32xbf16>
        %parallel_loop3A_615 = arith.constant 5 : i32
        %parallel_loop3A_616 = arith.index_cast %parallel_loop3A_615 : i32 to index
        %parallel_loop3A_617 = arith.index_cast %parallel_loop3A_580 : i32 to index
        %parallel_loop3A_618 = tpu.vector_load %arg8[%parallel_loop3A_616, %parallel_loop3A_617] {strides = array<i32>} : memref<8x4096xi32, #tpu.memory_space<vmem>>, vector<16xi32>,
        %parallel_loop3A_619 = vector.bitcast %parallel_loop3A_618 : vector<16xi32> to vector<32xbf16>
        %parallel_loop3A_620 = arith.mulf %bitcast3A_418, %parallel_loop3A_619 : vector<32xbf16>
        %parallel_loop3A_621 = arith.addf %parallel_loop3A_614, %parallel_loop3A_620 : vector<32xbf16>
        %parallel_loop3A_622 = arith.constant 6 : i32
        %parallel_loop3A_623 = arith.index_cast %parallel_loop3A_622 : i32 to index
        %parallel_loop3A_624 = arith.index_cast %parallel_loop3A_580 : i32 to index
        %parallel_loop3A_625 = tpu.vector_load %arg8[%parallel_loop3A_623, %parallel_loop3A_624] {strides = array<i32>} : memref<8x4096xi32, #tpu.memory_space<vmem>>, vector<16xi32>,
        %parallel_loop3A_626 = vector.bitcast %parallel_loop3A_625 : vector<16xi32> to vector<32xbf16>
        %parallel_loop3A_627 = arith.mulf %bitcast3A_425, %parallel_loop3A_626 : vector<32xbf16>
        %parallel_loop3A_628 = arith.addf %parallel_loop3A_621, %parallel_loop3A_627 : vector<32xbf16>
        %parallel_loop3A_629 = arith.constant 7 : i32
        %parallel_loop3A_630 = arith.index_cast %parallel_loop3A_629 : i32 to index
        %parallel_loop3A_631 = arith.index_cast %parallel_loop3A_580 : i32 to index
        %parallel_loop3A_632 = tpu.vector_load %arg8[%parallel_loop3A_630, %parallel_loop3A_631] {strides = array<i32>} : memref<8x4096xi32, #tpu.memory_space<vmem>>, vector<16xi32>,
        %parallel_loop3A_633 = vector.bitcast %parallel_loop3A_632 : vector<16xi32> to vector<32xbf16>
        %parallel_loop3A_634 = arith.mulf %bitcast3A_432, %parallel_loop3A_633 : vector<32xbf16>
        %parallel_loop3A_635 = arith.addf %parallel_loop3A_628, %parallel_loop3A_634 : vector<32xbf16>
        %parallel_loop3A_636 = vector.bitcast %parallel_loop3A_635 : vector<32xbf16> to vector<16xi32>
        %parallel_loop3A_637 = arith.index_cast %parallel_loop3A_580 : i32 to index
        %parallel_loop3A_638 = tpu.vector_load %arg12[%parallel_loop3A_637] {strides = array<i32>} : memref<4096xi32, #tpu.memory_space<vmem>>, vector<16xi32>,
        tpu.vector_store %arg12[%parallel_loop3A_637], %parallel_loop3A_636 {strides = array<i32>} : memref<4096xi32, #tpu.memory_space<vmem>>, vector<16xi32>,
      } {sc.loop_unroll_factor = 4 : i64, sc.parallel_access}
      %add3A_436 = arith.constant 2 : i32
      %add3A_437 = arith.addi %add3A_352, %add3A_436 : i32
      %lt3A_438 = arith.constant 128 : i32
      %lt3A_439 = arith.cmpi slt, %add3A_437, %lt3A_438 : i32
      %convert_element_type3A_440 = arith.extui %lt3A_439 : i1 to i32
      %cond3A_441 = arith.constant 0 : i32
      %cond3A_442 = arith.cmpi ne, %convert_element_type3A_440, %cond3A_441 : i32
      scf.if %cond3A_442 {
        %add3A_577 = arith.constant 2 : i32
        %add3A_578 = arith.addi %add3A_352, %add3A_577 : i32
        %mul3A_579 = arith.constant 8 : i32
        %mul3A_580 = arith.muli %add3A_578, %mul3A_579 : i32
        %dma_start3A_581 = tpu.memref_slice %arg6[%mul3A_580] : memref<1024xi32, #tpu.memory_space<vmem>> -> memref<8xi32, #tpu.memory_space<vmem>>
        %dma_start3A_582 = tpu.memref_bitcast %arg2 : memref<32768x4096xbf16, #tpu.memory_space<hbm>> -> memref<16384x4096xi32, #tpu.memory_space<hbm>>
        %dma_start3A_583 = arith.constant 0 : i32
        %dma_start3A_584 = arith.constant 0 : i32
        %dma_start3A_585 = tpu.memref_slice %dma_start3A_582[%dma_start3A_583, %dma_start3A_584] : memref<16384x4096xi32, #tpu.memory_space<hbm>> -> memref<16384x4096xi32, #tpu.memory_space<hbm>>
        tpu.enqueue_indirect_dma source(%dma_start3A_585 : memref<16384x4096xi32, #tpu.memory_space<hbm>>) target(%arg8 : memref<8x4096xi32, #tpu.memory_space<vmem>>) offsets(%dma_start3A_581 : memref<8xi32, #tpu.memory_space<vmem>>) semaphore(%arg13 : memref<!tpu.dma_semaphore, #tpu.memory_space<semaphore_mem>>)
        %add3A_586 = arith.constant 2 : i32
        %add3A_587 = arith.addi %add3A_352, %add3A_586 : i32
        %dma_start3A_588 = arith.constant 0 : i32
        %dma_start3A_589 = arith.constant 0 : i32
        %dma_start3A_590 = arith.constant 0 : i32
        %dma_start3A_591 = tpu.memref_slice %arg7[%dma_start3A_588, %dma_start3A_589, %dma_start3A_590] : memref<2x8x16xi32, #tpu.memory_space<vmem>> -> memref<1x8x16xi32, #tpu.memory_space<vmem>>
        %dma_start3A_592 = tpu.memref_squeeze %dma_start3A_591 : memref<1x8x16xi32, #tpu.memory_space<vmem>> -> memref<8x16xi32, #tpu.memory_space<vmem>>
        %dma_start3A_593 = arith.constant 0 : i32
        %dma_start3A_594 = arith.constant 0 : i32
        %dma_start3A_595 = tpu.memref_slice %arg4[%add3A, %add3A_587, %dma_start3A_593, %dma_start3A_594] : memref<32x128x8x16xi32, #tpu.memory_space<hbm>> -> memref<1x1x8x16xi32, #tpu.memory_space<hbm>>
        %dma_start3A_596 = tpu.memref_squeeze %dma_start3A_595 : memref<1x1x8x16xi32, #tpu.memory_space<hbm>> -> memref<8x16xi32, #tpu.memory_space<hbm>>
        %dma_start3A_597 = arith.constant 0 : i32
        %dma_start3A_598 = arith.constant 0 : i32
        %dma_start3A_599 = tpu.memref_slice %arg7[%dma_start3A_588, %dma_start3A_597, %dma_start3A_598] : memref<2x8x16xi32, #tpu.memory_space<vmem>> -> memref<1x8x16xi32, #tpu.memory_space<vmem>>
        %dma_start3A_600 = tpu.memref_squeeze %dma_start3A_599 : memref<1x8x16xi32, #tpu.memory_space<vmem>> -> memref<8x16xi32, #tpu.memory_space<vmem>>
        %dma_start3A_601 = arith.constant 0 : i32
        %dma_start3A_602 = arith.constant 0 : i32
        %dma_start3A_603 = tpu.memref_slice %arg4[%add3A, %add3A_587, %dma_start3A_601, %dma_start3A_602] : memref<32x128x8x16xi32, #tpu.memory_space<hbm>> -> memref<1x1x8x16xi32, #tpu.memory_space<hbm>>
        %dma_start3A_604 = tpu.memref_squeeze %dma_start3A_603 : memref<1x1x8x16xi32, #tpu.memory_space<hbm>> -> memref<8x16xi32, #tpu.memory_space<hbm>>
        tpu.enqueue_dma source(%dma_start3A_604 : memref<8x16xi32, #tpu.memory_space<hbm>>) target(%dma_start3A_600 : memref<8x16xi32, #tpu.memory_space<vmem>>) target_semaphore(%arg17 : memref<!tpu.dma_semaphore, #tpu.memory_space<semaphore_mem>>)
      } else {
      }
      %add3A_443 = arith.constant 2 : i32
      %add3A_444 = arith.addi %add3A_127, %add3A_443 : i32
      %add3A_445 = arith.constant 1 : i32
      %add3A_446 = arith.addi %add3A_444, %add3A_445 : i32
      %mul3A_447 = arith.constant 8 : i32
      %mul3A_448 = arith.muli %add3A_446, %mul3A_447 : i32
      %dma_wait3A_449 = tpu.memref_slice %arg6[%mul3A_448] : memref<1024xi32, #tpu.memory_space<vmem>> -> memref<8xi32, #tpu.memory_space<vmem>>
      %dma_wait3A_450 = tpu.memref_bitcast %arg2 : memref<32768x4096xbf16, #tpu.memory_space<hbm>> -> memref<16384x4096xi32, #tpu.memory_space<hbm>>
      %dma_wait3A_451 = arith.constant 0 : i32
      %dma_wait3A_452 = arith.constant 0 : i32
      %dma_wait3A_453 = tpu.memref_slice %dma_wait3A_450[%dma_wait3A_451, %dma_wait3A_452] : memref<16384x4096xi32, #tpu.memory_space<hbm>> -> memref<16384x4096xi32, #tpu.memory_space<hbm>>
      tpu.wait_indirect_dma semaphore(%arg14 : memref<!tpu.dma_semaphore, #tpu.memory_space<semaphore_mem>>) src(%dma_wait3A_453 : memref<16384x4096xi32, #tpu.memory_space<hbm>>) dst(%arg9 : memref<8x4096xi32, #tpu.memory_space<vmem>>)
      %dma_wait3A_454 = arith.constant 1 : i32
      %dma_wait3A_455 = arith.constant 0 : i32
      %dma_wait3A_456 = arith.constant 0 : i32
      %dma_wait3A_457 = tpu.memref_slice %arg7[%dma_wait3A_454, %dma_wait3A_455, %dma_wait3A_456] : memref<2x8x16xi32, #tpu.memory_space<vmem>> -> memref<1x8x16xi32, #tpu.memory_space<vmem>>
      %dma_wait3A_458 = tpu.memref_squeeze %dma_wait3A_457 : memref<1x8x16xi32, #tpu.memory_space<vmem>> -> memref<8x16xi32, #tpu.memory_space<vmem>>
      %dma_wait3A_459 = arith.constant 0 : i32
      %dma_wait3A_460 = arith.constant 0 : i32
      %dma_wait3A_461 = tpu.memref_slice %arg4[%add3A, %add3A_446, %dma_wait3A_459, %dma_wait3A_460] : memref<32x128x8x16xi32, #tpu.memory_space<hbm>> -> memref<1x1x8x16xi32, #tpu.memory_space<hbm>>
      %dma_wait3A_462 = tpu.memref_squeeze %dma_wait3A_461 : memref<1x1x8x16xi32, #tpu.memory_space<hbm>> -> memref<8x16xi32, #tpu.memory_space<hbm>>
      %dma_wait3A_463 = arith.constant 0 : i32
      %dma_wait3A_464 = arith.constant 0 : i32
      %dma_wait3A_465 = tpu.memref_slice %arg7[%dma_wait3A_454, %dma_wait3A_463, %dma_wait3A_464] : memref<2x8x16xi32, #tpu.memory_space<vmem>> -> memref<1x8x16xi32, #tpu.memory_space<vmem>>
      %dma_wait3A_466 = tpu.memref_squeeze %dma_wait3A_465 : memref<1x8x16xi32, #tpu.memory_space<vmem>> -> memref<8x16xi32, #tpu.memory_space<vmem>>
      %dma_wait3A_467 = arith.constant 0 : i32
      %dma_wait3A_468 = arith.constant 0 : i32
      %dma_wait3A_469 = tpu.memref_slice %arg4[%add3A, %add3A_446, %dma_wait3A_467, %dma_wait3A_468] : memref<32x128x8x16xi32, #tpu.memory_space<hbm>> -> memref<1x1x8x16xi32, #tpu.memory_space<hbm>>
      %dma_wait3A_470 = tpu.memref_squeeze %dma_wait3A_469 : memref<1x1x8x16xi32, #tpu.memory_space<hbm>> -> memref<8x16xi32, #tpu.memory_space<hbm>>
      tpu.wait_dma2 semaphore(%arg18 : memref<!tpu.dma_semaphore, #tpu.memory_space<semaphore_mem>>) src(%dma_wait3A_470 : memref<8x16xi32, #tpu.memory_space<hbm>>) dst(%dma_wait3A_466 : memref<8x16xi32, #tpu.memory_space<vmem>>)
      %ge3A_471 = arith.constant 4 : i32
      %ge3A_472 = arith.cmpi sge, %add3A_127, %ge3A_471 : i32
      %convert_element_type3A_473 = arith.extui %ge3A_472 : i1 to i32
      %cond3A_474 = arith.constant 0 : i32
      %cond3A_475 = arith.cmpi ne, %convert_element_type3A_473, %cond3A_474 : i32
      scf.if %cond3A_475 {
        %add3A_577 = arith.addi %mul3A_2, %add3A_446 : i32
        %sub3A_578 = arith.constant 5 : i32
        %sub3A_579 = arith.subi %add3A_577, %sub3A_578 : i32
        %jit3A_580 = arith.constant 2 : i32
        %div3A_581 = arith.divsi %sub3A_579, %jit3A_580 : i32
        %sign3A_582 = arith.constant 0 : i32
        %sign3A_583 = arith.cmpi sgt, %sub3A_579, %sign3A_582 : i32
        %sign3A_584 = arith.extui %sign3A_583 : i1 to i32
        %sign3A_585 = arith.constant 0 : i32
        %sign3A_586 = arith.cmpi slt, %sub3A_579, %sign3A_585 : i32
        %sign3A_587 = arith.extui %sign3A_586 : i1 to i32
        %sign3A_588 = arith.subi %sign3A_584, %sign3A_587 : i32
        %sign3A_589 = arith.constant 0 : i32
        %sign3A_590 = arith.cmpi sgt, %jit3A_580, %sign3A_589 : i32
        %sign3A_591 = arith.extui %sign3A_590 : i1 to i32
        %sign3A_592 = arith.constant 0 : i32
        %sign3A_593 = arith.cmpi slt, %jit3A_580, %sign3A_592 : i32
        %sign3A_594 = arith.extui %sign3A_593 : i1 to i32
        %sign3A_595 = arith.subi %sign3A_591, %sign3A_594 : i32
        %ne3A_596 = arith.cmpi ne, %sign3A_588, %sign3A_595 : i32
        %rem3A_597 = arith.remsi %sub3A_579, %jit3A_580 : i32
        %ne3A_598 = arith.constant 0 : i32
        %ne3A_599 = arith.cmpi ne, %rem3A_597, %ne3A_598 : i32
        %and3A_600 = arith.andi %ne3A_596, %ne3A_599 : i1
        %sub3A_601 = arith.constant 1 : i32
        %sub3A_602 = arith.subi %div3A_581, %sub3A_601 : i32
        %select_n3A_603 = arith.select %and3A_600, %sub3A_602, %div3A_581 : i32
        %dma_wait3A_604 = tpu.memref_bitcast %arg5 : memref<4096x4096xbf16, #tpu.memory_space<hbm>> -> memref<2048x4096xi32, #tpu.memory_space<hbm>>
        %dma_wait3A_605 = arith.constant 0 : i32
        %dma_wait3A_606 = tpu.memref_slice %dma_wait3A_604[%select_n3A_603, %dma_wait3A_605] : memref<2048x4096xi32, #tpu.memory_space<hbm>> -> memref<1x4096xi32, #tpu.memory_space<hbm>>
        %dma_wait3A_607 = tpu.memref_squeeze %dma_wait3A_606 : memref<1x4096xi32, #tpu.memory_space<hbm>> -> memref<4096xi32, #tpu.memory_space<hbm>>
        %dma_wait3A_608 = tpu.memref_bitcast %arg5 : memref<4096x4096xbf16, #tpu.memory_space<hbm>> -> memref<2048x4096xi32, #tpu.memory_space<hbm>>
        %dma_wait3A_609 = arith.constant 0 : i32
        %dma_wait3A_610 = tpu.memref_slice %dma_wait3A_608[%select_n3A_603, %dma_wait3A_609] : memref<2048x4096xi32, #tpu.memory_space<hbm>> -> memref<1x4096xi32, #tpu.memory_space<hbm>>
        %dma_wait3A_611 = tpu.memref_squeeze %dma_wait3A_610 : memref<1x4096xi32, #tpu.memory_space<hbm>> -> memref<4096xi32, #tpu.memory_space<hbm>>
        tpu.wait_dma2 semaphore(%arg16 : memref<!tpu.dma_semaphore, #tpu.memory_space<semaphore_mem>>) src(%arg11 : memref<4096xi32, #tpu.memory_space<vmem>>) dst(%dma_wait3A_611 : memref<4096xi32, #tpu.memory_space<hbm>>)
      } else {
      }
      %get3A_476 = arith.constant 1 : i32
      %get3A_477 = arith.constant 0 : i32
      %get3A_478 = arith.index_cast %get3A_476 : i32 to index
      %get3A_479 = arith.index_cast %get3A_477 : i32 to index
      %get3A_480 = arith.constant 0 : index
      %get3A_481 = tpu.vector_load %arg7[%get3A_478, %get3A_479, %get3A_480] {strides = array<i32>} : memref<2x8x16xi32, #tpu.memory_space<vmem>>, vector<16xi32>,
      %bitcast3A_482 = vector.bitcast %get3A_481 : vector<16xi32> to vector<32xbf16>
      %get3A_483 = arith.constant 1 : i32
      %get3A_484 = arith.constant 1 : i32
      %get3A_485 = arith.index_cast %get3A_483 : i32 to index
      %get3A_486 = arith.index_cast %get3A_484 : i32 to index
      %get3A_487 = arith.constant 0 : index
      %get3A_488 = tpu.vector_load %arg7[%get3A_485, %get3A_486, %get3A_487] {strides = array<i32>} : memref<2x8x16xi32, #tpu.memory_space<vmem>>, vector<16xi32>,
      %bitcast3A_489 = vector.bitcast %get3A_488 : vector<16xi32> to vector<32xbf16>
      %get3A_490 = arith.constant 1 : i32
      %get3A_491 = arith.constant 2 : i32
      %get3A_492 = arith.index_cast %get3A_490 : i32 to index
      %get3A_493 = arith.index_cast %get3A_491 : i32 to index
      %get3A_494 = arith.constant 0 : index
      %get3A_495 = tpu.vector_load %arg7[%get3A_492, %get3A_493, %get3A_494] {strides = array<i32>} : memref<2x8x16xi32, #tpu.memory_space<vmem>>, vector<16xi32>,
      %bitcast3A_496 = vector.bitcast %get3A_495 : vector<16xi32> to vector<32xbf16>
      %get3A_497 = arith.constant 1 : i32
      %get3A_498 = arith.constant 3 : i32
      %get3A_499 = arith.index_cast %get3A_497 : i32 to index
      %get3A_500 = arith.index_cast %get3A_498 : i32 to index
      %get3A_501 = arith.constant 0 : index
      %get3A_502 = tpu.vector_load %arg7[%get3A_499, %get3A_500, %get3A_501] {strides = array<i32>} : memref<2x8x16xi32, #tpu.memory_space<vmem>>, vector<16xi32>,
      %bitcast3A_503 = vector.bitcast %get3A_502 : vector<16xi32> to vector<32xbf16>
      %get3A_504 = arith.constant 1 : i32
      %get3A_505 = arith.constant 4 : i32
      %get3A_506 = arith.index_cast %get3A_504 : i32 to index
      %get3A_507 = arith.index_cast %get3A_505 : i32 to index
      %get3A_508 = arith.constant 0 : index
      %get3A_509 = tpu.vector_load %arg7[%get3A_506, %get3A_507, %get3A_508] {strides = array<i32>} : memref<2x8x16xi32, #tpu.memory_space<vmem>>, vector<16xi32>,
      %bitcast3A_510 = vector.bitcast %get3A_509 : vector<16xi32> to vector<32xbf16>
      %get3A_511 = arith.constant 1 : i32
      %get3A_512 = arith.constant 5 : i32
      %get3A_513 = arith.index_cast %get3A_511 : i32 to index
      %get3A_514 = arith.index_cast %get3A_512 : i32 to index
      %get3A_515 = arith.constant 0 : index
      %get3A_516 = tpu.vector_load %arg7[%get3A_513, %get3A_514, %get3A_515] {strides = array<i32>} : memref<2x8x16xi32, #tpu.memory_space<vmem>>, vector<16xi32>,
      %bitcast3A_517 = vector.bitcast %get3A_516 : vector<16xi32> to vector<32xbf16>
      %get3A_518 = arith.constant 1 : i32
      %get3A_519 = arith.constant 6 : i32
      %get3A_520 = arith.index_cast %get3A_518 : i32 to index
      %get3A_521 = arith.index_cast %get3A_519 : i32 to index
      %get3A_522 = arith.constant 0 : index
      %get3A_523 = tpu.vector_load %arg7[%get3A_520, %get3A_521, %get3A_522] {strides = array<i32>} : memref<2x8x16xi32, #tpu.memory_space<vmem>>, vector<16xi32>,
      %bitcast3A_524 = vector.bitcast %get3A_523 : vector<16xi32> to vector<32xbf16>
      %get3A_525 = arith.constant 1 : i32
      %get3A_526 = arith.constant 7 : i32
      %get3A_527 = arith.index_cast %get3A_525 : i32 to index
      %get3A_528 = arith.index_cast %get3A_526 : i32 to index
      %get3A_529 = arith.constant 0 : index
      %get3A_530 = tpu.vector_load %arg7[%get3A_527, %get3A_528, %get3A_529] {strides = array<i32>} : memref<2x8x16xi32, #tpu.memory_space<vmem>>, vector<16xi32>,
      %bitcast3A_531 = vector.bitcast %get3A_530 : vector<16xi32> to vector<32xbf16>
      %parallel_loop3A_532 = arith.constant 0 : i32
      %parallel_loop3A_533 = arith.constant 256 : i32
      %parallel_loop3A_534 = arith.constant 1 : i32
      scf.for %parallel_loop3A_577 = %parallel_loop3A_532 to %parallel_loop3A_533 step %parallel_loop3A_534  : i32 {
        %parallel_loop3A_578 = arith.constant 16 : i32
        %parallel_loop3A_579 = arith.muli %parallel_loop3A_577, %parallel_loop3A_578 : i32
        %parallel_loop3A_580 = tpu.assume_multiple %parallel_loop3A_579, 16 : i32
        %parallel_loop3A_581 = arith.constant 0 : i32
        %parallel_loop3A_582 = arith.index_cast %parallel_loop3A_581 : i32 to index
        %parallel_loop3A_583 = arith.index_cast %parallel_loop3A_580 : i32 to index
        %parallel_loop3A_584 = tpu.vector_load %arg9[%parallel_loop3A_582, %parallel_loop3A_583] {strides = array<i32>} : memref<8x4096xi32, #tpu.memory_space<vmem>>, vector<16xi32>,
        %parallel_loop3A_585 = vector.bitcast %parallel_loop3A_584 : vector<16xi32> to vector<32xbf16>
        %parallel_loop3A_586 = arith.mulf %bitcast3A_482, %parallel_loop3A_585 : vector<32xbf16>
        %parallel_loop3A_587 = arith.constant 1 : i32
        %parallel_loop3A_588 = arith.index_cast %parallel_loop3A_587 : i32 to index
        %parallel_loop3A_589 = arith.index_cast %parallel_loop3A_580 : i32 to index
        %parallel_loop3A_590 = tpu.vector_load %arg9[%parallel_loop3A_588, %parallel_loop3A_589] {strides = array<i32>} : memref<8x4096xi32, #tpu.memory_space<vmem>>, vector<16xi32>,
        %parallel_loop3A_591 = vector.bitcast %parallel_loop3A_590 : vector<16xi32> to vector<32xbf16>
        %parallel_loop3A_592 = arith.mulf %bitcast3A_489, %parallel_loop3A_591 : vector<32xbf16>
        %parallel_loop3A_593 = arith.addf %parallel_loop3A_586, %parallel_loop3A_592 : vector<32xbf16>
        %parallel_loop3A_594 = arith.constant 2 : i32
        %parallel_loop3A_595 = arith.index_cast %parallel_loop3A_594 : i32 to index
        %parallel_loop3A_596 = arith.index_cast %parallel_loop3A_580 : i32 to index
        %parallel_loop3A_597 = tpu.vector_load %arg9[%parallel_loop3A_595, %parallel_loop3A_596] {strides = array<i32>} : memref<8x4096xi32, #tpu.memory_space<vmem>>, vector<16xi32>,
        %parallel_loop3A_598 = vector.bitcast %parallel_loop3A_597 : vector<16xi32> to vector<32xbf16>
        %parallel_loop3A_599 = arith.mulf %bitcast3A_496, %parallel_loop3A_598 : vector<32xbf16>
        %parallel_loop3A_600 = arith.addf %parallel_loop3A_593, %parallel_loop3A_599 : vector<32xbf16>
        %parallel_loop3A_601 = arith.constant 3 : i32
        %parallel_loop3A_602 = arith.index_cast %parallel_loop3A_601 : i32 to index
        %parallel_loop3A_603 = arith.index_cast %parallel_loop3A_580 : i32 to index
        %parallel_loop3A_604 = tpu.vector_load %arg9[%parallel_loop3A_602, %parallel_loop3A_603] {strides = array<i32>} : memref<8x4096xi32, #tpu.memory_space<vmem>>, vector<16xi32>,
        %parallel_loop3A_605 = vector.bitcast %parallel_loop3A_604 : vector<16xi32> to vector<32xbf16>
        %parallel_loop3A_606 = arith.mulf %bitcast3A_503, %parallel_loop3A_605 : vector<32xbf16>
        %parallel_loop3A_607 = arith.addf %parallel_loop3A_600, %parallel_loop3A_606 : vector<32xbf16>
        %parallel_loop3A_608 = arith.constant 4 : i32
        %parallel_loop3A_609 = arith.index_cast %parallel_loop3A_608 : i32 to index
        %parallel_loop3A_610 = arith.index_cast %parallel_loop3A_580 : i32 to index
        %parallel_loop3A_611 = tpu.vector_load %arg9[%parallel_loop3A_609, %parallel_loop3A_610] {strides = array<i32>} : memref<8x4096xi32, #tpu.memory_space<vmem>>, vector<16xi32>,
        %parallel_loop3A_612 = vector.bitcast %parallel_loop3A_611 : vector<16xi32> to vector<32xbf16>
        %parallel_loop3A_613 = arith.mulf %bitcast3A_510, %parallel_loop3A_612 : vector<32xbf16>
        %parallel_loop3A_614 = arith.addf %parallel_loop3A_607, %parallel_loop3A_613 : vector<32xbf16>
        %parallel_loop3A_615 = arith.constant 5 : i32
        %parallel_loop3A_616 = arith.index_cast %parallel_loop3A_615 : i32 to index
        %parallel_loop3A_617 = arith.index_cast %parallel_loop3A_580 : i32 to index
        %parallel_loop3A_618 = tpu.vector_load %arg9[%parallel_loop3A_616, %parallel_loop3A_617] {strides = array<i32>} : memref<8x4096xi32, #tpu.memory_space<vmem>>, vector<16xi32>,
        %parallel_loop3A_619 = vector.bitcast %parallel_loop3A_618 : vector<16xi32> to vector<32xbf16>
        %parallel_loop3A_620 = arith.mulf %bitcast3A_517, %parallel_loop3A_619 : vector<32xbf16>
        %parallel_loop3A_621 = arith.addf %parallel_loop3A_614, %parallel_loop3A_620 : vector<32xbf16>
        %parallel_loop3A_622 = arith.constant 6 : i32
        %parallel_loop3A_623 = arith.index_cast %parallel_loop3A_622 : i32 to index
        %parallel_loop3A_624 = arith.index_cast %parallel_loop3A_580 : i32 to index
        %parallel_loop3A_625 = tpu.vector_load %arg9[%parallel_loop3A_623, %parallel_loop3A_624] {strides = array<i32>} : memref<8x4096xi32, #tpu.memory_space<vmem>>, vector<16xi32>,
        %parallel_loop3A_626 = vector.bitcast %parallel_loop3A_625 : vector<16xi32> to vector<32xbf16>
        %parallel_loop3A_627 = arith.mulf %bitcast3A_524, %parallel_loop3A_626 : vector<32xbf16>
        %parallel_loop3A_628 = arith.addf %parallel_loop3A_621, %parallel_loop3A_627 : vector<32xbf16>
        %parallel_loop3A_629 = arith.constant 7 : i32
        %parallel_loop3A_630 = arith.index_cast %parallel_loop3A_629 : i32 to index
        %parallel_loop3A_631 = arith.index_cast %parallel_loop3A_580 : i32 to index
        %parallel_loop3A_632 = tpu.vector_load %arg9[%parallel_loop3A_630, %parallel_loop3A_631] {strides = array<i32>} : memref<8x4096xi32, #tpu.memory_space<vmem>>, vector<16xi32>,
        %parallel_loop3A_633 = vector.bitcast %parallel_loop3A_632 : vector<16xi32> to vector<32xbf16>
        %parallel_loop3A_634 = arith.mulf %bitcast3A_531, %parallel_loop3A_633 : vector<32xbf16>
        %parallel_loop3A_635 = arith.addf %parallel_loop3A_628, %parallel_loop3A_634 : vector<32xbf16>
        %parallel_loop3A_636 = arith.index_cast %parallel_loop3A_580 : i32 to index
        %parallel_loop3A_637 = tpu.vector_load %arg12[%parallel_loop3A_636] {strides = array<i32>} : memref<4096xi32, #tpu.memory_space<vmem>>, vector<16xi32>,
        %parallel_loop3A_638 = vector.bitcast %parallel_loop3A_637 : vector<16xi32> to vector<32xbf16>
        %parallel_loop3A_639 = tpu.unpack_subelements %parallel_loop3A_638, 0 {pack_format = #tpu.pack_format<interleaved>} : vector<32xbf16> -> vector<16xf32>
        %parallel_loop3A_640 = tpu.unpack_subelements %parallel_loop3A_638, 1 {pack_format = #tpu.pack_format<interleaved>} : vector<32xbf16> -> vector<16xf32>
        %parallel_loop3A_641 = tpu.unpack_subelements %parallel_loop3A_635, 0 {pack_format = #tpu.pack_format<interleaved>} : vector<32xbf16> -> vector<16xf32>
        %parallel_loop3A_642 = tpu.unpack_subelements %parallel_loop3A_635, 1 {pack_format = #tpu.pack_format<interleaved>} : vector<32xbf16> -> vector<16xf32>
        %parallel_loop3A_643 = arith.addf %parallel_loop3A_639, %parallel_loop3A_640 : vector<16xf32>
        %parallel_loop3A_644 = arith.addf %parallel_loop3A_641, %parallel_loop3A_642 : vector<16xf32>
        %parallel_loop3A_645 = tpu.pack_subelements %parallel_loop3A_643, %parallel_loop3A_644 {pack_format = #tpu.pack_format<interleaved>, positions = array<i32: 0, 1>} : vector<16xf32>, vector<16xf32> -> vector<32xbf16>
        %parallel_loop3A_646 = vector.bitcast %parallel_loop3A_645 : vector<32xbf16> to vector<16xi32>
        %parallel_loop3A_647 = arith.index_cast %parallel_loop3A_580 : i32 to index
        %parallel_loop3A_648 = tpu.vector_load %arg11[%parallel_loop3A_647] {strides = array<i32>} : memref<4096xi32, #tpu.memory_space<vmem>>, vector<16xi32>,
        tpu.vector_store %arg11[%parallel_loop3A_647], %parallel_loop3A_646 {strides = array<i32>} : memref<4096xi32, #tpu.memory_space<vmem>>, vector<16xi32>,
      } {sc.loop_unroll_factor = 4 : i64, sc.parallel_access}
      %add3A_535 = arith.addi %mul3A_2, %add3A_446 : i32
      %sub3A_536 = arith.constant 1 : i32
      %sub3A_537 = arith.subi %add3A_535, %sub3A_536 : i32
      %jit3A_538 = arith.constant 2 : i32
      %div3A_539 = arith.divsi %sub3A_537, %jit3A_538 : i32
      %sign3A_540 = arith.constant 0 : i32
      %sign3A_541 = arith.cmpi sgt, %sub3A_537, %sign3A_540 : i32
      %sign3A_542 = arith.extui %sign3A_541 : i1 to i32
      %sign3A_543 = arith.constant 0 : i32
      %sign3A_544 = arith.cmpi slt, %sub3A_537, %sign3A_543 : i32
      %sign3A_545 = arith.extui %sign3A_544 : i1 to i32
      %sign3A_546 = arith.subi %sign3A_542, %sign3A_545 : i32
      %sign3A_547 = arith.constant 0 : i32
      %sign3A_548 = arith.cmpi sgt, %jit3A_538, %sign3A_547 : i32
      %sign3A_549 = arith.extui %sign3A_548 : i1 to i32
      %sign3A_550 = arith.constant 0 : i32
      %sign3A_551 = arith.cmpi slt, %jit3A_538, %sign3A_550 : i32
      %sign3A_552 = arith.extui %sign3A_551 : i1 to i32
      %sign3A_553 = arith.subi %sign3A_549, %sign3A_552 : i32
      %ne3A_554 = arith.cmpi ne, %sign3A_546, %sign3A_553 : i32
      %rem3A_555 = arith.remsi %sub3A_537, %jit3A_538 : i32
      %ne3A_556 = arith.constant 0 : i32
      %ne3A_557 = arith.cmpi ne, %rem3A_555, %ne3A_556 : i32
      %and3A_558 = arith.andi %ne3A_554, %ne3A_557 : i1
      %sub3A_559 = arith.constant 1 : i32
      %sub3A_560 = arith.subi %div3A_539, %sub3A_559 : i32
      %select_n3A_561 = arith.select %and3A_558, %sub3A_560, %div3A_539 : i32
      %dma_start3A_562 = tpu.memref_bitcast %arg5 : memref<4096x4096xbf16, #tpu.memory_space<hbm>> -> memref<2048x4096xi32, #tpu.memory_space<hbm>>
      %dma_start3A_563 = arith.constant 0 : i32
      %dma_start3A_564 = tpu.memref_slice %dma_start3A_562[%select_n3A_561, %dma_start3A_563] : memref<2048x4096xi32, #tpu.memory_space<hbm>> -> memref<1x4096xi32, #tpu.memory_space<hbm>>
      %dma_start3A_565 = tpu.memref_squeeze %dma_start3A_564 : memref<1x4096xi32, #tpu.memory_space<hbm>> -> memref<4096xi32, #tpu.memory_space<hbm>>
      %dma_start3A_566 = tpu.memref_bitcast %arg5 : memref<4096x4096xbf16, #tpu.memory_space<hbm>> -> memref<2048x4096xi32, #tpu.memory_space<hbm>>
      %dma_start3A_567 = arith.constant 0 : i32
      %dma_start3A_568 = tpu.memref_slice %dma_start3A_566[%select_n3A_561, %dma_start3A_567] : memref<2048x4096xi32, #tpu.memory_space<hbm>> -> memref<1x4096xi32, #tpu.memory_space<hbm>>
      %dma_start3A_569 = tpu.memref_squeeze %dma_start3A_568 : memref<1x4096xi32, #tpu.memory_space<hbm>> -> memref<4096xi32, #tpu.memory_space<hbm>>
      tpu.enqueue_dma source(%arg11 : memref<4096xi32, #tpu.memory_space<vmem>>) target(%dma_start3A_569 : memref<4096xi32, #tpu.memory_space<hbm>>) target_semaphore(%arg16 : memref<!tpu.dma_semaphore, #tpu.memory_space<semaphore_mem>>)
      %add3A_570 = arith.constant 2 : i32
      %add3A_571 = arith.addi %add3A_446, %add3A_570 : i32
      %lt3A_572 = arith.constant 128 : i32
      %lt3A_573 = arith.cmpi slt, %add3A_571, %lt3A_572 : i32
      %convert_element_type3A_574 = arith.extui %lt3A_573 : i1 to i32
      %cond3A_575 = arith.constant 0 : i32
      %cond3A_576 = arith.cmpi ne, %convert_element_type3A_574, %cond3A_575 : i32
      scf.if %cond3A_576 {
        %add3A_577 = arith.constant 2 : i32
        %add3A_578 = arith.addi %add3A_446, %add3A_577 : i32
        %mul3A_579 = arith.constant 8 : i32
        %mul3A_580 = arith.muli %add3A_578, %mul3A_579 : i32
        %dma_start3A_581 = tpu.memref_slice %arg6[%mul3A_580] : memref<1024xi32, #tpu.memory_space<vmem>> -> memref<8xi32, #tpu.memory_space<vmem>>
        %dma_start3A_582 = tpu.memref_bitcast %arg2 : memref<32768x4096xbf16, #tpu.memory_space<hbm>> -> memref<16384x4096xi32, #tpu.memory_space<hbm>>
        %dma_start3A_583 = arith.constant 0 : i32
        %dma_start3A_584 = arith.constant 0 : i32
        %dma_start3A_585 = tpu.memref_slice %dma_start3A_582[%dma_start3A_583, %dma_start3A_584] : memref<16384x4096xi32, #tpu.memory_space<hbm>> -> memref<16384x4096xi32, #tpu.memory_space<hbm>>
        tpu.enqueue_indirect_dma source(%dma_start3A_585 : memref<16384x4096xi32, #tpu.memory_space<hbm>>) target(%arg9 : memref<8x4096xi32, #tpu.memory_space<vmem>>) offsets(%dma_start3A_581 : memref<8xi32, #tpu.memory_space<vmem>>) semaphore(%arg14 : memref<!tpu.dma_semaphore, #tpu.memory_space<semaphore_mem>>)
        %add3A_586 = arith.constant 2 : i32
        %add3A_587 = arith.addi %add3A_446, %add3A_586 : i32
        %dma_start3A_588 = arith.constant 1 : i32
        %dma_start3A_589 = arith.constant 0 : i32
        %dma_start3A_590 = arith.constant 0 : i32
        %dma_start3A_591 = tpu.memref_slice %arg7[%dma_start3A_588, %dma_start3A_589, %dma_start3A_590] : memref<2x8x16xi32, #tpu.memory_space<vmem>> -> memref<1x8x16xi32, #tpu.memory_space<vmem>>
        %dma_start3A_592 = tpu.memref_squeeze %dma_start3A_591 : memref<1x8x16xi32, #tpu.memory_space<vmem>> -> memref<8x16xi32, #tpu.memory_space<vmem>>
        %dma_start3A_593 = arith.constant 0 : i32
        %dma_start3A_594 = arith.constant 0 : i32
        %dma_start3A_595 = tpu.memref_slice %arg4[%add3A, %add3A_587, %dma_start3A_593, %dma_start3A_594] : memref<32x128x8x16xi32, #tpu.memory_space<hbm>> -> memref<1x1x8x16xi32, #tpu.memory_space<hbm>>
        %dma_start3A_596 = tpu.memref_squeeze %dma_start3A_595 : memref<1x1x8x16xi32, #tpu.memory_space<hbm>> -> memref<8x16xi32, #tpu.memory_space<hbm>>
        %dma_start3A_597 = arith.constant 0 : i32
        %dma_start3A_598 = arith.constant 0 : i32
        %dma_start3A_599 = tpu.memref_slice %arg7[%dma_start3A_588, %dma_start3A_597, %dma_start3A_598] : memref<2x8x16xi32, #tpu.memory_space<vmem>> -> memref<1x8x16xi32, #tpu.memory_space<vmem>>
        %dma_start3A_600 = tpu.memref_squeeze %dma_start3A_599 : memref<1x8x16xi32, #tpu.memory_space<vmem>> -> memref<8x16xi32, #tpu.memory_space<vmem>>
        %dma_start3A_601 = arith.constant 0 : i32
        %dma_start3A_602 = arith.constant 0 : i32
        %dma_start3A_603 = tpu.memref_slice %arg4[%add3A, %add3A_587, %dma_start3A_601, %dma_start3A_602] : memref<32x128x8x16xi32, #tpu.memory_space<hbm>> -> memref<1x1x8x16xi32, #tpu.memory_space<hbm>>
        %dma_start3A_604 = tpu.memref_squeeze %dma_start3A_603 : memref<1x1x8x16xi32, #tpu.memory_space<hbm>> -> memref<8x16xi32, #tpu.memory_space<hbm>>
        tpu.enqueue_dma source(%dma_start3A_604 : memref<8x16xi32, #tpu.memory_space<hbm>>) target(%dma_start3A_600 : memref<8x16xi32, #tpu.memory_space<vmem>>) target_semaphore(%arg18 : memref<!tpu.dma_semaphore, #tpu.memory_space<semaphore_mem>>)
      } else {
      }
    }
    %scan3A_55 = arith.constant 32 : i32
    %jit3A = arith.constant 2 : i32
    %div3A = arith.divsi %mul3A_2, %jit3A : i32
    %sign3A = arith.constant 0 : i32
    %sign3A_56 = arith.cmpi sgt, %mul3A_2, %sign3A : i32
    %sign3A_57 = arith.extui %sign3A_56 : i1 to i32
    %sign3A_58 = arith.constant 0 : i32
    %sign3A_59 = arith.cmpi slt, %mul3A_2, %sign3A_58 : i32
    %sign3A_60 = arith.extui %sign3A_59 : i1 to i32
    %sign3A_61 = arith.subi %sign3A_57, %sign3A_60 : i32
    %sign3A_62 = arith.constant 0 : i32
    %sign3A_63 = arith.cmpi sgt, %jit3A, %sign3A_62 : i32
    %sign3A_64 = arith.extui %sign3A_63 : i1 to i32
    %sign3A_65 = arith.constant 0 : i32
    %sign3A_66 = arith.cmpi slt, %jit3A, %sign3A_65 : i32
    %sign3A_67 = arith.extui %sign3A_66 : i1 to i32
    %sign3A_68 = arith.subi %sign3A_64, %sign3A_67 : i32
    %ne3A = arith.cmpi ne, %sign3A_61, %sign3A_68 : i32
    %rem3A = arith.remsi %mul3A_2, %jit3A : i32
    %ne3A_69 = arith.constant 0 : i32
    %ne3A_70 = arith.cmpi ne, %rem3A, %ne3A_69 : i32
    %and3A = arith.andi %ne3A, %ne3A_70 : i1
    %sub3A = arith.constant 1 : i32
    %sub3A_71 = arith.subi %div3A, %sub3A : i32
    %select_n3A = arith.select %and3A, %sub3A_71, %div3A : i32
    %add3A_72 = arith.constant 64 : i32
    %add3A_73 = arith.addi %select_n3A, %add3A_72 : i32
    %sub3A_74 = arith.constant 2 : i32
    %sub3A_75 = arith.subi %add3A_73, %sub3A_74 : i32
    %add3A_76 = arith.constant 0 : i32
    %add3A_77 = arith.addi %sub3A_75, %add3A_76 : i32
    %dma_wait3A = tpu.memref_bitcast %arg5 : memref<4096x4096xbf16, #tpu.memory_space<hbm>> -> memref<2048x4096xi32, #tpu.memory_space<hbm>>
    %dma_wait3A_78 = arith.constant 0 : i32
    %dma_wait3A_79 = tpu.memref_slice %dma_wait3A[%add3A_77, %dma_wait3A_78] : memref<2048x4096xi32, #tpu.memory_space<hbm>> -> memref<1x4096xi32, #tpu.memory_space<hbm>>
    %dma_wait3A_80 = tpu.memref_squeeze %dma_wait3A_79 : memref<1x4096xi32, #tpu.memory_space<hbm>> -> memref<4096xi32, #tpu.memory_space<hbm>>
    %dma_wait3A_81 = tpu.memref_bitcast %arg5 : memref<4096x4096xbf16, #tpu.memory_space<hbm>> -> memref<2048x4096xi32, #tpu.memory_space<hbm>>
    %dma_wait3A_82 = arith.constant 0 : i32
    %dma_wait3A_83 = tpu.memref_slice %dma_wait3A_81[%add3A_77, %dma_wait3A_82] : memref<2048x4096xi32, #tpu.memory_space<hbm>> -> memref<1x4096xi32, #tpu.memory_space<hbm>>
    %dma_wait3A_84 = tpu.memref_squeeze %dma_wait3A_83 : memref<1x4096xi32, #tpu.memory_space<hbm>> -> memref<4096xi32, #tpu.memory_space<hbm>>
    tpu.wait_dma2 semaphore(%arg15 : memref<!tpu.dma_semaphore, #tpu.memory_space<semaphore_mem>>) src(%arg10 : memref<4096xi32, #tpu.memory_space<vmem>>) dst(%dma_wait3A_84 : memref<4096xi32, #tpu.memory_space<hbm>>)
    %jit3A_85 = arith.constant 2 : i32
    %div3A_86 = arith.divsi %mul3A_2, %jit3A_85 : i32
    %sign3A_87 = arith.constant 0 : i32
    %sign3A_88 = arith.cmpi sgt, %mul3A_2, %sign3A_87 : i32
    %sign3A_89 = arith.extui %sign3A_88 : i1 to i32
    %sign3A_90 = arith.constant 0 : i32
    %sign3A_91 = arith.cmpi slt, %mul3A_2, %sign3A_90 : i32
    %sign3A_92 = arith.extui %sign3A_91 : i1 to i32
    %sign3A_93 = arith.subi %sign3A_89, %sign3A_92 : i32
    %sign3A_94 = arith.constant 0 : i32
    %sign3A_95 = arith.cmpi sgt, %jit3A_85, %sign3A_94 : i32
    %sign3A_96 = arith.extui %sign3A_95 : i1 to i32
    %sign3A_97 = arith.constant 0 : i32
    %sign3A_98 = arith.cmpi slt, %jit3A_85, %sign3A_97 : i32
    %sign3A_99 = arith.extui %sign3A_98 : i1 to i32
    %sign3A_100 = arith.subi %sign3A_96, %sign3A_99 : i32
    %ne3A_101 = arith.cmpi ne, %sign3A_93, %sign3A_100 : i32
    %rem3A_102 = arith.remsi %mul3A_2, %jit3A_85 : i32
    %ne3A_103 = arith.constant 0 : i32
    %ne3A_104 = arith.cmpi ne, %rem3A_102, %ne3A_103 : i32
    %and3A_105 = arith.andi %ne3A_101, %ne3A_104 : i1
    %sub3A_106 = arith.constant 1 : i32
    %sub3A_107 = arith.subi %div3A_86, %sub3A_106 : i32
    %select_n3A_108 = arith.select %and3A_105, %sub3A_107, %div3A_86 : i32
    %add3A_109 = arith.constant 64 : i32
    %add3A_110 = arith.addi %select_n3A_108, %add3A_109 : i32
    %sub3A_111 = arith.constant 2 : i32
    %sub3A_112 = arith.subi %add3A_110, %sub3A_111 : i32
    %add3A_113 = arith.constant 1 : i32
    %add3A_114 = arith.addi %sub3A_112, %add3A_113 : i32
    %dma_wait3A_115 = tpu.memref_bitcast %arg5 : memref<4096x4096xbf16, #tpu.memory_space<hbm>> -> memref<2048x4096xi32, #tpu.memory_space<hbm>>
    %dma_wait3A_116 = arith.constant 0 : i32
    %dma_wait3A_117 = tpu.memref_slice %dma_wait3A_115[%add3A_114, %dma_wait3A_116] : memref<2048x4096xi32, #tpu.memory_space<hbm>> -> memref<1x4096xi32, #tpu.memory_space<hbm>>
    %dma_wait3A_118 = tpu.memref_squeeze %dma_wait3A_117 : memref<1x4096xi32, #tpu.memory_space<hbm>> -> memref<4096xi32, #tpu.memory_space<hbm>>
    %dma_wait3A_119 = tpu.memref_bitcast %arg5 : memref<4096x4096xbf16, #tpu.memory_space<hbm>> -> memref<2048x4096xi32, #tpu.memory_space<hbm>>
    %dma_wait3A_120 = arith.constant 0 : i32
    %dma_wait3A_121 = tpu.memref_slice %dma_wait3A_119[%add3A_114, %dma_wait3A_120] : memref<2048x4096xi32, #tpu.memory_space<hbm>> -> memref<1x4096xi32, #tpu.memory_space<hbm>>
    %dma_wait3A_122 = tpu.memref_squeeze %dma_wait3A_121 : memref<1x4096xi32, #tpu.memory_space<hbm>> -> memref<4096xi32, #tpu.memory_space<hbm>>
    tpu.wait_dma2 semaphore(%arg16 : memref<!tpu.dma_semaphore, #tpu.memory_space<semaphore_mem>>) src(%arg11 : memref<4096xi32, #tpu.memory_space<vmem>>) dst(%dma_wait3A_122 : memref<4096xi32, #tpu.memory_space<hbm>>)
    return
  }
}

</mosaic_0001>

<sc_bundles>
// kernel: kernel.3.cloned.1.call-start
scs
__scs_entry_jumppad:
0x0: {  	(pc) =	sbr.rel $0x88, $3  }
0x1: {  	(tag) =	ssettag $0x0;
	lr =	simm.s32 $0x1  }
0x2: {  	[smem:$0x3F9E] =	sst lr;
	_ =	strace $0xD0000000  }
0x3: {  	_ = 	snop  }
0x4: {  	_ = 	snop  }
0x5: {  	_ = 	snop  }
0x6: {  	_ = 	snop  }
0x7: {  	_ = 	snop  }
__scs_overlays_trampoline_lowered:
0x8: {  	[smem:$0x3FAD] =	sst s0  }
0x9: {  	[smem:$0x3FAE] =	sst s1  }
0xa: {  	[smem:$0x3FAF] =	sst s2  }
0xb: {  	[smem:$0x3FB0] =	sst s3  }
0xc: {  	[smem:$0x3FB1] =	sst s4  }
0xd: {  	[smem:$0x3FB2] =	sst s5  }
0xe: {  	[smem:$0x3FB3] =	sst s6  }
0xf: {  	[smem:$0x3FB4] =	sst s7  }
0x10: {  	[smem:$0x3FB5] =	sst s8  }
0x11: {  	[smem:$0x3FB6] =	sst s9;
	s0 =	simm.s32 @!p0 $0x0  }
0x12: {  	s1 =	sld [smem:$0x3F9C];
	s0 =	simm.s32 @p0 $0x1  }
0x13: {  	[smem:$0x3FB7] =	sst s0;
	s0 =	simm.s32 @!p1 $0x0  }
0x14: {  	s2 =	sld [smem:$0x3F9B];
	s0 =	simm.s32 @p1 $0x1  }
0x15: {  	[smem:$0x3FB8] =	sst s0;
	s0 =	simm.s32 @!p2 $0x0  }
0x16: {  	s3 =	sld [smem:$0x3FDB];
	s0 =	simm.s32 @p2 $0x1  }
0x17: {  	s4 =	simm.s32 $0x1BF5;
	[smem:$0x3FBA] =	sst s0  }
0x18: {  	s0 =	sld [smem:$0x3F9D];
	_ =	swait.ge [sflag:s4], $0x0  }
0x19: {  	s7 =	sld [smem:$0x3F9E]  }
0x1a: {  	s8 =	sadd.s32 $0xFFFFE003, lr  }
0x1b: {  	s9 =	sadd.s32 $0xFFFFFEF7, lr;
	s5 =	simm.s32 $0xFFFFFFFF;
	p2 =	slt.u32 s8, $0xFFFFF086  }
0x1c: {  	p1 =	slt.u32 s9, $0xF7A;
	s5 =	simm.s32 @!p2 $0x0  }
0x1d: {  	s5 =	simm.s32 @p1 $0x1;
	p0 =	seq.s32 s7, s2  }
0x1e: {  	s7 =	smul.u32 @!p0 $0xF7A, s2;
	p2 =	seq.s32 @!p0 s5, $0x0  }
0x1f: {  	s9 =	smul.u32 $0xF7A, s1;
	s8 =	simm.s32 @!p0 $0x1BF5;
	p2 =	por !p2, p0  }
0x20: {  	[sflag:s8] =	ssyncset.s32 @!p0 $0xFFFFF086;
	s6 =	sadd.s32 @!p0 s3, s7;
	s7 =	simm.s32 @!p0 $0x108  }
0x21: {  	s3 =	sadd.s32 s3, s9;
	s6 =	sadd.s32 @!p0 $0x88, s6;
	s7 =	simm.s32 @p2 $0x1082  }
0x22: {  	[simem:s7], [sflag:s8] =	dma.local @!p0 [hbm:s6], $0xF7A  }
0x23: {  	s9 =	sor.u32 $0xD0000000, s2;
	s6 =	simm.s32 $0x108;
	_ =	swait.ge @!p0 [sflag:s8], $0x0  }
0x24: {  	s3 =	sadd.s32 $0x88, s3;
	s6 =	simm.s32 @!p1 $0x1082;
	[sflag:s4] =	ssyncset.s32 $0xFFFFF086  }
0x25: {  	[simem:s6], [sflag:s4] =	dma.local [hbm:s3], $0xF7A  }
0x26: {  	[smem:$0x3F9E] =	sst s1;
	(tag) =	ssettag s2;
	_ =	strace s9  }
0x27: {  	s1 =	sld [smem:$0x3FAE]  }
0x28: {  	s2 =	sld [smem:$0x3FAF]  }
0x29: {  	s4 =	sld [smem:$0x3FB1]  }
0x2a: {  	p0 =	seq.s32 s5, $0x0;
	s5 =	sld [smem:$0x3FB2]  }
0x2b: {  	s6 =	sld [smem:$0x3FB3]  }
0x2c: {  	s7 =	sld [smem:$0x3FB4]  }
0x2d: {  	s3 =	simm.s32 $0x108;
	s8 =	sld [smem:$0x3FB5]  }
0x2e: {  	s3 =	simm.s32 @!p0 $0x1082;
	s9 =	sld [smem:$0x3FB6]  }
0x2f: {  	lr =	sadd.s32 s0, s3;
	s0 =	sld [smem:$0x3FAD]  }
0x30: {  	s3 =	sld [smem:$0x3FB0]  }
0x31: {  	[smem:$0x3FB9] =	sst s10  }
0x32: {  	s10 =	sld [smem:$0x3FB7];
	_ =	sdelay $0x3  }
0x33: {  	p0 =	seq.s32 s10, $0x1;
	s10 =	sld [smem:$0x3FB9];
	_ =	sdelay $0x3  }
0x34: {  	[smem:$0x3FB9] =	sst s10  }
0x35: {  	s10 =	sld [smem:$0x3FB8];
	_ =	sdelay $0x3  }
0x36: {  	p1 =	seq.s32 s10, $0x1;
	s10 =	sld [smem:$0x3FB9];
	_ =	sdelay $0x3  }
0x37: {  	[smem:$0x3FB9] =	sst s10  }
0x38: {  	s10 =	sld [smem:$0x3FBA]  }
0x39: {  	_ = 	snop;
	(pc) =	sbr.ind lr, $3  }
0x3a: {  	_ = 	snop  }
0x3b: {  	_ = 	snop  }
0x3c: {  	p2 =	seq.s32 s10, $0x1;
	s10 =	sld [smem:$0x3FB9]  }
0x3d: {  	_ =	shalt  }
0x3e: {  	_ =	shalt  }
0x3f: {  	_ =	shalt  }
0x40: {  	_ =	shalt  }
0x41: {  	_ =	shalt  }
0x42: {  	_ =	shalt  }
0x43: {  	_ =	shalt  }
0x44: {  	_ =	shalt  }
0x45: {  	_ =	shalt  }
0x46: {  	_ =	shalt  }
0x47: {  	_ =	shalt  }
0x48: {  	_ =	shalt  }
0x49: {  	_ =	shalt  }
0x4a: {  	_ =	shalt  }
0x4b: {  	_ =	shalt  }
0x4c: {  	_ =	shalt  }
0x4d: {  	_ =	shalt  }
0x4e: {  	_ =	shalt  }
0x4f: {  	_ =	shalt  }
0x50: {  	_ =	shalt  }
0x51: {  	_ =	shalt  }
0x52: {  	_ =	shalt  }
0x53: {  	_ =	shalt  }
0x54: {  	_ =	shalt  }
0x55: {  	_ =	shalt  }
0x56: {  	_ =	shalt  }
0x57: {  	_ =	shalt  }
0x58: {  	_ =	shalt  }
0x59: {  	_ =	shalt  }
0x5a: {  	_ =	shalt  }
0x5b: {  	_ =	shalt  }
0x5c: {  	_ =	shalt  }
0x5d: {  	_ =	shalt  }
0x5e: {  	_ =	shalt  }
0x5f: {  	_ =	shalt  }
0x60: {  	_ =	shalt  }
0x61: {  	_ =	shalt  }
0x62: {  	_ =	shalt  }
0x63: {  	_ =	shalt  }
0x64: {  	_ =	shalt  }
0x65: {  	_ =	shalt  }
0x66: {  	_ =	shalt  }
0x67: {  	_ =	shalt  }
0x68: {  	_ =	shalt  }
0x69: {  	_ =	shalt  }
0x6a: {  	_ =	shalt  }
0x6b: {  	_ =	shalt  }
0x6c: {  	_ =	shalt  }
0x6d: {  	_ =	shalt  }
0x6e: {  	_ =	shalt  }
0x6f: {  	_ =	shalt  }
0x70: {  	_ =	shalt  }
0x71: {  	_ =	shalt  }
0x72: {  	_ =	shalt  }
0x73: {  	_ =	shalt  }
0x74: {  	_ =	shalt  }
0x75: {  	_ =	shalt  }
0x76: {  	_ =	shalt  }
0x77: {  	_ =	shalt  }
0x78: {  	_ =	shalt  }
0x79: {  	_ =	shalt  }
0x7a: {  	_ =	shalt  }
0x7b: {  	_ =	shalt  }
0x7c: {  	_ =	shalt  }
0x7d: {  	_ =	shalt  }
0x7e: {  	_ =	shalt  }
0x7f: {  	_ =	shalt  }
0x80: {  	_ =	shalt  }
0x81: {  	_ =	shalt  }
0x82: {  	_ =	shalt  }
0x83: {  	_ =	shalt  }
0x84: {  	_ =	shalt  }
0x85: {  	_ =	shalt  }
0x86: {  	_ =	shalt  }
0x87: {  	_ =	shalt  }
.Lfunc_end0:
.L_simem_size_0:
called_computation_lowered:
.L_overlay_start_0:
0x88: {  	s2 =	sld [smem:$0x3FD9]  }
0x89: {  	s3 =	sld [smem:$0x3FFE];
	_ =	sdelay $0x1  }
0x8a: {  	s1 =	srdreg.scid  }
0x8b: {  	s0 =	sand.u32 $0x1, s1  }
0x8c: {  	s17 =	sshll.u32 s0, $0xA;
	s2 =	sadd.s32 s3, s2  }
0x8d: {  	s2 =	sadd.s32 s2, s17  }
0x8e: {  	[smem:$0x3FC5] =	sst s2  }
0x8f: {  	_ = 	snop  }
0x90: {  	s2 =	sld [smem:$0x3FC9]  }
0x91: {  	s18 =	sld [smem:$0x3FD0];
	(tm) =	ssettm $0x1  }
0x92: {  	s4 =	sld [smem:$0x3FFB];
	_ =	sdelay $0x3  }
0x93: {  	_ =	strace s4  }
0x94: {  	s4 =	sld [smem:$0x3FFC];
	_ =	sdelay $0x3  }
0x95: {  	_ =	strace s4  }
0x96: {  	s4 =	sld [smem:$0x3FFD];
	_ =	sdelay $0x3  }
0x97: {  	_ =	strace s4  }
0x98: {  	_ =	strace $0x8FFFFFFF  }
0x99: {  	s19 =	sld [smem:$0x3FDB];
	_ =	sdelay $0x1  }
0x9a: {  	s5 =	simm.s32 $_scs_section_size  }
0x9b: {  	s6 =	simm.s32 $_size__tile_overlayer_lowered;
	s7 =	simm.s32 $_tile_overlayer_lowered  }
0x9c: {  	s22 =	simm.s32 $0x1BFF;
	s21 =	sshll.u32 s7, $0x1;
	s4 =	sadd.s32 s5, s19  }
0x9d: {  	s8 =	simm.s32 $0x0;
	s20 =	sshll.u32 s6, $0x1;
	s6 =	sadd.s32 s21, s4  }
0x9e: {  	[timem:s8], [sflag:s22] =	dma.local [hbm:s6], s20  }
0x9f: {  	_ =	swait.ge [sflag:s22], s20  }
0xa0: {  	s5 =	ssub.s32 $0x0, s20;
	[sflag:s22] =	ssyncset.done $0x0  }
0xa1: {  	[sflag:s22] =	ssyncadd.s32 s5;
	_ =	sdelay $0x1  }
0xa2: {  	s23 =	simm.s32 $0x1B8B  }
0xa3: {  	_ =	swait.ge [sflag:s23], $0x1  }
0xa4: {  	[sflag:s23] =	ssyncset.done $0x0  }
0xa5: {  	s25 =	simm.s32 $0x1B8E;
	s24 =	sld [smem:$0x3FFE];
	[sflag:s23] =	ssyncadd.s32 $0xFFFFFFFF  }
0xa6: {  	s26 =	simm.s32 $execute0_lowered;
	[smem:$0x3FD2] =	sst s25  }
0xa7: {  	s6 =	sshll.u32 s26, $0x1;
	_ =	strace $0x80000046;
	[dreg:$0x1] =	wrdreg $0xFFFFFFFF  }
0xa8: {  	s28 =	simm.s32 $_size_execute0_lowered;
	s4 =	sadd.s32 s4, s6;
	[dreg:$0x0] =	wrdreg $0x0  }
0xa9: {  	s6 =	sshll.u32 s28, $0x1;
	[dreg:$0x2] =	wrdreg s4  }
0xaa: {  	[dreg:$0x3] =	wrdreg s6  }
0xab: {  	[dreg:$0x4] =	wrdreg $0xC0  }
0xac: {  	_ =	task [dreg:s8], $0x5FFFF  }
0xad: {  	[dreg:$0x1] =	wrdreg $0xFFFFFFFF  }
0xae: {  	[dreg:$0x0] =	wrdreg $0x60  }
0xaf: {  	[dreg:$0x2] =	wrdreg s2  }
0xb0: {  	[dreg:$0x3] =	wrdreg s24  }
0xb1: {  	[dreg:$0x4] =	wrdreg s18  }
0xb2: {  	[dreg:$0x5] =	wrdreg $0x9  }
0xb3: {  	_ =	task.clear_ibuf [dreg:s8], $0x6FFFF;
	_ =	strace $0x90000046  }
0xb4: {  	s29 =	simm.s32 $0x9;
	_ =	strace $0x80000048  }
0xb5: {  	_ =	swait.ge [sflag:s29], $0x1  }
0xb6: {  	[sflag:s29] =	ssyncadd.s32 $0xFFFFFFFF  }
0xb7: {  	_ =	strace $0x90000048  }
0xb8: {  	_ =	sfence  }
0xb9: {  	s30 =	sld [smem:$0x0];
	_ =	sdelay $0x2  }
0xba: {  	s31 =	sshll.u32 s1, $0xD;
	s1 =	sshrl.u32 s1, $0x2  }
0xbb: {  	s3 =	sand.u32 $0x4000, s31;
	s1 =	sadd.s32 s1, s30  }
0xbc: {  	s0 =	sor.u32 s3, s0;
	s1 =	sshll.u32 s1, $0x11  }
0xbd: {  	s0 =	sor.u32 s1, s0  }
0xbe: {  	s0 =	sadd.s32 $0x8F2B, s0  }
0xbf: {  	[sflag:s0] =	ssyncadd.remote.s32 $0x1  }
0xc0: {  	_ =	sfence.sel $0xFFFF  }
0xc1: {  	[dreg:$0x0] =	wrdreg $0xFFFFFFFF;
	(pc) =	sbr.abs _section_cstart, $3  }
0xc2: {  	[dreg:$0x1] =	wrdreg $0xFFFFFFFF  }
0xc3: {  	_ =	task.clear_ibuf [dreg:s8], $0x2FFFF;
	_ =	strace $0x9FFFFFFF  }
0xc4: {  	(tm) =	ssettm $0x7FFFFFFF  }
0xc5: {  	_ =	shalt  }
tec
execute0_lowered:
.L_overlay_start_1:
0x0: {  	(tag) =	ssettag $0x1  }
0x1: {  	s6 =	rddreg [dreg:$0x0]  }
0x2: {  	s0 =	rddreg [dreg:$0x1];
	s1 =	srdreg.scid  }
0x3: {  	s2 =	stileid.u32;
	s4 =	simm.s32 $0x0;
	s1 =	sand.u32 $0x1, s1  }
0x4: {  	s2 =	sshll.u32 s2, $0x1;
	[smem:$0x7FF] =	sst s4;
	s7 =	sadd.s32 $0x1400, s0  }
0x5: {  	s30 =	sadd.s32 $0x80, s6;
	s31 =	sadd.s32 $0x100, s6;
	s15 =	sadd.s32 $0x180, s6  }
0x6: {  	s13 =	sadd.s32 $0x200, s6;
	s16 =	sadd.s32 $0x280, s6;
	s14 =	sadd.s32 $0x300, s6  }
0x7: {  	s17 =	sadd.s32 $0x380, s6;
	s18 =	sadd.s32 $0x400, s6;
	s19 =	sadd.s32 $0x480, s6  }
0x8: {  	s20 =	sadd.s32 $0x500, s6;
	_ =	strace $0x80000047;
	[dreg:$0x5] =	wrdreg s7  }
0x9: {  	s21 =	sadd.s32 $0x580, s6;
	s2 =	sor.u32 s1, s2;
	[dreg:$0xa] =	wrdreg s30  }
0xa: {  	s1 =	ssub.s32 $0x2, s1;
	[dreg:$0xb] =	wrdreg s31;
	s3 =	sshll.u32 s2, $0x7  }
0xb: {  	s5 =	sshrl.u32 s1, $0x1;
	s29 =	sshll.u32 s2, $0xE;
	s2 =	sshll.u32 s2, $0x11  }
0xc: {  	[dreg:$0x4] =	wrdreg s3;
	s3 =	sadd.s32 s3, s0;
	s28 =	ssub.s32 s1, s5  }
.Ltmp0:
0xd: {  	[dreg:$0x7] =	wrdreg s2;
	s1 =	sadd.s32 s7, s29;
	(pc) =	sbr.rel .LBB2_1-.Ltmp0, $4  }
0xe: {  	s22 =	sadd.s32 $0x600, s6;
	s3 =	sadd.s32 $0x400, s3;
	[dreg:$0x8] =	wrdreg s1  }
0xf: {  	v0 =	vlaneseq.u32;
	s23 =	sadd.s32 $0x680, s6;
	s1 =	sadd.s32 $0x80, s1;
	[dreg:$0x6] =	wrdreg s3  }
0x10: {  	s24 =	sadd.s32 $0x700, s6;
	v1 =	vshrl.u32 v0, $0x3;
	s0 =	smax.u32 s28, $0x1;
	[dreg:$0x9] =	wrdreg s1  }
0x11: {  	vm0 =	vmmov $0xffff;
	s26 =	sadd.s32 $0x780, s6;
	v0 =	vand.u32 $0x7, v0;
	v1 =	vmul.u32 $0x4, v1;
	s2 =	simm.s32 $0x0;
	[dreg:$0xc] =	wrdreg s0  }
.LBB2_12:
0x12: {  	s0 =	simm.s32 $0x3  }
0x13: {  	_ =	swait.ge [sflag:s0], $0x1000  }
0x14: {  	[sflag:s0] =	ssyncset.done $0x0  }
0x15: {  	s1 =	simm.s32 $0x4;
	[sflag:s0] =	ssyncadd.s32 $0xFFFFF000  }
0x16: {  	_ =	swait.ge [sflag:s1], $0x1000  }
0x17: {  	s2 =	rddreg [dreg:$0xd]  }
0x18: {  	s31 =	rddreg [dreg:$0xc];
	s2 =	sadd.s32 $0x1, s2  }
0x19: {  	p0 =	sne.s32 s2, s31  }
.Ltmp1:
0x1a: {  	_ = 	snop;
	(pc) =	sbr.rel @!p0 .LBB2_13-.Ltmp1, $3  }
0x1b: {  	_ =	sdelay $0x1  }
0x1c: {  	[sflag:s1] =	ssyncset.done $0x0  }
0x1d: {  	[sflag:s1] =	ssyncadd.s32 $0xFFFFF000  }
.LBB2_1:
0x1e: {  	[dreg:$0xd] =	wrdreg s2  }
0x1f: {  	s0 =	rddreg [dreg:$0x6];
	s12 =	simm.s32 $0x7  }
0x20: {  	[tilespmem:s4], [sflag:$0x7] =	stream.linear.gather [hbm4b:s0+s4], $0x400, $0x38;
	[tilespmem:$0x13C00] =	vst v63  }
0x21: {  	_ =	swait.ge [sflag:s12], $0x400  }
0x22: {  	[sflag:s12] =	ssyncset.done $0x0  }
0x23: {  	s1 =	simm.s32 $0x400;
	s25 =	rddreg [dreg:$0x8];
	[sflag:s12] =	ssyncadd.s32 $0xFFFFFC00  }
0x24: {  	[tilespmem:s1], [sflag:$0x5] =	stream.linear.gather [hbm4b:s25+s4], $0x400, $0x38;
	[tilespmem:$0x13C00] =	vst v63  }
0x25: {  	s30 =	simm.s32 $0x800;
	s29 =	rddreg [dreg:$0x9]  }
0x26: {  	[tilespmem:s30], [sflag:$0x6] =	stream.linear.gather [hbm4b:s29+s4], $0x400, $0x38;
	[tilespmem:$0x13C00] =	vst v63  }
0x27: {  	v2 =	vld.msk [tilespmem:$0x0], $0xff;
	_ =	sdelay $0x4  }
0x28: {  	v3 =	vshll.u32 v2, $0x5  }
0x29: {  	v2 =	vand.u32 $0x3, v2;
	v3 =	vand.u32 $0xFFFFFF80, v3  }
0x2a: {  	v2 =	vor.u32 v2, v3  }
0x2b: {  	v2 =	vperm.xlane v2, v0;
	_ =	sdelay $0x1  }
0x2c: {  	v2 =	vadd.s32 v1, v2;
	_ =	sdelay $0x3  }
0x2d: {  	s2 =	simm.s32 $0xC00;
	s31 =	rddreg [dreg:$0x0]  }
0x2e: {  	[tilespmem:s2], [sflag:$0x1] =	stream.indirect_vreg.gather [hbm4b:s31+s4], $0x80, v2, vm0, $0xb8;
	[tilespmem:$0x13C00] =	vst v63  }
0x2f: {  	s3 =	simm.s32 $0x1400;
	s1 =	rddreg [dreg:$0xa]  }
0x30: {  	[tilespmem:s3], [sflag:$0x1] =	stream.indirect_vreg.gather [hbm4b:s1+s4], $0x80, v2, vm0, $0xb8;
	[tilespmem:$0x13C00] =	vst v63  }
0x31: {  	s2 =	rddreg [dreg:$0xb];
	s3 =	simm.s32 $0x1C00  }
0x32: {  	[tilespmem:s3], [sflag:$0x1] =	stream.indirect_vreg.gather [hbm4b:s2+s4], $0x80, v2, vm0, $0xb8;
	[tilespmem:$0x13C00] =	vst v63  }
0x33: {  	s5 =	simm.s32 $0x2400  }
0x34: {  	[tilespmem:s5], [sflag:$0x1] =	stream.indirect_vreg.gather [hbm4b:s15+s4], $0x80, v2, vm0, $0xb8;
	[tilespmem:$0x13C00] =	vst v63  }
0x35: {  	s6 =	simm.s32 $0x2C00  }
0x36: {  	[tilespmem:s6], [sflag:$0x1] =	stream.indirect_vreg.gather [hbm4b:s13+s4], $0x80, v2, vm0, $0xb8;
	[tilespmem:$0x13C00] =	vst v63  }
0x37: {  	s7 =	simm.s32 $0x3400  }
0x38: {  	[tilespmem:s7], [sflag:$0x1] =	stream.indirect_vreg.gather [hbm4b:s16+s4], $0x80, v2, vm0, $0xb8;
	[tilespmem:$0x13C00] =	vst v63  }
0x39: {  	s8 =	simm.s32 $0x3C00  }
0x3a: {  	[tilespmem:s8], [sflag:$0x1] =	stream.indirect_vreg.gather [hbm4b:s14+s4], $0x80, v2, vm0, $0xb8;
	[tilespmem:$0x13C00] =	vst v63  }
0x3b: {  	s5 =	simm.s32 $0x4400  }
0x3c: {  	[tilespmem:s5], [sflag:$0x1] =	stream.indirect_vreg.gather [hbm4b:s17+s4], $0x80, v2, vm0, $0xb8;
	[tilespmem:$0x13C00] =	vst v63  }
0x3d: {  	s6 =	simm.s32 $0x4C00  }
0x3e: {  	[tilespmem:s6], [sflag:$0x1] =	stream.indirect_vreg.gather [hbm4b:s18+s4], $0x80, v2, vm0, $0xb8;
	[tilespmem:$0x13C00] =	vst v63  }
0x3f: {  	s7 =	simm.s32 $0x5400  }
0x40: {  	[tilespmem:s7], [sflag:$0x1] =	stream.indirect_vreg.gather [hbm4b:s19+s4], $0x80, v2, vm0, $0xb8;
	[tilespmem:$0x13C00] =	vst v63  }
0x41: {  	s9 =	simm.s32 $0x5C00  }
0x42: {  	[tilespmem:s9], [sflag:$0x1] =	stream.indirect_vreg.gather [hbm4b:s20+s4], $0x80, v2, vm0, $0xb8;
	[tilespmem:$0x13C00] =	vst v63  }
0x43: {  	s10 =	simm.s32 $0x6400  }
0x44: {  	[tilespmem:s10], [sflag:$0x1] =	stream.indirect_vreg.gather [hbm4b:s21+s4], $0x80, v2, vm0, $0xb8;
	[tilespmem:$0x13C00] =	vst v63  }
0x45: {  	s11 =	simm.s32 $0x6C00  }
0x46: {  	[tilespmem:s11], [sflag:$0x1] =	stream.indirect_vreg.gather [hbm4b:s22+s4], $0x80, v2, vm0, $0xb8;
	[tilespmem:$0x13C00] =	vst v63  }
0x47: {  	s12 =	simm.s32 $0x7400  }
0x48: {  	[tilespmem:s12], [sflag:$0x1] =	stream.indirect_vreg.gather [hbm4b:s23+s4], $0x80, v2, vm0, $0xb8;
	[tilespmem:$0x13C00] =	vst v63  }
0x49: {  	s25 =	simm.s32 $0x7C00  }
0x4a: {  	[tilespmem:s25], [sflag:$0x1] =	stream.indirect_vreg.gather [hbm4b:s24+s4], $0x80, v2, vm0, $0xb8;
	[tilespmem:$0x13C00] =	vst v63  }
0x4b: {  	s29 =	simm.s32 $0x8400  }
0x4c: {  	[tilespmem:s29], [sflag:$0x1] =	stream.indirect_vreg.gather [hbm4b:s26+s4], $0x80, v2, vm0, $0xb8;
	[tilespmem:$0x13C00] =	vst v63  }
0x4d: {  	v2 =	vld.msk [tilespmem:$0x8], $0xff;
	_ =	sdelay $0x4  }
0x4e: {  	v3 =	vshll.u32 v2, $0x5  }
0x4f: {  	v2 =	vand.u32 $0x3, v2;
	v3 =	vand.u32 $0xFFFFFF80, v3  }
0x50: {  	v2 =	vor.u32 v2, v3  }
0x51: {  	v2 =	vperm.xlane v2, v0;
	_ =	sdelay $0x1  }
0x52: {  	v2 =	vadd.s32 v1, v2;
	_ =	sdelay $0x3  }
0x53: {  	s30 =	simm.s32 $0x8C00  }
0x54: {  	[tilespmem:s30], [sflag:$0x2] =	stream.indirect_vreg.gather [hbm4b:s31+s4], $0x80, v2, vm0, $0xb8;
	[tilespmem:$0x13C00] =	vst v63  }
0x55: {  	s31 =	simm.s32 $0x9400  }
0x56: {  	[tilespmem:s31], [sflag:$0x2] =	stream.indirect_vreg.gather [hbm4b:s1+s4], $0x80, v2, vm0, $0xb8;
	[tilespmem:$0x13C00] =	vst v63  }
0x57: {  	s1 =	simm.s32 $0x9C00  }
0x58: {  	[tilespmem:s1], [sflag:$0x2] =	stream.indirect_vreg.gather [hbm4b:s2+s4], $0x80, v2, vm0, $0xb8;
	[tilespmem:$0x13C00] =	vst v63  }
0x59: {  	s3 =	simm.s32 $0xA400  }
0x5a: {  	[tilespmem:s3], [sflag:$0x2] =	stream.indirect_vreg.gather [hbm4b:s15+s4], $0x80, v2, vm0, $0xb8;
	[tilespmem:$0x13C00] =	vst v63  }
0x5b: {  	s5 =	simm.s32 $0xAC00  }
0x5c: {  	[tilespmem:s5], [sflag:$0x2] =	stream.indirect_vreg.gather [hbm4b:s13+s4], $0x80, v2, vm0, $0xb8;
	[tilespmem:$0x13C00] =	vst v63  }
0x5d: {  	s6 =	simm.s32 $0xB400  }
0x5e: {  	[tilespmem:s6], [sflag:$0x2] =	stream.indirect_vreg.gather [hbm4b:s16+s4], $0x80, v2, vm0, $0xb8;
	[tilespmem:$0x13C00] =	vst v63  }
0x5f: {  	s7 =	simm.s32 $0xBC00  }
0x60: {  	[tilespmem:s7], [sflag:$0x2] =	stream.indirect_vreg.gather [hbm4b:s14+s4], $0x80, v2, vm0, $0xb8;
	[tilespmem:$0x13C00] =	vst v63  }
0x61: {  	s8 =	simm.s32 $0xC400  }
0x62: {  	[tilespmem:s8], [sflag:$0x2] =	stream.indirect_vreg.gather [hbm4b:s17+s4], $0x80, v2, vm0, $0xb8;
	[tilespmem:$0x13C00] =	vst v63  }
0x63: {  	s9 =	simm.s32 $0xCC00  }
0x64: {  	[tilespmem:s9], [sflag:$0x2] =	stream.indirect_vreg.gather [hbm4b:s18+s4], $0x80, v2, vm0, $0xb8;
	[tilespmem:$0x13C00] =	vst v63  }
0x65: {  	s10 =	simm.s32 $0xD400  }
0x66: {  	[tilespmem:s10], [sflag:$0x2] =	stream.indirect_vreg.gather [hbm4b:s19+s4], $0x80, v2, vm0, $0xb8;
	[tilespmem:$0x13C00] =	vst v63  }
0x67: {  	s11 =	simm.s32 $0xDC00  }
0x68: {  	[tilespmem:s11], [sflag:$0x2] =	stream.indirect_vreg.gather [hbm4b:s20+s4], $0x80, v2, vm0, $0xb8;
	[tilespmem:$0x13C00] =	vst v63  }
0x69: {  	s12 =	simm.s32 $0xE400  }
0x6a: {  	[tilespmem:s12], [sflag:$0x2] =	stream.indirect_vreg.gather [hbm4b:s21+s4], $0x80, v2, vm0, $0xb8;
	[tilespmem:$0x13C00] =	vst v63  }
0x6b: {  	s25 =	simm.s32 $0xEC00  }
0x6c: {  	[tilespmem:s25], [sflag:$0x2] =	stream.indirect_vreg.gather [hbm4b:s22+s4], $0x80, v2, vm0, $0xb8;
	[tilespmem:$0x13C00] =	vst v63  }
0x6d: {  	s29 =	simm.s32 $0xF400  }
0x6e: {  	[tilespmem:s29], [sflag:$0x2] =	stream.indirect_vreg.gather [hbm4b:s23+s4], $0x80, v2, vm0, $0xb8;
	[tilespmem:$0x13C00] =	vst v63  }
0x6f: {  	s30 =	simm.s32 $0xFC00  }
0x70: {  	[tilespmem:s30], [sflag:$0x2] =	stream.indirect_vreg.gather [hbm4b:s24+s4], $0x80, v2, vm0, $0xb8;
	[tilespmem:$0x13C00] =	vst v63  }
0x71: {  	s28 =	simm.s32 $0x0;
	s31 =	simm.s32 $0x10400  }
0x72: {  	[tilespmem:s31], [sflag:$0x2] =	stream.indirect_vreg.gather [hbm4b:s26+s4], $0x80, v2, vm0, $0xb8;
	[tilespmem:$0x13C00] =	vst v63  }
.LBB2_2:
0x73: {  	s0 =	simm.s32 $0x1  }
0x74: {  	_ =	swait.ge [sflag:s0], $0x8000  }
0x75: {  	[sflag:s0] =	ssyncset.done $0x0  }
0x76: {  	s11 =	simm.s32 $0x5;
	[sflag:s0] =	ssyncadd.s32 $0xFFFF8000  }
0x77: {  	_ =	swait.ge [sflag:s11], $0x400  }
0x78: {  	[sflag:s11] =	ssyncset.done $0x0  }
0x79: {  	[sflag:s11] =	ssyncadd.s32 $0xFFFFFC00  }
0x7a: {  	v4 =	vld [tilespmem:$0x400]  }
0x7b: {  	v6 =	vld [tilespmem:$0x480]  }
0x7c: {  	v7 =	vld [tilespmem:$0x500]  }
0x7d: {  	v8 =	vld [tilespmem:$0x580]  }
0x7e: {  	s5 =	simm.s32 $0x0;
	v9 =	vld [tilespmem:$0x600]  }
0x7f: {  	s1 =	sand.u32 $0x40, s5;
	s12 =	sand.u32 $0x7C00, s5;
	v5 =	vld [tilespmem:$0x680]  }
0x80: {  	s2 =	sadd.s32 $0xC00, s12;
	s0 =	sor.u32 $0x30, s1;
	v3 =	vld [tilespmem:$0x700]  }
0x81: {  	s6 =	sor.u32 s0, s2;
	v2 =	vld [tilespmem:$0x780]  }
0x82: {  	v10 =	vld [tilespmem:s6+$0x0]  }
0x83: {  	s7 =	sor.u32 s1, s2;
	v11 =	vld [tilespmem:s6+$0x80]  }
0x84: {  	v12 =	vld [tilespmem:s7+$0x0]  }
0x85: {  	v13 =	vld [tilespmem:s6+$0x100]  }
0x86: {  	s3 =	sor.u32 $0x10, s1;
	v14 =	vld [tilespmem:s7+$0x80]  }
0x87: {  	s8 =	sor.u32 s3, s2;
	v15 =	vld [tilespmem:s6+$0x180]  }
0x88: {  	v16 =	vld [tilespmem:s8+$0x0]  }
0x89: {  	v17 =	vld [tilespmem:s6+$0x200]  }
0x8a: {  	s1 =	sor.u32 $0x20, s1;
	v18 =	vld [tilespmem:s8+$0x80]  }
0x8b: {  	s2 =	sor.u32 s1, s2;
	v19 =	vld [tilespmem:s6+$0x280]  }
0x8c: {  	v20 =	vld [tilespmem:s2+$0x0]  }
0x8d: {  	v21 =	vld [tilespmem:s6+$0x300]  }
0x8e: {  	v22 =	vld [tilespmem:s2+$0x80]  }
0x8f: {  	v23 =	vld [tilespmem:s6+$0x380]  }
0x90: {  	v24 =	vld [tilespmem:s7+$0x100]  }
0x91: {  	v25 =	vld [tilespmem:s8+$0x100]  }
0x92: {  	v26 =	vld [tilespmem:s2+$0x100]  }
0x93: {  	v27 =	vld [tilespmem:s7+$0x180]  }
0x94: {  	v28 =	vld [tilespmem:s8+$0x180]  }
0x95: {  	v29 =	vld [tilespmem:s2+$0x180]  }
0x96: {  	v30 =	vld [tilespmem:s7+$0x200]  }
0x97: {  	v31 =	vld [tilespmem:s8+$0x200]  }
0x98: {  	v32 =	vld [tilespmem:s2+$0x200]  }
0x99: {  	s25 =	simm.s32 $0x200;
	s9 =	simm.s32 $0x40;
	v33 =	vld [tilespmem:s7+$0x280]  }
0x9a: {  	s11 =	sand.u32 $0x40, s9;
	v34 =	vld [tilespmem:s2+$0x280];
	s6 =	sand.u32 $0x7C00, s25  }
0x9b: {  	v35 =	vld [tilespmem:s8+$0x300];
	s30 =	sor.u32 $0x30, s11;
	s12 =	sadd.s32 $0xC00, s6;
	v10 =	vmul.bf16 v10, v4;
	v11 =	vmul.bf16 v11, v6  }
0x9c: {  	v36 =	vld [tilespmem:s7+$0x380];
	s6 =	sor.u32 s30, s12;
	v12 =	vmul.bf16 v12, v4;
	v14 =	vmul.bf16 v14, v6  }
0x9d: {  	v58 =	vld [tilespmem:s6+$0x0];
	v16 =	vmul.bf16 v16, v4;
	v10 =	vadd.bf16 v11, v10;
	v11 =	vmul.bf16 v13, v7  }
0x9e: {  	s29 =	sor.u32 s11, s12;
	v60 =	vld [tilespmem:s6+$0x80];
	v57 =	vmul.bf16 v22, v6;
	v59 =	vmul.bf16 v25, v7  }
0x9f: {  	v61 =	vld [tilespmem:s29+$0x0];
	v23 =	vmul.bf16 v23, v2;
	v10 =	vadd.bf16 v11, v10;
	v11 =	vmul.bf16 v15, v8  }
0xa0: {  	v62 =	vld [tilespmem:s6+$0x100];
	v63 =	vmul.bf16 v28, v8;
	v37 =	vmul.bf16 v30, v9  }
0xa1: {  	v38 =	vld [tilespmem:s6+$0x180];
	v39 =	vmul.bf16 v31, v9;
	v10 =	vadd.bf16 v11, v10;
	v11 =	vmul.bf16 v17, v9  }
0xa2: {  	v41 =	vld [tilespmem:s6+$0x200];
	v42 =	vmul.bf16 v33, v5;
	v12 =	vadd.bf16 v14, v12;
	v14 =	vmul.bf16 v18, v6  }
0xa3: {  	v44 =	vld [tilespmem:s6+$0x280];
	v48 =	vmul.bf16 v36, v2;
	v10 =	vadd.bf16 v11, v10;
	v11 =	vmul.bf16 v19, v5  }
0xa4: {  	v50 =	vld [tilespmem:s29+$0x100];
	v18 =	vmul.bf16 v20, v4;
	v14 =	vadd.bf16 v14, v16;
	v16 =	vmul.bf16 v24, v7  }
0xa5: {  	v13 =	vld [tilespmem:s8+$0x280];
	v22 =	vmul.bf16 v58, v4;
	v10 =	vadd.bf16 v11, v10;
	v11 =	vmul.bf16 v21, v3  }
0xa6: {  	s10 =	sor.u32 $0x10, s11;
	s11 =	sor.u32 $0x20, s11;
	v52 =	vld [tilespmem:s29+$0x180];
	v12 =	vadd.bf16 v16, v12;
	v16 =	vmul.bf16 v27, v8;
	v14 =	vadd.bf16 v59, v14  }
0xa7: {  	s31 =	sor.u32 s11, s12;
	v15 =	vld [tilespmem:s7+$0x300];
	v10 =	vadd.bf16 v11, v10;
	v11 =	vadd.bf16 v57, v18;
	v18 =	vmul.bf16 v26, v7  }
0xa8: {  	v45 =	vld [tilespmem:s31+$0x0];
	v25 =	vmul.bf16 v60, v6;
	v46 =	vmul.bf16 v62, v7;
	v12 =	vadd.bf16 v16, v12  }
0xa9: {  	v56 =	vld [tilespmem:s31+$0x180];
	v16 =	vmul.bf16 v29, v8;
	v14 =	vadd.bf16 v63, v14;
	v11 =	vadd.bf16 v18, v11  }
0xaa: {  	v49 =	vmul.bf16 v38, v8;
	v17 =	vld [tilespmem:s2+$0x300];
	v13 =	vmul.bf16 v13, v5;
	v12 =	vadd.bf16 v37, v12  }
0xab: {  	v19 =	vld [tilespmem:s8+$0x380];
	v14 =	vadd.bf16 v39, v14;
	v11 =	vadd.bf16 v16, v11;
	v16 =	vmul.bf16 v32, v9  }
0xac: {  	v20 =	vld [tilespmem:s2+$0x380];
	v58 =	vmul.bf16 v50, v7;
	v15 =	vmul.bf16 v15, v3;
	v12 =	vadd.bf16 v42, v12  }
0xad: {  	v47 =	vld [tilespmem:s31+$0x80];
	v13 =	vadd.bf16 v13, v14;
	v11 =	vadd.bf16 v16, v11;
	v16 =	vmul.bf16 v34, v5  }
0xae: {  	s2 =	sor.u32 s10, s12;
	v14 =	vmul.bf16 v35, v3;
	v18 =	vld [tilespmem:s29+$0x80];
	v12 =	vadd.bf16 v15, v12;
	v15 =	vadd.bf16 v25, v22  }
0xaf: {  	v55 =	vmul.bf16 v45, v4;
	v40 =	vld [tilespmem:s2+$0x0];
	v17 =	vmul.bf16 v17, v3;
	v11 =	vadd.bf16 v16, v11  }
0xb0: {  	v43 =	vld [tilespmem:s2+$0x80];
	v19 =	vmul.bf16 v19, v2;
	v13 =	vadd.bf16 v14, v13;
	v15 =	vadd.bf16 v46, v15  }
0xb1: {  	v62 =	vmul.bf16 v56, v8;
	v16 =	vld [tilespmem:s6+$0x300];
	v11 =	vadd.bf16 v17, v11;
	v17 =	vmul.bf16 v20, v2  }
0xb2: {  	v13 =	vadd.bf16 v19, v13;
	v19 =	vmul.bf16 v41, v9;
	v15 =	vadd.bf16 v49, v15;
	v20 =	vld [tilespmem:s2+$0x100]  }
0xb3: {  	v51 =	vld [tilespmem:s31+$0x100];
	v18 =	vmul.bf16 v18, v6;
	v17 =	vadd.bf16 v17, v11;
	v11 =	vmul.bf16 v61, v4  }
0xb4: {  	v54 =	vld [tilespmem:s2+$0x180];
	v53 =	vmul.bf16 v40, v4;
	v15 =	vadd.bf16 v19, v15;
	v19 =	vmul.bf16 v44, v5  }
0xb5: {  	v10 =	vadd.bf16 v23, v10;
	v14 =	vld [tilespmem:s6+$0x380];
	v11 =	vadd.bf16 v18, v11;
	v18 =	vmul.bf16 v43, v6  }
0xb6: {  	v57 =	vld [tilespmem:s29+$0x200];
	v15 =	vadd.bf16 v19, v15;
	v19 =	vmul.bf16 v47, v6;
	v16 =	vmul.bf16 v16, v3  }
0xb7: {  	s5 =	sand.u32 $0xF80, s5;
	v59 =	vld [tilespmem:s2+$0x200];
	v12 =	vadd.bf16 v48, v12;
	v20 =	vmul.bf16 v20, v7;
	v18 =	vadd.bf16 v18, v53  }
0xb8: {  	s5 =	sadd.s32 $0x12C00, s5;
	v60 =	vld [tilespmem:s31+$0x200];
	v21 =	vmul.bf16 v52, v8;
	v15 =	vadd.bf16 v16, v15;
	v16 =	vadd.bf16 v19, v55  }
0xb9: {  	s0 =	sor.u32 s0, s5;
	v19 =	vmul.bf16 v51, v7;
	v11 =	vadd.bf16 v58, v11;
	v18 =	vadd.bf16 v20, v18;
	v20 =	vld [tilespmem:s29+$0x280]  }
0xba: {  	[tilespmem:s0+$0x0] =	vst v10;
	s0 =	simm.s32 $0x12C00;
	v10 =	vld [tilespmem:s2+$0x280];
	v14 =	vmul.bf16 v14, v2;
	v61 =	vmul.bf16 v54, v8  }
0xbb: {  	s3 =	sor.u32 s3, s5;
	s12 =	sand.u32 $0xF80, s9;
	v24 =	vmul.bf16 v57, v9;
	[tilespmem:s0+$0x0] =	vst v12;
	v16 =	vadd.bf16 v19, v16;
	v19 =	vadd.bf16 v21, v11;
	v11 =	vld [tilespmem:s31+$0x280]  }
0xbc: {  	s1 =	sor.u32 s1, s5;
	s25 =	sadd.s32 $0x12C00, s12;
	v63 =	vmul.bf16 v59, v9;
	[tilespmem:s3+$0x0] =	vst v13;
	v12 =	vld [tilespmem:s29+$0x300];
	v14 =	vadd.bf16 v14, v15;
	v23 =	vadd.bf16 v61, v18  }
0xbd: {  	s5 =	simm.s32 $0x80;
	s9 =	sor.u32 s10, s25;
	s30 =	sor.u32 s30, s25;
	v13 =	vld [tilespmem:s2+$0x300];
	[tilespmem:s1+$0x0] =	vst v17;
	v17 =	vadd.bf16 v62, v16;
	v15 =	vadd.bf16 v24, v19;
	v19 =	vmul.bf16 v60, v9  }
0xbe: {  	s7 =	sor.u32 s11, s25;
	s3 =	simm.s32 $0x400;
	s1 =	simm.s32 $0x4;
	[tilespmem:s30+$0x0] =	vst v14;
	v14 =	vld [tilespmem:s31+$0x300];
	v16 =	vadd.bf16 v63, v23;
	v18 =	vmul.bf16 v20, v5  }
.LBB2_3:
0xbf: {  	s11 =	sand.u32 $0x40, s5;
	s6 =	sand.u32 $0x7C00, s3;
	v20 =	vld [tilespmem:s29+$0x380];
	v10 =	vmul.bf16 v10, v5;
	v17 =	vadd.bf16 v19, v17  }
0xc0: {  	s1 =	sadd.s32 $0x4, s1;
	s12 =	sadd.s32 $0xC00, s6;
	s10 =	sor.u32 $0x30, s11;
	v15 =	vadd.bf16 v18, v15;
	v18 =	vld [tilespmem:s2+$0x380];
	v11 =	vmul.bf16 v11, v5  }
0xc1: {  	s6 =	sor.u32 $0x10, s11;
	p0 =	slt.u32 s1, $0xFC;
	s8 =	sor.u32 s10, s12;
	v12 =	vmul.bf16 v12, v3;
	v10 =	vadd.bf16 v10, v16;
	v16 =	vld [tilespmem:s31+$0x380]  }
0xc2: {  	s25 =	sor.u32 $0x20, s11;
	s29 =	sor.u32 s11, s12;
	s2 =	sor.u32 s6, s12;
	v19 =	vld [tilespmem:s8+$0x0];
	v13 =	vmul.bf16 v13, v3;
	v11 =	vadd.bf16 v11, v17  }
0xc3: {  	s31 =	sor.u32 s25, s12;
	v17 =	vld [tilespmem:s8+$0x80];
	v12 =	vadd.bf16 v12, v15;
	v14 =	vmul.bf16 v14, v3  }
0xc4: {  	v15 =	vld [tilespmem:s29+$0x0];
	v20 =	vmul.bf16 v20, v2;
	v10 =	vadd.bf16 v13, v10  }
0xc5: {  	v13 =	vld [tilespmem:s8+$0x100];
	v18 =	vmul.bf16 v18, v2;
	v11 =	vadd.bf16 v14, v11  }
0xc6: {  	v14 =	vld [tilespmem:s29+$0x80];
	v12 =	vadd.bf16 v20, v12;
	v16 =	vmul.bf16 v16, v2  }
0xc7: {  	s0 =	sadd.s32 $0x40, s0;
	v20 =	vld [tilespmem:s8+$0x180];
	v10 =	vadd.bf16 v18, v10  }
0xc8: {  	v19 =	vmul.bf16 v19, v4;
	v18 =	vld [tilespmem:s2+$0x0];
	v17 =	vmul.bf16 v17, v6;
	[tilespmem:s0+$0x0] =	vst v12;
	v11 =	vadd.bf16 v16, v11  }
0xc9: {  	v12 =	vmul.bf16 v15, v4;
	v15 =	vld [tilespmem:s8+$0x200];
	[tilespmem:s9+$0x0] =	vst v10  }
0xca: {  	v10 =	vld [tilespmem:s2+$0x80];
	v16 =	vadd.bf16 v17, v19;
	v13 =	vmul.bf16 v13, v7;
	[tilespmem:s7+$0x0] =	vst v11  }
0xcb: {  	v11 =	vmul.bf16 v14, v6;
	v14 =	vld [tilespmem:s8+$0x280]  }
0xcc: {  	v17 =	vld [tilespmem:s31+$0x0];
	v13 =	vadd.bf16 v13, v16;
	v16 =	vmul.bf16 v20, v8  }
0xcd: {  	v11 =	vadd.bf16 v11, v12;
	v12 =	vmul.bf16 v18, v4;
	v18 =	vld [tilespmem:s8+$0x300]  }
0xce: {  	v19 =	vld [tilespmem:s31+$0x80];
	v13 =	vadd.bf16 v16, v13;
	v15 =	vmul.bf16 v15, v9  }
0xcf: {  	v10 =	vmul.bf16 v10, v6;
	v16 =	vld [tilespmem:s8+$0x380]  }
0xd0: {  	v20 =	vld [tilespmem:s29+$0x100];
	v13 =	vadd.bf16 v15, v13;
	v14 =	vmul.bf16 v14, v5  }
0xd1: {  	v10 =	vadd.bf16 v10, v12;
	v12 =	vld [tilespmem:s2+$0x100];
	v15 =	vmul.bf16 v17, v4  }
0xd2: {  	v17 =	vld [tilespmem:s31+$0x100];
	v13 =	vadd.bf16 v14, v13;
	v14 =	vmul.bf16 v18, v3  }
0xd3: {  	v18 =	vld [tilespmem:s29+$0x180];
	v19 =	vmul.bf16 v19, v6  }
0xd4: {  	v21 =	vld [tilespmem:s2+$0x180];
	v13 =	vadd.bf16 v14, v13;
	v14 =	vmul.bf16 v16, v2  }
0xd5: {  	s7 =	sand.u32 $0xF80, s5;
	v16 =	vmul.bf16 v20, v7;
	v15 =	vadd.bf16 v19, v15;
	v19 =	vld [tilespmem:s31+$0x180]  }
0xd6: {  	s8 =	sadd.s32 $0x12C00, s7;
	v20 =	vld [tilespmem:s29+$0x200];
	v12 =	vmul.bf16 v12, v7;
	v13 =	vadd.bf16 v14, v13  }
0xd7: {  	s9 =	sor.u32 s6, s8;
	s7 =	sor.u32 s25, s8;
	s6 =	sor.u32 s10, s8;
	v11 =	vadd.bf16 v16, v11;
	v14 =	vld [tilespmem:s2+$0x200];
	v16 =	vmul.bf16 v17, v7  }
0xd8: {  	v17 =	vmul.bf16 v18, v8;
	v12 =	vadd.bf16 v12, v10;
	v18 =	vld [tilespmem:s31+$0x200];
	[tilespmem:s6+$0x0] =	vst v13  }
0xd9: {  	v22 =	vld [tilespmem:s29+$0x280];
	v13 =	vmul.bf16 v21, v8;
	v15 =	vadd.bf16 v16, v15  }
.Ltmp2:
0xda: {  	v16 =	vadd.bf16 v17, v11;
	v10 =	vld [tilespmem:s2+$0x280];
	v17 =	vmul.bf16 v19, v8;
	(pc) =	sbr.rel @p0 .LBB2_3-.Ltmp2, $4  }
0xdb: {  	v19 =	vmul.bf16 v20, v9;
	v20 =	vadd.bf16 v13, v12;
	v11 =	vld [tilespmem:s31+$0x280]  }
0xdc: {  	v12 =	vld [tilespmem:s29+$0x300];
	v14 =	vmul.bf16 v14, v9;
	v17 =	vadd.bf16 v17, v15  }
0xdd: {  	v15 =	vadd.bf16 v19, v16;
	v13 =	vld [tilespmem:s2+$0x300];
	v19 =	vmul.bf16 v18, v9  }
0xde: {  	s3 =	sadd.s32 $0x200, s3;
	s5 =	sadd.s32 $0x40, s5;
	v18 =	vmul.bf16 v22, v5;
	v16 =	vadd.bf16 v14, v20;
	v14 =	vld [tilespmem:s31+$0x300]  }
0xdf: {  	v4 =	vld [tilespmem:s29+$0x380]  }
0xe0: {  	v6 =	vld [tilespmem:s2+$0x380]  }
0xe1: {  	v7 =	vmul.bf16 v10, v5;
	v8 =	vadd.bf16 v19, v17;
	v9 =	vld [tilespmem:s31+$0x380];
	v5 =	vmul.bf16 v11, v5  }
0xe2: {  	v10 =	vadd.bf16 v18, v15;
	v11 =	vmul.bf16 v12, v3  }
0xe3: {  	v7 =	vadd.bf16 v7, v16;
	v12 =	vmul.bf16 v13, v3;
	v5 =	vadd.bf16 v5, v8  }
0xe4: {  	v8 =	vadd.bf16 v11, v10;
	v3 =	vmul.bf16 v14, v3;
	v4 =	vmul.bf16 v4, v2  }
0xe5: {  	v7 =	vadd.bf16 v12, v7;
	v6 =	vmul.bf16 v6, v2  }
0xe6: {  	v2 =	vmul.bf16 v9, v2;
	v3 =	vadd.bf16 v3, v5;
	v4 =	vadd.bf16 v4, v8  }
0xe7: {  	s0 =	sadd.s32 $0x40, s0;
	s29 =	sshll.u32 s28, $0x2;
	v5 =	vadd.bf16 v6, v7  }
0xe8: {  	v2 =	vadd.bf16 v2, v3;
	[tilespmem:s0+$0x0] =	vst v4;
	s0 =	sor.u32 $0x2, s29  }
0xe9: {  	[tilespmem:s9+$0x0] =	vst v5;
	s1 =	sshll.u32 s0, $0x3  }
0xea: {  	[tilespmem:s7+$0x0] =	vst v2;
	s1 =	sand.u32 $0x3FFFFFF0, s1  }
0xeb: {  	v2 =	vld.msk [tilespmem:s1+$0x0], $0xff;
	_ =	sdelay $0x4  }
0xec: {  	v3 =	vshll.u32 v2, $0x5  }
0xed: {  	v2 =	vand.u32 $0x3, v2;
	v3 =	vand.u32 $0xFFFFFF80, v3  }
0xee: {  	v2 =	vor.u32 v2, v3  }
0xef: {  	v2 =	vperm.xlane v2, v0;
	_ =	sdelay $0x1  }
0xf0: {  	v2 =	vadd.s32 v1, v2;
	_ =	sdelay $0x3  }
0xf1: {  	s10 =	rddreg [dreg:$0x0];
	s11 =	simm.s32 $0xC00  }
0xf2: {  	[tilespmem:s11], [sflag:$0x1] =	stream.indirect_vreg.gather [hbm4b:s10+s4], $0x80, v2, vm0, $0xb8;
	[tilespmem:$0x13C00] =	vst v63  }
0xf3: {  	s25 =	simm.s32 $0x1400;
	s12 =	rddreg [dreg:$0xa]  }
0xf4: {  	[tilespmem:s25], [sflag:$0x1] =	stream.indirect_vreg.gather [hbm4b:s12+s4], $0x80, v2, vm0, $0xb8;
	[tilespmem:$0x13C00] =	vst v63  }
0xf5: {  	s5 =	simm.s32 $0x1C00;
	s3 =	rddreg [dreg:$0xb]  }
0xf6: {  	[tilespmem:s5], [sflag:$0x1] =	stream.indirect_vreg.gather [hbm4b:s3+s4], $0x80, v2, vm0, $0xb8;
	[tilespmem:$0x13C00] =	vst v63  }
0xf7: {  	s6 =	simm.s32 $0x2400  }
0xf8: {  	[tilespmem:s6], [sflag:$0x1] =	stream.indirect_vreg.gather [hbm4b:s15+s4], $0x80, v2, vm0, $0xb8;
	[tilespmem:$0x13C00] =	vst v63  }
0xf9: {  	s7 =	simm.s32 $0x2C00  }
0xfa: {  	[tilespmem:s7], [sflag:$0x1] =	stream.indirect_vreg.gather [hbm4b:s13+s4], $0x80, v2, vm0, $0xb8;
	[tilespmem:$0x13C00] =	vst v63  }
0xfb: {  	s8 =	simm.s32 $0x3400  }
0xfc: {  	[tilespmem:s8], [sflag:$0x1] =	stream.indirect_vreg.gather [hbm4b:s16+s4], $0x80, v2, vm0, $0xb8;
	[tilespmem:$0x13C00] =	vst v63  }
0xfd: {  	s9 =	simm.s32 $0x3C00  }
0xfe: {  	[tilespmem:s9], [sflag:$0x1] =	stream.indirect_vreg.gather [hbm4b:s14+s4], $0x80, v2, vm0, $0xb8;
	[tilespmem:$0x13C00] =	vst v63  }
0xff: {  	s10 =	simm.s32 $0x4400  }
0x100: {  	[tilespmem:s10], [sflag:$0x1] =	stream.indirect_vreg.gather [hbm4b:s17+s4], $0x80, v2, vm0, $0xb8;
	[tilespmem:$0x13C00] =	vst v63  }
0x101: {  	s11 =	simm.s32 $0x4C00  }
0x102: {  	[tilespmem:s11], [sflag:$0x1] =	stream.indirect_vreg.gather [hbm4b:s18+s4], $0x80, v2, vm0, $0xb8;
	[tilespmem:$0x13C00] =	vst v63  }
0x103: {  	s12 =	simm.s32 $0x5400  }
0x104: {  	[tilespmem:s12], [sflag:$0x1] =	stream.indirect_vreg.gather [hbm4b:s19+s4], $0x80, v2, vm0, $0xb8;
	[tilespmem:$0x13C00] =	vst v63  }
0x105: {  	s25 =	simm.s32 $0x5C00  }
0x106: {  	[tilespmem:s25], [sflag:$0x1] =	stream.indirect_vreg.gather [hbm4b:s20+s4], $0x80, v2, vm0, $0xb8;
	[tilespmem:$0x13C00] =	vst v63  }
0x107: {  	s2 =	simm.s32 $0x6400  }
0x108: {  	[tilespmem:s2], [sflag:$0x1] =	stream.indirect_vreg.gather [hbm4b:s21+s4], $0x80, v2, vm0, $0xb8;
	[tilespmem:$0x13C00] =	vst v63  }
0x109: {  	s3 =	simm.s32 $0x6C00  }
0x10a: {  	[tilespmem:s3], [sflag:$0x1] =	stream.indirect_vreg.gather [hbm4b:s22+s4], $0x80, v2, vm0, $0xb8;
	[tilespmem:$0x13C00] =	vst v63  }
0x10b: {  	s0 =	sshll.u32 s0, $0xA;
	s5 =	simm.s32 $0x7400;
	s8 =	rddreg [dreg:$0x7]  }
0x10c: {  	[tilespmem:s5], [sflag:$0x1] =	stream.indirect_vreg.gather [hbm4b:s23+s4], $0x80, v2, vm0, $0xb8;
	[tilespmem:$0x13C00] =	vst v63  }
0x10d: {  	s6 =	simm.s32 $0x7C00;
	s0 =	sadd.s32 s8, s0  }
0x10e: {  	[tilespmem:s6], [sflag:$0x1] =	stream.indirect_vreg.gather [hbm4b:s24+s4], $0x80, v2, vm0, $0xb8;
	[tilespmem:$0x13C00] =	vst v63  }
0x10f: {  	s7 =	simm.s32 $0x8400;
	s0 =	sshrl.u32 s0, $0x3;
	s9 =	rddreg [dreg:$0x5]  }
0x110: {  	[tilespmem:s7], [sflag:$0x1] =	stream.indirect_vreg.gather [hbm4b:s26+s4], $0x80, v2, vm0, $0xb8;
	[tilespmem:$0x13C00] =	vst v63  }
0x111: {  	s0 =	sadd.s32 s9, s0;
	s10 =	simm.s32 $0x400;
	s11 =	simm.s32 $0x2  }
0x112: {  	[tilespmem:s10], [sflag:$0x5] =	stream.linear.gather [hbm4b:s0+s4], $0x400, $0x38;
	[tilespmem:$0x13C00] =	vst v63  }
0x113: {  	_ =	swait.ge [sflag:s11], $0x8000  }
0x114: {  	[sflag:s11] =	ssyncset.done $0x0  }
0x115: {  	s12 =	simm.s32 $0x6;
	[sflag:s11] =	ssyncadd.s32 $0xFFFF8000  }
0x116: {  	_ =	swait.ge [sflag:s12], $0x400  }
0x117: {  	p0 =	seq.s32 s28, $0x0;
	[sflag:s12] =	ssyncset.done $0x0  }
0x118: {  	s0 =	simm.s32 @!p0 $0x3;
	[sflag:s12] =	ssyncadd.s32 $0xFFFFFC00  }
0x119: {  	_ =	swait.ge @!p0 [sflag:s0], $0x1000  }
0x11a: {  	[sflag:s0] =	ssyncset.done @!p0 $0x0  }
0x11b: {  	[sflag:s0] =	ssyncadd.s32 @!p0 $0xFFFFF000  }
0x11c: {  	v3 =	vld [tilespmem:$0x800]  }
0x11d: {  	v4 =	vld [tilespmem:$0x880]  }
0x11e: {  	v6 =	vld [tilespmem:$0x900]  }
0x11f: {  	v7 =	vld [tilespmem:$0x980]  }
0x120: {  	v8 =	vld [tilespmem:$0xA00]  }
0x121: {  	s25 =	simm.s32 $0x0;
	v9 =	vld [tilespmem:$0xA80]  }
0x122: {  	s8 =	sand.u32 $0x7C00, s25;
	s7 =	sand.u32 $0x40, s25;
	v5 =	vld [tilespmem:$0xB00]  }
0x123: {  	s3 =	simm.s32 $0x12C00;
	s5 =	sadd.s32 $0x8C00, s8;
	s9 =	sor.u32 $0x30, s7;
	v2 =	vld [tilespmem:$0xB80]  }
0x124: {  	s8 =	sor.u32 s9, s5;
	v10 =	vld [tilespmem:s3+$0x0]  }
0x125: {  	v11 =	vld [tilespmem:s8+$0x0]  }
0x126: {  	s10 =	sor.u32 s7, s5;
	v12 =	vld [tilespmem:s8+$0x80]  }
0x127: {  	v13 =	vld [tilespmem:s10+$0x0]  }
0x128: {  	v14 =	vld [tilespmem:s8+$0x100]  }
0x129: {  	s11 =	sor.u32 $0x10, s7;
	v15 =	vld [tilespmem:s10+$0x80]  }
0x12a: {  	s6 =	sor.u32 s11, s5;
	v16 =	vld [tilespmem:s8+$0x180]  }
0x12b: {  	v17 =	vld [tilespmem:s6+$0x0]  }
0x12c: {  	v18 =	vld [tilespmem:s8+$0x200]  }
0x12d: {  	s2 =	sor.u32 $0x20, s7;
	v19 =	vld [tilespmem:s6+$0x80]  }
0x12e: {  	s5 =	sor.u32 s2, s5;
	v20 =	vld [tilespmem:s8+$0x280]  }
0x12f: {  	v21 =	vld [tilespmem:s5+$0x0]  }
0x130: {  	v22 =	vld [tilespmem:s8+$0x300]  }
0x131: {  	v23 =	vld [tilespmem:s5+$0x80]  }
0x132: {  	v24 =	vld [tilespmem:s8+$0x380]  }
0x133: {  	s12 =	sand.u32 $0xF80, s25;
	v25 =	vld [tilespmem:s10+$0x100]  }
0x134: {  	s0 =	sor.u32 s12, s9;
	v26 =	vld [tilespmem:s6+$0x100]  }
0x135: {  	v27 =	vld [tilespmem:s0+$0x12C00]  }
0x136: {  	v28 =	vld [tilespmem:s10+$0x180]  }
0x137: {  	v29 =	vld [tilespmem:s5+$0x180]  }
0x138: {  	v30 =	vld [tilespmem:s6+$0x200]  }
0x139: {  	v31 =	vld [tilespmem:s10+$0x280];
	v11 =	vmul.bf16 v11, v3;
	v12 =	vmul.bf16 v12, v4  }
0x13a: {  	s1 =	sor.u32 s12, s11;
	v32 =	vld [tilespmem:s5+$0x280];
	v13 =	vmul.bf16 v13, v3;
	v15 =	vmul.bf16 v15, v4  }
0x13b: {  	v36 =	vld [tilespmem:s1+$0x12C00];
	v17 =	vmul.bf16 v17, v3;
	v19 =	vmul.bf16 v19, v4  }
0x13c: {  	v60 =	vld [tilespmem:s10+$0x300];
	v21 =	vmul.bf16 v21, v3;
	v23 =	vmul.bf16 v23, v4;
	v61 =	vunpack.i.u.bf16.f32 v27  }
0x13d: {  	v33 =	vmul.bf16 v28, v7;
	v11 =	vadd.bf16 v12, v11;
	v12 =	vmul.bf16 v14, v6;
	v14 =	vld [tilespmem:s5+$0x100]  }
0x13e: {  	v63 =	vld [tilespmem:s10+$0x380];
	v62 =	vunpack.i.l.bf16.f32 v27;
	v35 =	vmul.bf16 v29, v7;
	v37 =	vmul.bf16 v30, v8  }
0x13f: {  	v40 =	vunpack.i.u.bf16.f32 v10;
	v11 =	vadd.bf16 v12, v11;
	v12 =	vmul.bf16 v16, v7;
	v16 =	vld [tilespmem:s6+$0x180]  }
0x140: {  	v34 =	vld [tilespmem:s6+$0x380];
	v43 =	vunpack.i.u.bf16.f32 v36;
	v13 =	vadd.bf16 v15, v13;
	v15 =	vadd.bf16 v19, v17  }
0x141: {  	v17 =	vmul.bf16 v25, v6;
	v19 =	vld [tilespmem:s6+$0x300];
	v11 =	vadd.bf16 v12, v11;
	v12 =	vmul.bf16 v18, v8  }
0x142: {  	v21 =	vadd.bf16 v23, v21;
	v23 =	vmul.bf16 v26, v6;
	v18 =	vld [tilespmem:s10+$0x200];
	v14 =	vmul.bf16 v14, v6  }
0x143: {  	s25 =	simm.s32 $0x200;
	v25 =	vunpack.i.l.bf16.f32 v36;
	v11 =	vadd.bf16 v12, v11;
	v12 =	vmul.bf16 v20, v9;
	v20 =	vld [tilespmem:s5+$0x200]  }
0x144: {  	s8 =	simm.s32 $0x40;
	s3 =	sand.u32 $0x7C00, s25;
	v15 =	vadd.bf16 v23, v15;
	v16 =	vmul.bf16 v16, v7;
	v14 =	vadd.bf16 v14, v21;
	v21 =	vld [tilespmem:s5+$0x380]  }
0x145: {  	s2 =	sor.u32 s12, s2;
	s7 =	sadd.s32 $0x8C00, s3;
	v13 =	vadd.bf16 v17, v13;
	v11 =	vadd.bf16 v12, v11;
	v12 =	vmul.bf16 v22, v5;
	v22 =	vld [tilespmem:s6+$0x280];
	s6 =	sand.u32 $0x40, s8  }
0x146: {  	v10 =	vunpack.i.l.bf16.f32 v10;
	v25 =	vadd.f32 v25, v43;
	s10 =	sor.u32 $0x30, s6;
	v15 =	vadd.bf16 v16, v15;
	v16 =	vld [tilespmem:s2+$0x12C00];
	s3 =	sor.u32 s6, s7  }
0x147: {  	v26 =	vmul.bf16 v34, v2;
	v17 =	vadd.f32 v62, v61;
	v13 =	vadd.bf16 v33, v13;
	s11 =	sor.u32 s10, s7;
	v41 =	vld [tilespmem:s3+$0x80]  }
0x148: {  	v18 =	vmul.bf16 v18, v8;
	s12 =	sor.u32 $0x10, s6;
	v11 =	vadd.bf16 v12, v11;
	v12 =	vmul.bf16 v24, v2;
	v38 =	vld [tilespmem:s11+$0x0]  }
0x149: {  	v14 =	vadd.bf16 v35, v14;
	v24 =	vmul.bf16 v60, v5;
	s25 =	sor.u32 s12, s7;
	v20 =	vmul.bf16 v20, v8;
	v39 =	vld [tilespmem:s11+$0x100]  }
0x14a: {  	v13 =	vadd.bf16 v18, v13;
	v18 =	vmul.bf16 v31, v9;
	v45 =	vld [tilespmem:s25+$0x0];
	v11 =	vadd.bf16 v12, v11  }
0x14b: {  	v15 =	vadd.bf16 v37, v15;
	v46 =	vld [tilespmem:s25+$0x80];
	v22 =	vmul.bf16 v22, v9;
	v14 =	vadd.bf16 v20, v14  }
0x14c: {  	s6 =	sor.u32 $0x20, s6;
	v12 =	vld [tilespmem:s5+$0x300];
	v13 =	vadd.bf16 v18, v13;
	v23 =	vunpack.i.u.bf16.f32 v11;
	v11 =	vunpack.i.l.bf16.f32 v11  }
0x14d: {  	s9 =	sor.u32 s6, s7;
	v18 =	vmul.bf16 v32, v9;
	v51 =	vunpack.i.u.bf16.f32 v16;
	v11 =	vadd.f32 v11, v23;
	v23 =	vld [tilespmem:s11+$0x80]  }
0x14e: {  	v48 =	vld [tilespmem:s9+$0x0];
	v16 =	vunpack.i.l.bf16.f32 v16;
	v13 =	vadd.bf16 v24, v13;
	v24 =	vmul.bf16 v41, v4  }
0x14f: {  	v55 =	vld [tilespmem:s9+$0x180];
	v14 =	vadd.bf16 v18, v14;
	v42 =	vmul.bf16 v38, v3;
	v47 =	vmul.bf16 v39, v6  }
0x150: {  	v20 =	vld [tilespmem:s3+$0x0];
	v53 =	vmul.bf16 v45, v3;
	v54 =	vmul.bf16 v46, v4;
	v17 =	vpack.i.f32.bf16 v11, v17  }
0x151: {  	v11 =	vadd.bf16 v22, v15;
	v15 =	vmul.bf16 v19, v5;
	v19 =	vld [tilespmem:s11+$0x180];
	v12 =	vmul.bf16 v12, v5  }
0x152: {  	v58 =	vld [tilespmem:s3+$0x280];
	v16 =	vadd.f32 v16, v51;
	v22 =	vmul.bf16 v63, v2;
	v23 =	vmul.bf16 v23, v4  }
0x153: {  	v18 =	vld [tilespmem:s11+$0x200];
	v29 =	vmul.bf16 v48, v3;
	v11 =	vadd.bf16 v15, v11;
	v12 =	vadd.bf16 v12, v14  }
0x154: {  	v49 =	vld [tilespmem:s9+$0x80];
	v61 =	vmul.bf16 v55, v7;
	v13 =	vadd.bf16 v22, v13;
	v23 =	vadd.bf16 v23, v42  }
0x155: {  	v15 =	vld [tilespmem:s11+$0x280];
	v22 =	vadd.f32 v10, v40;
	v10 =	vmul.bf16 v21, v2;
	v11 =	vadd.bf16 v26, v11  }
0x156: {  	v20 =	vmul.bf16 v20, v3;
	v14 =	vld [tilespmem:s11+$0x300];
	v19 =	vmul.bf16 v19, v7;
	v23 =	vadd.bf16 v47, v23  }
0x157: {  	v21 =	vld [tilespmem:s11+$0x380];
	s11 =	sand.u32 $0xF80, s8;
	v10 =	vadd.bf16 v10, v12;
	v12 =	vunpack.i.u.bf16.f32 v11;
	v11 =	vunpack.i.l.bf16.f32 v11  }
0x158: {  	v18 =	vmul.bf16 v18, v8;
	s8 =	sor.u32 s11, s10;
	v11 =	vadd.f32 v11, v12;
	v12 =	vld [tilespmem:s3+$0x100];
	v19 =	vadd.bf16 v19, v23  }
0x159: {  	v20 =	vadd.bf16 v24, v20;
	v44 =	vunpack.i.u.bf16.f32 v13;
	v13 =	vunpack.i.l.bf16.f32 v13;
	v52 =	vld [tilespmem:s8+$0x12C00]  }
0x15a: {  	v26 =	vmul.bf16 v49, v4;
	v15 =	vmul.bf16 v15, v9;
	v23 =	vld [tilespmem:s25+$0x100];
	v18 =	vadd.bf16 v18, v19  }
0x15b: {  	v50 =	vunpack.i.u.bf16.f32 v10;
	v10 =	vunpack.i.l.bf16.f32 v10;
	v25 =	vpack.i.f32.bf16 v11, v25;
	v11 =	vld [tilespmem:s3+$0x180]  }
0x15c: {  	v10 =	vadd.f32 v10, v50;
	v14 =	vmul.bf16 v14, v5;
	v19 =	vld [tilespmem:s9+$0x100];
	v15 =	vadd.bf16 v15, v18  }
0x15d: {  	v13 =	vadd.f32 v13, v44;
	v26 =	vadd.bf16 v26, v29;
	v12 =	vmul.bf16 v12, v6;
	v18 =	vld [tilespmem:s25+$0x180]  }
0x15e: {  	v16 =	vpack.i.f32.bf16 v10, v16;
	v14 =	vadd.bf16 v14, v15;
	v15 =	vmul.bf16 v21, v2;
	v21 =	vld [tilespmem:s3+$0x200]  }
0x15f: {  	v57 =	vld [tilespmem:s9+$0x200];
	v10 =	vadd.bf16 v54, v53;
	v23 =	vmul.bf16 v23, v6;
	v12 =	vadd.bf16 v12, v20  }
0x160: {  	v56 =	vld [tilespmem:s25+$0x200];
	v20 =	vunpack.i.l.bf16.f32 v52;
	v14 =	vadd.bf16 v15, v14;
	v15 =	vunpack.i.u.bf16.f32 v52  }
0x161: {  	v60 =	vld [tilespmem:s25+$0x280];
	v19 =	vmul.bf16 v19, v6;
	v10 =	vadd.bf16 v23, v10;
	v20 =	vadd.f32 v20, v15  }
0x162: {  	v23 =	vld [tilespmem:s3+$0x300];
	v15 =	vmul.bf16 v11, v7;
	v59 =	vunpack.i.u.bf16.f32 v14;
	v14 =	vunpack.i.l.bf16.f32 v14  }
0x163: {  	v18 =	vmul.bf16 v18, v7;
	v29 =	vadd.f32 v14, v59;
	v14 =	vmul.bf16 v21, v8;
	v21 =	vld [tilespmem:s9+$0x280]  }
0x164: {  	v62 =	vmul.bf16 v57, v8;
	v19 =	vadd.bf16 v19, v26;
	v11 =	vld [tilespmem:s3+$0x380];
	v12 =	vadd.bf16 v15, v12  }
0x165: {  	v63 =	vmul.bf16 v58, v9;
	[tilespmem:s0+$0x10C00] =	vst v17;
	v17 =	vadd.bf16 v18, v10;
	v18 =	vmul.bf16 v56, v8;
	v15 =	vld [tilespmem:s25+$0x300]  }
0x166: {  	s31 =	simm.s32 $0x12C40;
	v13 =	vpack.i.f32.bf16 v13, v22;
	[tilespmem:s2+$0x10C00] =	vst v16;
	s2 =	simm.s32 $0x10C00;
	v19 =	vadd.bf16 v61, v19;
	v12 =	vadd.bf16 v14, v12;
	v14 =	vld [tilespmem:s9+$0x300]  }
0x167: {  	v22 =	vmul.bf16 v60, v9;
	[tilespmem:s2+$0x0] =	vst v13;
	v10 =	vld [tilespmem:s31+$0x0];
	v16 =	vadd.bf16 v18, v17;
	v13 =	vpack.i.f32.bf16 v29, v20  }
0x168: {  	s30 =	simm.s32 $0x4;
	s5 =	simm.s32 $0x400;
	[tilespmem:s1+$0x10C00] =	vst v25;
	v18 =	vadd.bf16 v62, v19;
	v17 =	vadd.bf16 v63, v12;
	v12 =	vld [tilespmem:s25+$0x380];
	v20 =	vmul.bf16 v21, v9  }
0x169: {  	s0 =	sor.u32 s11, s6;
	s1 =	simm.s32 $0x80;
	s3 =	sor.u32 s11, s12;
	v19 =	vmul.bf16 v23, v5;
	[tilespmem:s8+$0x10C00] =	vst v13;
	v13 =	vld [tilespmem:s9+$0x380];
	v16 =	vadd.bf16 v22, v16  }
.LBB2_5:
0x16a: {  	s8 =	sand.u32 $0x40, s1;
	s6 =	sand.u32 $0x7C00, s5;
	v15 =	vmul.bf16 v15, v5;
	v21 =	vld [tilespmem:s3+$0x12C00];
	v18 =	vadd.bf16 v20, v18;
	s31 =	sadd.s32 $0x40, s31  }
0x16b: {  	s30 =	sadd.s32 $0x4, s30;
	s10 =	sadd.s32 $0x8C00, s6;
	s9 =	sor.u32 $0x30, s8;
	v17 =	vadd.bf16 v19, v17;
	v14 =	vmul.bf16 v14, v5;
	v19 =	vld [tilespmem:s0+$0x12C00]  }
0x16c: {  	v22 =	vunpack.i.u.bf16.f32 v10;
	s6 =	sor.u32 $0x10, s8;
	p1 =	slt.u32 s30, $0xFC;
	v20 =	vld [tilespmem:s31+$0x0];
	s11 =	sor.u32 s9, s10;
	v11 =	vmul.bf16 v11, v2;
	v15 =	vadd.bf16 v15, v16  }
0x16d: {  	v10 =	vunpack.i.l.bf16.f32 v10;
	s25 =	sor.u32 s8, s10;
	s7 =	sor.u32 s6, s10;
	s8 =	sor.u32 $0x20, s8;
	v16 =	vld [tilespmem:s11+$0x0];
	v12 =	vmul.bf16 v12, v2;
	v14 =	vadd.bf16 v14, v18  }
0x16e: {  	s10 =	sor.u32 s8, s10;
	v18 =	vld [tilespmem:s11+$0x80];
	v11 =	vadd.bf16 v11, v17;
	v17 =	vadd.f32 v10, v22;
	v27 =	vmul.bf16 v13, v2  }
0x16f: {  	v13 =	vld [tilespmem:s25+$0x0];
	v12 =	vadd.bf16 v12, v15;
	v15 =	vunpack.i.u.bf16.f32 v21;
	v21 =	vunpack.i.l.bf16.f32 v21  }
0x170: {  	v22 =	vld [tilespmem:s11+$0x100];
	v23 =	vunpack.i.u.bf16.f32 v11;
	v11 =	vunpack.i.l.bf16.f32 v11;
	v14 =	vadd.bf16 v27, v14  }
0x171: {  	v26 =	vunpack.i.u.bf16.f32 v19;
	v24 =	vld [tilespmem:s25+$0x80];
	v25 =	vunpack.i.u.bf16.f32 v12;
	v12 =	vunpack.i.l.bf16.f32 v12;
	v10 =	vmovc v20  }
0x172: {  	v19 =	vunpack.i.l.bf16.f32 v19;
	v20 =	vld [tilespmem:s11+$0x180];
	v27 =	vunpack.i.u.bf16.f32 v14;
	v14 =	vunpack.i.l.bf16.f32 v14  }
0x173: {  	v11 =	vadd.f32 v11, v23;
	v16 =	vmul.bf16 v16, v3;
	v28 =	vld [tilespmem:s7+$0x0];
	v18 =	vmul.bf16 v18, v4  }
0x174: {  	v12 =	vadd.f32 v12, v25;
	v14 =	vadd.f32 v14, v27;
	v13 =	vmul.bf16 v13, v3;
	v23 =	vld [tilespmem:s11+$0x200]  }
0x175: {  	v15 =	vadd.f32 v21, v15;
	v25 =	vld [tilespmem:s7+$0x80];
	v16 =	vadd.bf16 v18, v16;
	v18 =	vmul.bf16 v22, v6  }
0x176: {  	s2 =	sadd.s32 $0x40, s2;
	v11 =	vpack.i.f32.bf16 v11, v17;
	v17 =	vadd.f32 v19, v26;
	v21 =	vmul.bf16 v24, v4;
	v22 =	vld [tilespmem:s11+$0x280]  }
0x177: {  	v19 =	vld [tilespmem:s10+$0x0];
	v16 =	vadd.bf16 v18, v16;
	v18 =	vmul.bf16 v20, v7;
	[tilespmem:s2+$0x0] =	vst v11;
	v11 =	vpack.i.f32.bf16 v12, v15  }
0x178: {  	v12 =	vadd.bf16 v21, v13;
	v13 =	vmul.bf16 v28, v3;
	v15 =	vld [tilespmem:s11+$0x300];
	[tilespmem:s3+$0x10C00] =	vst v11;
	v11 =	vpack.i.f32.bf16 v14, v17  }
0x179: {  	v14 =	vld [tilespmem:s10+$0x80];
	v16 =	vadd.bf16 v18, v16;
	v17 =	vmul.bf16 v23, v8;
	[tilespmem:s0+$0x10C00] =	vst v11  }
0x17a: {  	v11 =	vmul.bf16 v25, v4;
	v18 =	vld [tilespmem:s11+$0x380]  }
0x17b: {  	s11 =	sand.u32 $0xF80, s1;
	v20 =	vld [tilespmem:s25+$0x100];
	v16 =	vadd.bf16 v17, v16;
	v17 =	vmul.bf16 v22, v9  }
0x17c: {  	s3 =	sor.u32 s11, s6;
	s0 =	sor.u32 s11, s8;
	s6 =	sor.u32 s11, s9;
	v11 =	vadd.bf16 v11, v13;
	v13 =	vld [tilespmem:s7+$0x100];
	v19 =	vmul.bf16 v19, v3  }
0x17d: {  	v16 =	vadd.bf16 v17, v16;
	v15 =	vmul.bf16 v15, v5;
	v17 =	vld [tilespmem:s6+$0x12C00]  }
0x17e: {  	v14 =	vmul.bf16 v14, v4;
	v21 =	vld [tilespmem:s10+$0x100]  }
0x17f: {  	v22 =	vld [tilespmem:s25+$0x180];
	v15 =	vadd.bf16 v15, v16;
	v16 =	vmul.bf16 v18, v2  }
0x180: {  	v18 =	vmul.bf16 v20, v6;
	v20 =	vld [tilespmem:s7+$0x180];
	v14 =	vadd.bf16 v14, v19  }
0x181: {  	v13 =	vmul.bf16 v13, v6;
	v19 =	vld [tilespmem:s10+$0x180];
	v15 =	vadd.bf16 v16, v15  }
0x182: {  	v12 =	vadd.bf16 v18, v12;
	v16 =	vld [tilespmem:s25+$0x200];
	v18 =	vunpack.i.u.bf16.f32 v17  }
0x183: {  	v17 =	vunpack.i.l.bf16.f32 v17;
	v23 =	vld [tilespmem:s7+$0x200];
	v24 =	vunpack.i.u.bf16.f32 v15;
	v15 =	vunpack.i.l.bf16.f32 v15  }
0x184: {  	v21 =	vmul.bf16 v21, v6;
	v17 =	vadd.f32 v17, v18;
	v25 =	vld [tilespmem:s10+$0x200];
	v15 =	vadd.f32 v15, v24  }
0x185: {  	v11 =	vadd.bf16 v13, v11;
	v18 =	vmul.bf16 v22, v7;
	v22 =	vld [tilespmem:s25+$0x280];
	v13 =	vmul.bf16 v20, v7  }
0x186: {  	v14 =	vadd.bf16 v21, v14;
	v20 =	vld [tilespmem:s7+$0x280];
	v19 =	vmul.bf16 v19, v7;
	v15 =	vpack.i.f32.bf16 v15, v17  }
0x187: {  	v12 =	vadd.bf16 v18, v12;
	v16 =	vmul.bf16 v16, v8;
	v11 =	vadd.bf16 v13, v11;
	v13 =	vld [tilespmem:s10+$0x280];
	[tilespmem:s6+$0x10C00] =	vst v15  }
0x188: {  	v21 =	vld [tilespmem:s25+$0x300];
	v17 =	vmul.bf16 v23, v8;
	v18 =	vadd.bf16 v19, v14  }
.Ltmp3:
0x189: {  	v12 =	vadd.bf16 v16, v12;
	v15 =	vld [tilespmem:s7+$0x300];
	v16 =	vmul.bf16 v25, v8;
	(pc) =	sbr.rel @p1 .LBB2_5-.Ltmp3, $4  }
0x18a: {  	v19 =	vmul.bf16 v22, v9;
	v22 =	vadd.bf16 v17, v11;
	v14 =	vld [tilespmem:s10+$0x300]  }
0x18b: {  	v11 =	vld [tilespmem:s25+$0x380];
	v23 =	vmul.bf16 v20, v9;
	v18 =	vadd.bf16 v16, v18  }
0x18c: {  	v17 =	vadd.bf16 v19, v12;
	v12 =	vld [tilespmem:s7+$0x380];
	v20 =	vmul.bf16 v13, v9  }
0x18d: {  	s5 =	sadd.s32 $0x200, s5;
	s1 =	sadd.s32 $0x40, s1;
	v19 =	vmul.bf16 v21, v5;
	v16 =	vadd.bf16 v23, v22;
	v13 =	vld [tilespmem:s10+$0x380]  }
0x18e: {  	v3 =	vmul.bf16 v15, v5;
	v4 =	vld [tilespmem:s3+$0x12C00]  }
0x18f: {  	v6 =	vadd.bf16 v20, v18;
	v8 =	vld [tilespmem:s0+$0x12C00];
	v7 =	vadd.bf16 v19, v17;
	v5 =	vmul.bf16 v14, v5  }
0x190: {  	v9 =	vmul.bf16 v11, v2;
	v11 =	vunpack.i.u.bf16.f32 v10;
	v3 =	vadd.bf16 v3, v16  }
0x191: {  	v10 =	vunpack.i.l.bf16.f32 v10;
	v12 =	vmul.bf16 v12, v2;
	v5 =	vadd.bf16 v5, v6  }
0x192: {  	v6 =	vadd.bf16 v9, v7;
	v7 =	vadd.f32 v10, v11;
	v2 =	vmul.bf16 v13, v2  }
0x193: {  	v3 =	vadd.bf16 v12, v3;
	v9 =	vunpack.i.u.bf16.f32 v4;
	v4 =	vunpack.i.l.bf16.f32 v4  }
0x194: {  	v11 =	vunpack.i.u.bf16.f32 v8;
	v8 =	vunpack.i.l.bf16.f32 v8;
	v10 =	vunpack.i.u.bf16.f32 v6  }
0x195: {  	v6 =	vunpack.i.l.bf16.f32 v6;
	v2 =	vadd.bf16 v2, v5;
	v4 =	vadd.f32 v4, v9  }
0x196: {  	s1 =	rddreg [dreg:$0x4];
	v5 =	vunpack.i.u.bf16.f32 v3;
	v3 =	vunpack.i.l.bf16.f32 v3;
	v6 =	vadd.f32 v6, v10  }
0x197: {  	s2 =	sadd.s32 $0x40, s2;
	s6 =	rddreg [dreg:$0x2];
	s1 =	sor.u32 s29, s1;
	v12 =	vunpack.i.u.bf16.f32 v2;
	v2 =	vunpack.i.l.bf16.f32 v2;
	v3 =	vadd.f32 v3, v5  }
0x198: {  	s8 =	simm.s32 $0x80;
	s9 =	simm.s32 $0x200;
	s5 =	sshll.u32 s1, $0x3;
	v2 =	vadd.f32 v2, v12;
	v5 =	vpack.i.f32.bf16 v6, v7;
	v6 =	vadd.f32 v8, v11  }
0x199: {  	s31 =	sor.u32 $0x3, s29;
	s1 =	sshll.u32 s1, $0x8;
	s5 =	sand.u32 $0x20, s5;
	[tilespmem:s2+$0x0] =	vst v5;
	v3 =	vpack.i.f32.bf16 v3, v4  }
0x19a: {  	s11 =	sshll.u32 s31, $0x3;
	s1 =	sand.u32 $0xFFFF800, s1;
	s2 =	sadd.s32 s6, s5;
	[tilespmem:s3+$0x10C00] =	vst v3;
	v2 =	vpack.i.f32.bf16 v2, v6  }
0x19b: {  	s10 =	simm.s32 $0x10C00;
	s7 =	sadd.s32 s1, s2;
	[tilespmem:s0+$0x10C00] =	vst v2;
	s0 =	sand.u32 $0x3FFFFFF8, s11  }
0x19c: {  	[hbm4b:s7+s8] =	stream.strided.scatter [tilespmem:s10], [sflag:$0x3], $0x1000, s9, s8, $0x38;
	[tilespmem:$0x13C00] =	vst v63  }
0x19d: {  	v2 =	vld.msk [tilespmem:s0+$0x0], $0xff;
	_ =	sdelay $0x4  }
0x19e: {  	v3 =	vshll.u32 v2, $0x5  }
0x19f: {  	v2 =	vand.u32 $0x3, v2;
	v3 =	vand.u32 $0xFFFFFF80, v3  }
0x1a0: {  	v2 =	vor.u32 v2, v3  }
0x1a1: {  	v2 =	vperm.xlane v2, v0;
	_ =	sdelay $0x1  }
0x1a2: {  	v2 =	vadd.s32 v1, v2;
	_ =	sdelay $0x3  }
0x1a3: {  	s12 =	rddreg [dreg:$0x0];
	s25 =	simm.s32 $0x8C00;
	s5 =	simm.s32 $0x0  }
0x1a4: {  	[tilespmem:s25], [sflag:$0x2] =	stream.indirect_vreg.gather [hbm4b:s12+s5], $0x80, v2, vm0, $0xb8;
	[tilespmem:$0x13C00] =	vst v63  }
0x1a5: {  	s3 =	simm.s32 $0x9400;
	s2 =	rddreg [dreg:$0xa]  }
0x1a6: {  	[tilespmem:s3], [sflag:$0x2] =	stream.indirect_vreg.gather [hbm4b:s2+s5], $0x80, v2, vm0, $0xb8;
	[tilespmem:$0x13C00] =	vst v63  }
0x1a7: {  	s6 =	rddreg [dreg:$0xb];
	s7 =	simm.s32 $0x9C00  }
0x1a8: {  	[tilespmem:s7], [sflag:$0x2] =	stream.indirect_vreg.gather [hbm4b:s6+s5], $0x80, v2, vm0, $0xb8;
	[tilespmem:$0x13C00] =	vst v63  }
0x1a9: {  	s8 =	simm.s32 $0xA400  }
0x1aa: {  	[tilespmem:s8], [sflag:$0x2] =	stream.indirect_vreg.gather [hbm4b:s15+s5], $0x80, v2, vm0, $0xb8;
	[tilespmem:$0x13C00] =	vst v63  }
0x1ab: {  	s9 =	simm.s32 $0xAC00  }
0x1ac: {  	[tilespmem:s9], [sflag:$0x2] =	stream.indirect_vreg.gather [hbm4b:s13+s5], $0x80, v2, vm0, $0xb8;
	[tilespmem:$0x13C00] =	vst v63  }
0x1ad: {  	s10 =	simm.s32 $0xB400  }
0x1ae: {  	[tilespmem:s10], [sflag:$0x2] =	stream.indirect_vreg.gather [hbm4b:s16+s5], $0x80, v2, vm0, $0xb8;
	[tilespmem:$0x13C00] =	vst v63  }
0x1af: {  	s11 =	simm.s32 $0xBC00  }
0x1b0: {  	[tilespmem:s11], [sflag:$0x2] =	stream.indirect_vreg.gather [hbm4b:s14+s5], $0x80, v2, vm0, $0xb8;
	[tilespmem:$0x13C00] =	vst v63  }
0x1b1: {  	s12 =	simm.s32 $0xC400  }
0x1b2: {  	[tilespmem:s12], [sflag:$0x2] =	stream.indirect_vreg.gather [hbm4b:s17+s5], $0x80, v2, vm0, $0xb8;
	[tilespmem:$0x13C00] =	vst v63  }
0x1b3: {  	s25 =	simm.s32 $0xCC00  }
0x1b4: {  	[tilespmem:s25], [sflag:$0x2] =	stream.indirect_vreg.gather [hbm4b:s18+s5], $0x80, v2, vm0, $0xb8;
	[tilespmem:$0x13C00] =	vst v63  }
0x1b5: {  	s1 =	simm.s32 $0xD400  }
0x1b6: {  	[tilespmem:s1], [sflag:$0x2] =	stream.indirect_vreg.gather [hbm4b:s19+s5], $0x80, v2, vm0, $0xb8;
	[tilespmem:$0x13C00] =	vst v63  }
0x1b7: {  	s2 =	simm.s32 $0xDC00  }
0x1b8: {  	[tilespmem:s2], [sflag:$0x2] =	stream.indirect_vreg.gather [hbm4b:s20+s5], $0x80, v2, vm0, $0xb8;
	[tilespmem:$0x13C00] =	vst v63  }
0x1b9: {  	s3 =	simm.s32 $0xE400  }
0x1ba: {  	[tilespmem:s3], [sflag:$0x2] =	stream.indirect_vreg.gather [hbm4b:s21+s5], $0x80, v2, vm0, $0xb8;
	[tilespmem:$0x13C00] =	vst v63  }
0x1bb: {  	s6 =	simm.s32 $0xEC00  }
0x1bc: {  	[tilespmem:s6], [sflag:$0x2] =	stream.indirect_vreg.gather [hbm4b:s22+s5], $0x80, v2, vm0, $0xb8;
	[tilespmem:$0x13C00] =	vst v63  }
0x1bd: {  	s7 =	simm.s32 $0xF400;
	s10 =	sshll.u32 s31, $0xA;
	s11 =	rddreg [dreg:$0x7]  }
0x1be: {  	[tilespmem:s7], [sflag:$0x2] =	stream.indirect_vreg.gather [hbm4b:s23+s5], $0x80, v2, vm0, $0xb8;
	[tilespmem:$0x13C00] =	vst v63  }
0x1bf: {  	s8 =	simm.s32 $0xFC00;
	s0 =	sadd.s32 s11, s10  }
0x1c0: {  	[tilespmem:s8], [sflag:$0x2] =	stream.indirect_vreg.gather [hbm4b:s24+s5], $0x80, v2, vm0, $0xb8;
	[tilespmem:$0x13C00] =	vst v63  }
0x1c1: {  	s9 =	simm.s32 $0x10400;
	s0 =	sshrl.u32 s0, $0x3;
	s12 =	rddreg [dreg:$0x5]  }
0x1c2: {  	[tilespmem:s9], [sflag:$0x2] =	stream.indirect_vreg.gather [hbm4b:s26+s5], $0x80, v2, vm0, $0xb8;
	[tilespmem:$0x13C00] =	vst v63  }
0x1c3: {  	s0 =	sadd.s32 s12, s0;
	s25 =	simm.s32 $0x800;
	s1 =	simm.s32 $0x1  }
0x1c4: {  	[tilespmem:s25], [sflag:$0x6] =	stream.linear.gather [hbm4b:s0+s5], $0x400, $0x38;
	[tilespmem:$0x13C00] =	vst v63  }
0x1c5: {  	_ =	swait.ge [sflag:s1], $0x8000  }
0x1c6: {  	[sflag:s1] =	ssyncset.done $0x0  }
0x1c7: {  	s2 =	simm.s32 $0x5;
	[sflag:s1] =	ssyncadd.s32 $0xFFFF8000  }
0x1c8: {  	_ =	swait.ge [sflag:s2], $0x400  }
0x1c9: {  	[sflag:s2] =	ssyncset.done $0x0  }
0x1ca: {  	[sflag:s2] =	ssyncadd.s32 $0xFFFFFC00  }
0x1cb: {  	v5 =	vld [tilespmem:$0x400]  }
0x1cc: {  	v6 =	vld [tilespmem:$0x480]  }
0x1cd: {  	v7 =	vld [tilespmem:$0x500]  }
0x1ce: {  	v8 =	vld [tilespmem:$0x580]  }
0x1cf: {  	v9 =	vld [tilespmem:$0x600]  }
0x1d0: {  	s3 =	sand.u32 $0x40, s5;
	s9 =	sand.u32 $0x7C00, s5;
	v4 =	vld [tilespmem:$0x680]  }
0x1d1: {  	s7 =	sor.u32 $0x30, s3;
	s10 =	sadd.s32 $0xC00, s9;
	v3 =	vld [tilespmem:$0x700]  }
0x1d2: {  	s11 =	sor.u32 s7, s10;
	v2 =	vld [tilespmem:$0x780]  }
0x1d3: {  	v10 =	vld [tilespmem:s11+$0x0]  }
0x1d4: {  	s6 =	sor.u32 s3, s10;
	v11 =	vld [tilespmem:s11+$0x80]  }
0x1d5: {  	v12 =	vld [tilespmem:s6+$0x0]  }
0x1d6: {  	v13 =	vld [tilespmem:s11+$0x100]  }
0x1d7: {  	s30 =	sor.u32 $0x10, s3;
	v14 =	vld [tilespmem:s6+$0x80]  }
0x1d8: {  	s8 =	sor.u32 s30, s10;
	v15 =	vld [tilespmem:s11+$0x180]  }
0x1d9: {  	v16 =	vld [tilespmem:s8+$0x0]  }
0x1da: {  	v17 =	vld [tilespmem:s11+$0x200]  }
0x1db: {  	s1 =	sor.u32 $0x20, s3;
	v18 =	vld [tilespmem:s8+$0x80]  }
0x1dc: {  	s0 =	sor.u32 s1, s10;
	v19 =	vld [tilespmem:s11+$0x280]  }
0x1dd: {  	v20 =	vld [tilespmem:s0+$0x0]  }
0x1de: {  	v21 =	vld [tilespmem:s11+$0x300]  }
0x1df: {  	v22 =	vld [tilespmem:s0+$0x80]  }
0x1e0: {  	v23 =	vld [tilespmem:s11+$0x380]  }
0x1e1: {  	v24 =	vld [tilespmem:s6+$0x100]  }
0x1e2: {  	v25 =	vld [tilespmem:s8+$0x100]  }
0x1e3: {  	v26 =	vld [tilespmem:s0+$0x100]  }
0x1e4: {  	v27 =	vld [tilespmem:s6+$0x180]  }
0x1e5: {  	v28 =	vld [tilespmem:s8+$0x180]  }
0x1e6: {  	v29 =	vld [tilespmem:s0+$0x180]  }
0x1e7: {  	v30 =	vld [tilespmem:s6+$0x200]  }
0x1e8: {  	v31 =	vld [tilespmem:s8+$0x200]  }
0x1e9: {  	v32 =	vld [tilespmem:s0+$0x200]  }
0x1ea: {  	s12 =	simm.s32 $0x200;
	s10 =	simm.s32 $0x40;
	v33 =	vld [tilespmem:s6+$0x280]  }
0x1eb: {  	s25 =	sand.u32 $0x40, s10;
	s2 =	sand.u32 $0x7C00, s12;
	v34 =	vld [tilespmem:s0+$0x280]  }
0x1ec: {  	s9 =	sor.u32 $0x30, s25;
	v35 =	vld [tilespmem:s8+$0x300];
	s11 =	sadd.s32 $0xC00, s2;
	v10 =	vmul.bf16 v10, v5  }
0x1ed: {  	v36 =	vld [tilespmem:s6+$0x380];
	s12 =	sor.u32 s9, s11;
	v11 =	vmul.bf16 v11, v6;
	v12 =	vmul.bf16 v12, v5  }
0x1ee: {  	v59 =	vld [tilespmem:s12+$0x0];
	v14 =	vmul.bf16 v14, v6;
	v16 =	vmul.bf16 v16, v5  }
0x1ef: {  	s2 =	sor.u32 s25, s11;
	v61 =	vld [tilespmem:s12+$0x80];
	v58 =	vmul.bf16 v22, v6;
	v10 =	vadd.bf16 v11, v10;
	v11 =	vmul.bf16 v13, v7  }
0x1f0: {  	v62 =	vld [tilespmem:s2+$0x0];
	v60 =	vmul.bf16 v25, v7;
	v23 =	vmul.bf16 v23, v2  }
0x1f1: {  	v63 =	vld [tilespmem:s12+$0x100];
	v37 =	vmul.bf16 v28, v8;
	v10 =	vadd.bf16 v11, v10;
	v11 =	vmul.bf16 v15, v8  }
0x1f2: {  	v39 =	vld [tilespmem:s12+$0x200];
	v38 =	vmul.bf16 v30, v9;
	v12 =	vadd.bf16 v14, v12;
	v14 =	vmul.bf16 v18, v6  }
0x1f3: {  	v41 =	vld [tilespmem:s12+$0x280];
	v40 =	vmul.bf16 v31, v9;
	v10 =	vadd.bf16 v11, v10;
	v11 =	vmul.bf16 v17, v9  }
0x1f4: {  	v42 =	vld [tilespmem:s12+$0x300];
	v43 =	vmul.bf16 v33, v4;
	v14 =	vadd.bf16 v14, v16;
	v16 =	vmul.bf16 v24, v7  }
0x1f5: {  	v45 =	vld [tilespmem:s2+$0x80];
	v49 =	vmul.bf16 v36, v2;
	v10 =	vadd.bf16 v11, v10;
	v11 =	vmul.bf16 v19, v4  }
0x1f6: {  	v13 =	vld [tilespmem:s8+$0x280];
	v18 =	vmul.bf16 v20, v5;
	v12 =	vadd.bf16 v16, v12;
	v16 =	vmul.bf16 v27, v8  }
0x1f7: {  	v22 =	vmul.bf16 v59, v5;
	v15 =	vld [tilespmem:s6+$0x300];
	v10 =	vadd.bf16 v11, v10;
	v11 =	vmul.bf16 v21, v3  }
0x1f8: {  	v52 =	vld [tilespmem:s2+$0x180];
	v25 =	vmul.bf16 v61, v6;
	v14 =	vadd.bf16 v60, v14;
	v12 =	vadd.bf16 v16, v12  }
0x1f9: {  	v20 =	vld [tilespmem:s0+$0x380];
	v10 =	vadd.bf16 v11, v10;
	v11 =	vadd.bf16 v58, v18;
	v18 =	vmul.bf16 v26, v7  }
0x1fa: {  	v47 =	vmul.bf16 v63, v7;
	v51 =	vmul.bf16 v45, v6;
	s6 =	sor.u32 $0x10, s25;
	v17 =	vld [tilespmem:s0+$0x300];
	v12 =	vadd.bf16 v38, v12  }
0x1fb: {  	s0 =	sor.u32 s6, s11;
	v16 =	vmul.bf16 v29, v8;
	v14 =	vadd.bf16 v37, v14;
	v11 =	vadd.bf16 v18, v11;
	v18 =	vld [tilespmem:s12+$0x180]  }
0x1fc: {  	v13 =	vmul.bf16 v13, v4;
	v46 =	vld [tilespmem:s0+$0x0];
	v15 =	vmul.bf16 v15, v3;
	v12 =	vadd.bf16 v43, v12  }
0x1fd: {  	v19 =	vld [tilespmem:s8+$0x380];
	v14 =	vadd.bf16 v40, v14;
	v11 =	vadd.bf16 v16, v11;
	v16 =	vmul.bf16 v32, v9  }
0x1fe: {  	v44 =	vld [tilespmem:s12+$0x380];
	v59 =	vmul.bf16 v52, v8;
	s8 =	sor.u32 $0x20, s25;
	v12 =	vadd.bf16 v15, v12;
	v15 =	vadd.bf16 v25, v22  }
0x1ff: {  	v50 =	vld [tilespmem:s2+$0x100];
	s3 =	sor.u32 s8, s11;
	v13 =	vadd.bf16 v13, v14;
	v11 =	vadd.bf16 v16, v11;
	v16 =	vmul.bf16 v34, v4  }
0x200: {  	v48 =	vld [tilespmem:s3+$0x0];
	v14 =	vmul.bf16 v35, v3;
	v15 =	vadd.bf16 v47, v15;
	v18 =	vmul.bf16 v18, v8  }
0x201: {  	v17 =	vmul.bf16 v17, v3;
	v53 =	vmul.bf16 v46, v5;
	v11 =	vadd.bf16 v16, v11;
	v16 =	vld [tilespmem:s0+$0x80]  }
0x202: {  	v19 =	vmul.bf16 v19, v2;
	v13 =	vadd.bf16 v14, v13;
	v14 =	vld [tilespmem:s3+$0x80];
	v15 =	vadd.bf16 v18, v15  }
0x203: {  	v18 =	vmul.bf16 v39, v9;
	v11 =	vadd.bf16 v17, v11;
	v17 =	vmul.bf16 v20, v2;
	v20 =	vld [tilespmem:s0+$0x100]  }
0x204: {  	v10 =	vadd.bf16 v23, v10;
	v22 =	vmul.bf16 v50, v7;
	v13 =	vadd.bf16 v19, v13;
	v19 =	vld [tilespmem:s3+$0x100]  }
0x205: {  	v57 =	vld [tilespmem:s2+$0x200];
	v55 =	vmul.bf16 v48, v5;
	v15 =	vadd.bf16 v18, v15;
	v18 =	vmul.bf16 v41, v4  }
0x206: {  	v54 =	vld [tilespmem:s0+$0x180];
	v17 =	vadd.bf16 v17, v11;
	v11 =	vmul.bf16 v62, v5;
	v16 =	vmul.bf16 v16, v6  }
0x207: {  	v56 =	vld [tilespmem:s3+$0x180];
	v14 =	vmul.bf16 v14, v6;
	v15 =	vadd.bf16 v18, v15;
	v18 =	vmul.bf16 v42, v3  }
0x208: {  	s5 =	sand.u32 $0xF80, s5;
	v58 =	vld [tilespmem:s0+$0x200];
	v11 =	vadd.bf16 v51, v11;
	v16 =	vadd.bf16 v16, v53;
	v20 =	vmul.bf16 v20, v7  }
0x209: {  	s5 =	sadd.s32 $0x12C00, s5;
	v14 =	vadd.bf16 v14, v55;
	v15 =	vadd.bf16 v18, v15;
	v18 =	vmul.bf16 v19, v7;
	v19 =	vld [tilespmem:s3+$0x200]  }
0x20a: {  	s7 =	sor.u32 s7, s5;
	v60 =	vmul.bf16 v44, v2;
	v11 =	vadd.bf16 v22, v11;
	v16 =	vadd.bf16 v20, v16;
	v20 =	vld [tilespmem:s2+$0x280]  }
0x20b: {  	s25 =	sor.u32 s30, s5;
	v61 =	vmul.bf16 v54, v8;
	v12 =	vadd.bf16 v49, v12;
	[tilespmem:s7+$0x0] =	vst v10;
	v10 =	vld [tilespmem:s0+$0x280];
	v62 =	vmul.bf16 v57, v9  }
0x20c: {  	s30 =	simm.s32 $0x12C00;
	s11 =	sand.u32 $0xF80, s10;
	[tilespmem:s25+$0x0] =	vst v13;
	v14 =	vadd.bf16 v18, v14;
	v18 =	vmul.bf16 v56, v8;
	v13 =	vadd.bf16 v59, v11;
	v11 =	vld [tilespmem:s3+$0x280]  }
0x20d: {  	s1 =	sor.u32 s1, s5;
	s12 =	sadd.s32 $0x12C00, s11;
	v63 =	vmul.bf16 v58, v9;
	[tilespmem:s30+$0x0] =	vst v12;
	v12 =	vld [tilespmem:s2+$0x300];
	v22 =	vadd.bf16 v60, v15;
	v16 =	vadd.bf16 v61, v16  }
0x20e: {  	s5 =	simm.s32 $0x400;
	s10 =	sor.u32 s6, s12;
	s25 =	sor.u32 s9, s12;
	[tilespmem:s1+$0x0] =	vst v17;
	v17 =	vadd.bf16 v18, v14;
	v15 =	vadd.bf16 v62, v13;
	v13 =	vld [tilespmem:s0+$0x300];
	v19 =	vmul.bf16 v19, v9  }
0x20f: {  	s7 =	simm.s32 $0x80;
	s9 =	sor.u32 s8, s12;
	s1 =	simm.s32 $0x4;
	[tilespmem:s25+$0x0] =	vst v22;
	v14 =	vld [tilespmem:s3+$0x300];
	v16 =	vadd.bf16 v63, v16;
	v18 =	vmul.bf16 v20, v4  }
.LBB2_7:
0x210: {  	s8 =	sand.u32 $0x40, s7;
	s6 =	sand.u32 $0x7C00, s5;
	v20 =	vld [tilespmem:s2+$0x380];
	v10 =	vmul.bf16 v10, v4;
	v17 =	vadd.bf16 v19, v17  }
0x211: {  	s1 =	sadd.s32 $0x4, s1;
	s12 =	sadd.s32 $0xC00, s6;
	s25 =	sor.u32 $0x30, s8;
	v15 =	vadd.bf16 v18, v15;
	v18 =	vld [tilespmem:s0+$0x380];
	v11 =	vmul.bf16 v11, v4  }
0x212: {  	s6 =	sor.u32 $0x10, s8;
	p1 =	slt.u32 s1, $0xFC;
	s11 =	sor.u32 s25, s12;
	v12 =	vmul.bf16 v12, v3;
	v10 =	vadd.bf16 v10, v16;
	v16 =	vld [tilespmem:s3+$0x380]  }
0x213: {  	s2 =	sor.u32 s8, s12;
	s0 =	sor.u32 s6, s12;
	s8 =	sor.u32 $0x20, s8;
	v19 =	vld [tilespmem:s11+$0x0];
	v13 =	vmul.bf16 v13, v3;
	v11 =	vadd.bf16 v11, v17  }
0x214: {  	s3 =	sor.u32 s8, s12;
	v17 =	vld [tilespmem:s11+$0x80];
	v12 =	vadd.bf16 v12, v15;
	v14 =	vmul.bf16 v14, v3  }
0x215: {  	v15 =	vld [tilespmem:s2+$0x0];
	v20 =	vmul.bf16 v20, v2;
	v10 =	vadd.bf16 v13, v10  }
0x216: {  	v13 =	vld [tilespmem:s11+$0x100];
	v18 =	vmul.bf16 v18, v2;
	v11 =	vadd.bf16 v14, v11  }
0x217: {  	v14 =	vld [tilespmem:s2+$0x80];
	v12 =	vadd.bf16 v20, v12;
	v16 =	vmul.bf16 v16, v2  }
0x218: {  	s30 =	sadd.s32 $0x40, s30;
	v20 =	vld [tilespmem:s11+$0x180];
	v10 =	vadd.bf16 v18, v10  }
0x219: {  	v19 =	vmul.bf16 v19, v5;
	v18 =	vld [tilespmem:s0+$0x0];
	v17 =	vmul.bf16 v17, v6;
	[tilespmem:s30+$0x0] =	vst v12;
	v11 =	vadd.bf16 v16, v11  }
0x21a: {  	v12 =	vmul.bf16 v15, v5;
	v15 =	vld [tilespmem:s11+$0x200];
	[tilespmem:s10+$0x0] =	vst v10  }
0x21b: {  	v10 =	vld [tilespmem:s0+$0x80];
	v16 =	vadd.bf16 v17, v19;
	v13 =	vmul.bf16 v13, v7;
	[tilespmem:s9+$0x0] =	vst v11  }
0x21c: {  	v11 =	vmul.bf16 v14, v6;
	v14 =	vld [tilespmem:s11+$0x280]  }
0x21d: {  	v17 =	vld [tilespmem:s3+$0x0];
	v13 =	vadd.bf16 v13, v16;
	v16 =	vmul.bf16 v20, v8  }
0x21e: {  	v11 =	vadd.bf16 v11, v12;
	v12 =	vmul.bf16 v18, v5;
	v18 =	vld [tilespmem:s11+$0x300]  }
0x21f: {  	v19 =	vld [tilespmem:s3+$0x80];
	v13 =	vadd.bf16 v16, v13;
	v15 =	vmul.bf16 v15, v9  }
0x220: {  	v10 =	vmul.bf16 v10, v6;
	v16 =	vld [tilespmem:s11+$0x380]  }
0x221: {  	v20 =	vld [tilespmem:s2+$0x100];
	v13 =	vadd.bf16 v15, v13;
	v14 =	vmul.bf16 v14, v4  }
0x222: {  	v10 =	vadd.bf16 v10, v12;
	v12 =	vld [tilespmem:s0+$0x100];
	v15 =	vmul.bf16 v17, v5  }
0x223: {  	v17 =	vld [tilespmem:s3+$0x100];
	v13 =	vadd.bf16 v14, v13;
	v14 =	vmul.bf16 v18, v3  }
0x224: {  	v18 =	vld [tilespmem:s2+$0x180];
	v19 =	vmul.bf16 v19, v6  }
0x225: {  	v21 =	vld [tilespmem:s0+$0x180];
	v13 =	vadd.bf16 v14, v13;
	v14 =	vmul.bf16 v16, v2  }
0x226: {  	s9 =	sand.u32 $0xF80, s7;
	v16 =	vmul.bf16 v20, v7;
	v15 =	vadd.bf16 v19, v15;
	v19 =	vld [tilespmem:s3+$0x180]  }
0x227: {  	s11 =	sadd.s32 $0x12C00, s9;
	v20 =	vld [tilespmem:s2+$0x200];
	v12 =	vmul.bf16 v12, v7;
	v13 =	vadd.bf16 v14, v13  }
0x228: {  	s10 =	sor.u32 s6, s11;
	s9 =	sor.u32 s8, s11;
	s6 =	sor.u32 s25, s11;
	v11 =	vadd.bf16 v16, v11;
	v14 =	vld [tilespmem:s0+$0x200];
	v16 =	vmul.bf16 v17, v7  }
0x229: {  	v17 =	vmul.bf16 v18, v8;
	v12 =	vadd.bf16 v12, v10;
	v18 =	vld [tilespmem:s3+$0x200];
	[tilespmem:s6+$0x0] =	vst v13  }
0x22a: {  	v22 =	vld [tilespmem:s2+$0x280];
	v13 =	vmul.bf16 v21, v8;
	v15 =	vadd.bf16 v16, v15  }
.Ltmp4:
0x22b: {  	v16 =	vadd.bf16 v17, v11;
	v10 =	vld [tilespmem:s0+$0x280];
	v17 =	vmul.bf16 v19, v8;
	(pc) =	sbr.rel @p1 .LBB2_7-.Ltmp4, $4  }
0x22c: {  	v19 =	vmul.bf16 v20, v9;
	v20 =	vadd.bf16 v13, v12;
	v11 =	vld [tilespmem:s3+$0x280]  }
0x22d: {  	v12 =	vld [tilespmem:s2+$0x300];
	v14 =	vmul.bf16 v14, v9;
	v17 =	vadd.bf16 v17, v15  }
0x22e: {  	v15 =	vadd.bf16 v19, v16;
	v13 =	vld [tilespmem:s0+$0x300];
	v19 =	vmul.bf16 v18, v9  }
0x22f: {  	s5 =	sadd.s32 $0x200, s5;
	s7 =	sadd.s32 $0x40, s7;
	v18 =	vmul.bf16 v22, v4;
	v16 =	vadd.bf16 v14, v20;
	v14 =	vld [tilespmem:s3+$0x300]  }
0x230: {  	v5 =	vld [tilespmem:s2+$0x380]  }
0x231: {  	v6 =	vld [tilespmem:s0+$0x380]  }
0x232: {  	v7 =	vmul.bf16 v10, v4;
	v8 =	vadd.bf16 v19, v17;
	v9 =	vld [tilespmem:s3+$0x380];
	v4 =	vmul.bf16 v11, v4  }
0x233: {  	v10 =	vadd.bf16 v18, v15;
	v11 =	vmul.bf16 v12, v3  }
0x234: {  	v7 =	vadd.bf16 v7, v16;
	v12 =	vmul.bf16 v13, v3;
	v4 =	vadd.bf16 v4, v8  }
0x235: {  	v8 =	vadd.bf16 v11, v10;
	v3 =	vmul.bf16 v14, v3;
	v5 =	vmul.bf16 v5, v2  }
0x236: {  	v7 =	vadd.bf16 v12, v7;
	v6 =	vmul.bf16 v6, v2  }
0x237: {  	v2 =	vmul.bf16 v9, v2;
	v3 =	vadd.bf16 v3, v4;
	v4 =	vadd.bf16 v5, v8  }
0x238: {  	s8 =	sadd.s32 $0x40, s30;
	p1 =	seq.s32 s28, $0x1F;
	v5 =	vadd.bf16 v6, v7  }
0x239: {  	s0 =	sadd.s32 @!p1 $0x4, s29;
	v2 =	vadd.bf16 v2, v3;
	[tilespmem:s8+$0x0] =	vst v4  }
0x23a: {  	s1 =	sshll.u32 @!p1 s0, $0x3;
	[tilespmem:s10+$0x0] =	vst v5  }
0x23b: {  	s1 =	sand.u32 @!p1 $0x3FFFFFF8, s1;
	[tilespmem:s9+$0x0] =	vst v2  }
0x23c: {  	v2 =	vld.msk @!p1 [tilespmem:s1+$0x0], $0xff;
	_ =	sdelay $0x4  }
0x23d: {  	v3 =	vshll.u32 @!p1 v2, $0x5  }
0x23e: {  	v4 =	vlaneseq.u32 @!p1;
	v2 =	vand.u32 @!p1 $0x3, v2;
	v3 =	vand.u32 @!p1 $0xFFFFFF80, v3  }
0x23f: {  	v2 =	vor.u32 @!p1 v2, v3;
	v3 =	vand.u32 @!p1 $0x7, v4;
	v4 =	vshrl.u32 @!p1 v4, $0x3  }
0x240: {  	v2 =	vperm.xlane @!p1 v2, v3;
	v3 =	vmul.u32 @!p1 $0x4, v4;
	_ =	sdelay $0x1  }
0x241: {  	v2 =	vadd.s32 @!p1 v3, v2;
	_ =	sdelay $0x3  }
0x242: {  	s3 =	rddreg [dreg:$0x0];
	vm1 =	vmmov @!p1 $0xffff;
	s2 =	simm.s32 @!p1 $0xC00;
	s1 =	simm.s32 @!p1 $0x0  }
0x243: {  	[tilespmem:s2], [sflag:$0x1] =	stream.indirect_vreg.gather @!p1 [hbm4b:s3+s1], $0x80, v2, vm1, $0xb8;
	[tilespmem:$0x13C00] =	vst v63  }
0x244: {  	s2 =	simm.s32 @!p1 $0x1400;
	s3 =	rddreg [dreg:$0xa]  }
0x245: {  	[tilespmem:s2], [sflag:$0x1] =	stream.indirect_vreg.gather @!p1 [hbm4b:s3+s1], $0x80, v2, vm1, $0xb8;
	[tilespmem:$0x13C00] =	vst v63  }
0x246: {  	s2 =	simm.s32 @!p1 $0x1C00;
	s3 =	rddreg [dreg:$0xb]  }
0x247: {  	[tilespmem:s2], [sflag:$0x1] =	stream.indirect_vreg.gather @!p1 [hbm4b:s3+s1], $0x80, v2, vm1, $0xb8;
	[tilespmem:$0x13C00] =	vst v63  }
0x248: {  	s2 =	simm.s32 @!p1 $0x2400  }
0x249: {  	[tilespmem:s2], [sflag:$0x1] =	stream.indirect_vreg.gather @!p1 [hbm4b:s15+s1], $0x80, v2, vm1, $0xb8;
	[tilespmem:$0x13C00] =	vst v63  }
0x24a: {  	s2 =	simm.s32 @!p1 $0x2C00  }
0x24b: {  	[tilespmem:s2], [sflag:$0x1] =	stream.indirect_vreg.gather @!p1 [hbm4b:s13+s1], $0x80, v2, vm1, $0xb8;
	[tilespmem:$0x13C00] =	vst v63  }
0x24c: {  	s2 =	simm.s32 @!p1 $0x3400  }
0x24d: {  	[tilespmem:s2], [sflag:$0x1] =	stream.indirect_vreg.gather @!p1 [hbm4b:s16+s1], $0x80, v2, vm1, $0xb8;
	[tilespmem:$0x13C00] =	vst v63  }
0x24e: {  	s2 =	simm.s32 @!p1 $0x3C00  }
0x24f: {  	[tilespmem:s2], [sflag:$0x1] =	stream.indirect_vreg.gather @!p1 [hbm4b:s14+s1], $0x80, v2, vm1, $0xb8;
	[tilespmem:$0x13C00] =	vst v63  }
0x250: {  	s2 =	simm.s32 @!p1 $0x4400  }
0x251: {  	[tilespmem:s2], [sflag:$0x1] =	stream.indirect_vreg.gather @!p1 [hbm4b:s17+s1], $0x80, v2, vm1, $0xb8;
	[tilespmem:$0x13C00] =	vst v63  }
0x252: {  	s2 =	simm.s32 @!p1 $0x4C00  }
0x253: {  	[tilespmem:s2], [sflag:$0x1] =	stream.indirect_vreg.gather @!p1 [hbm4b:s18+s1], $0x80, v2, vm1, $0xb8;
	[tilespmem:$0x13C00] =	vst v63  }
0x254: {  	s2 =	simm.s32 @!p1 $0x5400  }
0x255: {  	[tilespmem:s2], [sflag:$0x1] =	stream.indirect_vreg.gather @!p1 [hbm4b:s19+s1], $0x80, v2, vm1, $0xb8;
	[tilespmem:$0x13C00] =	vst v63  }
0x256: {  	s2 =	simm.s32 @!p1 $0x5C00  }
0x257: {  	[tilespmem:s2], [sflag:$0x1] =	stream.indirect_vreg.gather @!p1 [hbm4b:s20+s1], $0x80, v2, vm1, $0xb8;
	[tilespmem:$0x13C00] =	vst v63  }
0x258: {  	s2 =	simm.s32 @!p1 $0x6400  }
0x259: {  	[tilespmem:s2], [sflag:$0x1] =	stream.indirect_vreg.gather @!p1 [hbm4b:s21+s1], $0x80, v2, vm1, $0xb8;
	[tilespmem:$0x13C00] =	vst v63  }
0x25a: {  	s2 =	simm.s32 @!p1 $0x6C00  }
0x25b: {  	[tilespmem:s2], [sflag:$0x1] =	stream.indirect_vreg.gather @!p1 [hbm4b:s22+s1], $0x80, v2, vm1, $0xb8;
	[tilespmem:$0x13C00] =	vst v63  }
0x25c: {  	s2 =	simm.s32 @!p1 $0x7400  }
0x25d: {  	[tilespmem:s2], [sflag:$0x1] =	stream.indirect_vreg.gather @!p1 [hbm4b:s23+s1], $0x80, v2, vm1, $0xb8;
	[tilespmem:$0x13C00] =	vst v63  }
0x25e: {  	s2 =	simm.s32 @!p1 $0x7C00  }
0x25f: {  	[tilespmem:s2], [sflag:$0x1] =	stream.indirect_vreg.gather @!p1 [hbm4b:s24+s1], $0x80, v2, vm1, $0xb8;
	[tilespmem:$0x13C00] =	vst v63  }
0x260: {  	s2 =	simm.s32 @!p1 $0x8400  }
0x261: {  	[tilespmem:s2], [sflag:$0x1] =	stream.indirect_vreg.gather @!p1 [hbm4b:s26+s1], $0x80, v2, vm1, $0xb8;
	[tilespmem:$0x13C00] =	vst v63  }
0x262: {  	s0 =	sshll.u32 @!p1 s0, $0xA;
	s2 =	rddreg [dreg:$0x7]  }
0x263: {  	s0 =	sadd.s32 @!p1 s2, s0  }
0x264: {  	s2 =	rddreg [dreg:$0x5];
	s0 =	sshrl.u32 @!p1 s0, $0x3  }
0x265: {  	s11 =	simm.s32 $0x2;
	s0 =	sadd.s32 @!p1 s2, s0;
	s2 =	simm.s32 @!p1 $0x400  }
0x266: {  	[tilespmem:s2], [sflag:$0x5] =	stream.linear.gather @!p1 [hbm4b:s0+s1], $0x400, $0x38;
	[tilespmem:$0x13C00] =	vst v63  }
0x267: {  	_ =	swait.ge [sflag:s11], $0x8000  }
0x268: {  	[sflag:s11] =	ssyncset.done $0x0  }
0x269: {  	s12 =	simm.s32 $0x6;
	[sflag:s11] =	ssyncadd.s32 $0xFFFF8000  }
0x26a: {  	_ =	swait.ge [sflag:s12], $0x400  }
0x26b: {  	[sflag:s12] =	ssyncset.done $0x0  }
0x26c: {  	s0 =	simm.s32 @!p0 $0x4;
	[sflag:s12] =	ssyncadd.s32 $0xFFFFFC00  }
0x26d: {  	_ =	swait.ge @!p0 [sflag:s0], $0x1000  }
0x26e: {  	[sflag:s0] =	ssyncset.done @!p0 $0x0  }
0x26f: {  	[sflag:s0] =	ssyncadd.s32 @!p0 $0xFFFFF000  }
0x270: {  	v3 =	vld [tilespmem:$0x800]  }
0x271: {  	v4 =	vld [tilespmem:$0x880]  }
0x272: {  	v6 =	vld [tilespmem:$0x900]  }
0x273: {  	v7 =	vld [tilespmem:$0x980]  }
0x274: {  	v8 =	vld [tilespmem:$0xA00]  }
0x275: {  	s0 =	simm.s32 $0x0;
	v9 =	vld [tilespmem:$0xA80]  }
0x276: {  	v5 =	vld [tilespmem:$0xB00];
	s25 =	sand.u32 $0x40, s0;
	s9 =	sand.u32 $0x7C00, s0  }
0x277: {  	s10 =	simm.s32 $0x12C00;
	v2 =	vld [tilespmem:$0xB80];
	s5 =	sadd.s32 $0x8C00, s9;
	s7 =	sor.u32 $0x30, s25  }
0x278: {  	v10 =	vld [tilespmem:s10+$0x0];
	s8 =	sor.u32 s7, s5  }
0x279: {  	v11 =	vld [tilespmem:s8+$0x0]  }
0x27a: {  	s11 =	sor.u32 s25, s5;
	v12 =	vld [tilespmem:s8+$0x80]  }
0x27b: {  	v13 =	vld [tilespmem:s11+$0x0]  }
0x27c: {  	v14 =	vld [tilespmem:s8+$0x100]  }
0x27d: {  	s12 =	sor.u32 $0x10, s25;
	v15 =	vld [tilespmem:s11+$0x80]  }
0x27e: {  	s6 =	sor.u32 s12, s5;
	v16 =	vld [tilespmem:s8+$0x180]  }
0x27f: {  	v17 =	vld [tilespmem:s6+$0x0]  }
0x280: {  	v18 =	vld [tilespmem:s8+$0x200]  }
0x281: {  	s2 =	sor.u32 $0x20, s25;
	v19 =	vld [tilespmem:s6+$0x80]  }
0x282: {  	s5 =	sor.u32 s2, s5;
	v20 =	vld [tilespmem:s8+$0x280]  }
0x283: {  	v21 =	vld [tilespmem:s5+$0x0]  }
0x284: {  	v22 =	vld [tilespmem:s8+$0x300]  }
0x285: {  	v23 =	vld [tilespmem:s5+$0x80]  }
0x286: {  	v24 =	vld [tilespmem:s8+$0x380]  }
0x287: {  	v25 =	vld [tilespmem:s11+$0x100]  }
0x288: {  	v26 =	vld [tilespmem:s6+$0x100]  }
0x289: {  	v28 =	vld [tilespmem:s11+$0x180]  }
0x28a: {  	v29 =	vld [tilespmem:s5+$0x180]  }
0x28b: {  	v30 =	vld [tilespmem:s6+$0x200]  }
0x28c: {  	s25 =	sand.u32 $0xF80, s0;
	v31 =	vld [tilespmem:s11+$0x280]  }
0x28d: {  	s0 =	sor.u32 s25, s7;
	v32 =	vld [tilespmem:s5+$0x280];
	v11 =	vmul.bf16 v11, v3;
	v12 =	vmul.bf16 v12, v4  }
0x28e: {  	s1 =	sor.u32 s25, s12;
	v27 =	vld [tilespmem:s0+$0x12C00];
	v13 =	vmul.bf16 v13, v3;
	v15 =	vmul.bf16 v15, v4  }
0x28f: {  	v36 =	vld [tilespmem:s1+$0x12C00];
	v17 =	vmul.bf16 v17, v3;
	v19 =	vmul.bf16 v19, v4  }
0x290: {  	v60 =	vld [tilespmem:s11+$0x300];
	v40 =	vunpack.i.u.bf16.f32 v10;
	v21 =	vmul.bf16 v21, v3;
	v23 =	vmul.bf16 v23, v4  }
0x291: {  	v33 =	vmul.bf16 v28, v7;
	v11 =	vadd.bf16 v12, v11;
	v12 =	vmul.bf16 v14, v6;
	v14 =	vld [tilespmem:s5+$0x100]  }
0x292: {  	v63 =	vld [tilespmem:s11+$0x380];
	v10 =	vunpack.i.l.bf16.f32 v10;
	v35 =	vmul.bf16 v29, v7;
	v37 =	vmul.bf16 v30, v8  }
0x293: {  	v61 =	vunpack.i.u.bf16.f32 v27;
	v11 =	vadd.bf16 v12, v11;
	v12 =	vmul.bf16 v16, v7;
	v16 =	vld [tilespmem:s6+$0x180]  }
0x294: {  	v34 =	vld [tilespmem:s6+$0x380];
	v43 =	vunpack.i.u.bf16.f32 v36;
	v13 =	vadd.bf16 v15, v13;
	v15 =	vadd.bf16 v19, v17  }
0x295: {  	v17 =	vmul.bf16 v25, v6;
	v19 =	vld [tilespmem:s6+$0x300];
	v11 =	vadd.bf16 v12, v11;
	v12 =	vmul.bf16 v18, v8  }
0x296: {  	v21 =	vadd.bf16 v23, v21;
	v23 =	vmul.bf16 v26, v6;
	v18 =	vld [tilespmem:s11+$0x200];
	v14 =	vmul.bf16 v14, v6  }
0x297: {  	s7 =	simm.s32 $0x200;
	v25 =	vunpack.i.l.bf16.f32 v36;
	v11 =	vadd.bf16 v12, v11;
	v12 =	vmul.bf16 v20, v9;
	v20 =	vld [tilespmem:s5+$0x200]  }
0x298: {  	s8 =	simm.s32 $0x40;
	s3 =	sand.u32 $0x7C00, s7;
	v15 =	vadd.bf16 v23, v15;
	v16 =	vmul.bf16 v16, v7;
	v14 =	vadd.bf16 v14, v21;
	v21 =	vld [tilespmem:s5+$0x380]  }
0x299: {  	s2 =	sor.u32 s25, s2;
	s10 =	sadd.s32 $0x8C00, s3;
	v13 =	vadd.bf16 v17, v13;
	v11 =	vadd.bf16 v12, v11;
	v12 =	vmul.bf16 v22, v5;
	v22 =	vld [tilespmem:s6+$0x280];
	s6 =	sand.u32 $0x40, s8  }
0x29a: {  	v62 =	vunpack.i.l.bf16.f32 v27;
	v25 =	vadd.f32 v25, v43;
	s7 =	sor.u32 $0x30, s6;
	v15 =	vadd.bf16 v16, v15;
	v16 =	vld [tilespmem:s2+$0x12C00];
	s3 =	sor.u32 s6, s10  }
0x29b: {  	v26 =	vmul.bf16 v34, v2;
	v17 =	vadd.f32 v62, v61;
	v13 =	vadd.bf16 v33, v13;
	s11 =	sor.u32 s7, s10;
	v41 =	vld [tilespmem:s3+$0x80]  }
0x29c: {  	v18 =	vmul.bf16 v18, v8;
	s12 =	sor.u32 $0x10, s6;
	v11 =	vadd.bf16 v12, v11;
	v12 =	vmul.bf16 v24, v2;
	v38 =	vld [tilespmem:s11+$0x0]  }
0x29d: {  	v14 =	vadd.bf16 v35, v14;
	v24 =	vmul.bf16 v60, v5;
	s25 =	sor.u32 s12, s10;
	v20 =	vmul.bf16 v20, v8;
	v39 =	vld [tilespmem:s11+$0x100]  }
0x29e: {  	v13 =	vadd.bf16 v18, v13;
	v18 =	vmul.bf16 v31, v9;
	v45 =	vld [tilespmem:s25+$0x0];
	v11 =	vadd.bf16 v12, v11  }
0x29f: {  	v15 =	vadd.bf16 v37, v15;
	v46 =	vld [tilespmem:s25+$0x80];
	v22 =	vmul.bf16 v22, v9;
	v14 =	vadd.bf16 v20, v14  }
0x2a0: {  	s6 =	sor.u32 $0x20, s6;
	v12 =	vld [tilespmem:s5+$0x300];
	v13 =	vadd.bf16 v18, v13;
	v23 =	vunpack.i.u.bf16.f32 v11;
	v11 =	vunpack.i.l.bf16.f32 v11  }
0x2a1: {  	s9 =	sor.u32 s6, s10;
	v18 =	vmul.bf16 v32, v9;
	v51 =	vunpack.i.u.bf16.f32 v16;
	v11 =	vadd.f32 v11, v23;
	v23 =	vld [tilespmem:s11+$0x80]  }
0x2a2: {  	v48 =	vld [tilespmem:s9+$0x0];
	v16 =	vunpack.i.l.bf16.f32 v16;
	v13 =	vadd.bf16 v24, v13;
	v24 =	vmul.bf16 v41, v4  }
0x2a3: {  	v55 =	vld [tilespmem:s9+$0x180];
	v14 =	vadd.bf16 v18, v14;
	v42 =	vmul.bf16 v38, v3;
	v47 =	vmul.bf16 v39, v6  }
0x2a4: {  	v20 =	vld [tilespmem:s3+$0x0];
	v53 =	vmul.bf16 v45, v3;
	v54 =	vmul.bf16 v46, v4;
	v17 =	vpack.i.f32.bf16 v11, v17  }
0x2a5: {  	v11 =	vadd.bf16 v22, v15;
	v15 =	vmul.bf16 v19, v5;
	v19 =	vld [tilespmem:s11+$0x180];
	v12 =	vmul.bf16 v12, v5  }
0x2a6: {  	v58 =	vld [tilespmem:s3+$0x280];
	v16 =	vadd.f32 v16, v51;
	v22 =	vmul.bf16 v63, v2;
	v23 =	vmul.bf16 v23, v4  }
0x2a7: {  	v18 =	vld [tilespmem:s11+$0x200];
	v29 =	vmul.bf16 v48, v3;
	v11 =	vadd.bf16 v15, v11;
	v12 =	vadd.bf16 v12, v14  }
0x2a8: {  	v49 =	vld [tilespmem:s9+$0x80];
	v61 =	vmul.bf16 v55, v7;
	v13 =	vadd.bf16 v22, v13;
	v23 =	vadd.bf16 v23, v42  }
0x2a9: {  	v15 =	vld [tilespmem:s11+$0x280];
	v22 =	vadd.f32 v10, v40;
	v10 =	vmul.bf16 v21, v2;
	v11 =	vadd.bf16 v26, v11  }
0x2aa: {  	v20 =	vmul.bf16 v20, v3;
	v14 =	vld [tilespmem:s11+$0x300];
	v19 =	vmul.bf16 v19, v7;
	v23 =	vadd.bf16 v47, v23  }
0x2ab: {  	v21 =	vld [tilespmem:s11+$0x380];
	s11 =	sand.u32 $0xF80, s8;
	v10 =	vadd.bf16 v10, v12;
	v12 =	vunpack.i.u.bf16.f32 v11;
	v11 =	vunpack.i.l.bf16.f32 v11  }
0x2ac: {  	v18 =	vmul.bf16 v18, v8;
	s8 =	sor.u32 s11, s7;
	v11 =	vadd.f32 v11, v12;
	v12 =	vld [tilespmem:s3+$0x100];
	v19 =	vadd.bf16 v19, v23  }
0x2ad: {  	v20 =	vadd.bf16 v24, v20;
	v44 =	vunpack.i.u.bf16.f32 v13;
	v13 =	vunpack.i.l.bf16.f32 v13;
	v52 =	vld [tilespmem:s8+$0x12C00]  }
0x2ae: {  	v26 =	vmul.bf16 v49, v4;
	v15 =	vmul.bf16 v15, v9;
	v23 =	vld [tilespmem:s25+$0x100];
	v18 =	vadd.bf16 v18, v19  }
0x2af: {  	v50 =	vunpack.i.u.bf16.f32 v10;
	v10 =	vunpack.i.l.bf16.f32 v10;
	v25 =	vpack.i.f32.bf16 v11, v25;
	v11 =	vld [tilespmem:s3+$0x180]  }
0x2b0: {  	v10 =	vadd.f32 v10, v50;
	v14 =	vmul.bf16 v14, v5;
	v19 =	vld [tilespmem:s9+$0x100];
	v15 =	vadd.bf16 v15, v18  }
0x2b1: {  	v13 =	vadd.f32 v13, v44;
	v26 =	vadd.bf16 v26, v29;
	v12 =	vmul.bf16 v12, v6;
	v18 =	vld [tilespmem:s25+$0x180]  }
0x2b2: {  	v16 =	vpack.i.f32.bf16 v10, v16;
	v14 =	vadd.bf16 v14, v15;
	v15 =	vmul.bf16 v21, v2;
	v21 =	vld [tilespmem:s3+$0x200]  }
0x2b3: {  	v57 =	vld [tilespmem:s9+$0x200];
	v10 =	vadd.bf16 v54, v53;
	v23 =	vmul.bf16 v23, v6;
	v12 =	vadd.bf16 v12, v20  }
0x2b4: {  	v56 =	vld [tilespmem:s25+$0x200];
	v20 =	vunpack.i.l.bf16.f32 v52;
	v14 =	vadd.bf16 v15, v14;
	v15 =	vunpack.i.u.bf16.f32 v52  }
0x2b5: {  	v60 =	vld [tilespmem:s25+$0x280];
	v19 =	vmul.bf16 v19, v6;
	v10 =	vadd.bf16 v23, v10;
	v20 =	vadd.f32 v20, v15  }
0x2b6: {  	v23 =	vld [tilespmem:s3+$0x300];
	v15 =	vmul.bf16 v11, v7;
	v59 =	vunpack.i.u.bf16.f32 v14;
	v14 =	vunpack.i.l.bf16.f32 v14  }
0x2b7: {  	v18 =	vmul.bf16 v18, v7;
	v29 =	vadd.f32 v14, v59;
	v14 =	vmul.bf16 v21, v8;
	v21 =	vld [tilespmem:s9+$0x280]  }
0x2b8: {  	v62 =	vmul.bf16 v57, v8;
	v19 =	vadd.bf16 v19, v26;
	v11 =	vld [tilespmem:s3+$0x380];
	v12 =	vadd.bf16 v15, v12  }
0x2b9: {  	v63 =	vmul.bf16 v58, v9;
	[tilespmem:s0+$0x11C00] =	vst v17;
	v17 =	vadd.bf16 v18, v10;
	v18 =	vmul.bf16 v56, v8;
	v15 =	vld [tilespmem:s25+$0x300]  }
0x2ba: {  	s30 =	simm.s32 $0x12C40;
	v13 =	vpack.i.f32.bf16 v13, v22;
	[tilespmem:s2+$0x11C00] =	vst v16;
	s2 =	simm.s32 $0x11C00;
	v19 =	vadd.bf16 v61, v19;
	v12 =	vadd.bf16 v14, v12;
	v14 =	vld [tilespmem:s9+$0x300]  }
0x2bb: {  	v22 =	vmul.bf16 v60, v9;
	[tilespmem:s2+$0x0] =	vst v13;
	v10 =	vld [tilespmem:s30+$0x0];
	v16 =	vadd.bf16 v18, v17;
	v13 =	vpack.i.f32.bf16 v29, v20  }
0x2bc: {  	s5 =	simm.s32 $0x4;
	s0 =	sor.u32 s11, s6;
	[tilespmem:s1+$0x11C00] =	vst v25;
	v18 =	vadd.bf16 v62, v19;
	v17 =	vadd.bf16 v63, v12;
	v12 =	vld [tilespmem:s25+$0x380];
	v20 =	vmul.bf16 v21, v9  }
0x2bd: {  	s7 =	simm.s32 $0x80;
	s1 =	simm.s32 $0x400;
	s3 =	sor.u32 s11, s12;
	v19 =	vmul.bf16 v23, v5;
	[tilespmem:s8+$0x11C00] =	vst v13;
	v13 =	vld [tilespmem:s9+$0x380];
	v16 =	vadd.bf16 v22, v16  }
.LBB2_9:
0x2be: {  	s11 =	sand.u32 $0x40, s7;
	s6 =	sand.u32 $0x7C00, s1;
	v15 =	vmul.bf16 v15, v5;
	v21 =	vld [tilespmem:s3+$0x12C00];
	v18 =	vadd.bf16 v20, v18;
	s30 =	sadd.s32 $0x40, s30  }
0x2bf: {  	s5 =	sadd.s32 $0x4, s5;
	s25 =	sadd.s32 $0x8C00, s6;
	s6 =	sor.u32 $0x30, s11;
	v17 =	vadd.bf16 v19, v17;
	v14 =	vmul.bf16 v14, v5;
	v19 =	vld [tilespmem:s0+$0x12C00]  }
0x2c0: {  	v22 =	vunpack.i.u.bf16.f32 v10;
	s8 =	sor.u32 $0x10, s11;
	p0 =	slt.u32 s5, $0xFC;
	v20 =	vld [tilespmem:s30+$0x0];
	s12 =	sor.u32 s6, s25;
	v11 =	vmul.bf16 v11, v2;
	v15 =	vadd.bf16 v15, v16  }
0x2c1: {  	v10 =	vunpack.i.l.bf16.f32 v10;
	s9 =	sor.u32 s11, s25;
	s10 =	sor.u32 s8, s25;
	s11 =	sor.u32 $0x20, s11;
	v16 =	vld [tilespmem:s12+$0x0];
	v12 =	vmul.bf16 v12, v2;
	v14 =	vadd.bf16 v14, v18  }
0x2c2: {  	s25 =	sor.u32 s11, s25;
	v18 =	vld [tilespmem:s12+$0x80];
	v11 =	vadd.bf16 v11, v17;
	v17 =	vadd.f32 v10, v22;
	v27 =	vmul.bf16 v13, v2  }
0x2c3: {  	v13 =	vld [tilespmem:s9+$0x0];
	v12 =	vadd.bf16 v12, v15;
	v15 =	vunpack.i.u.bf16.f32 v21;
	v21 =	vunpack.i.l.bf16.f32 v21  }
0x2c4: {  	v22 =	vld [tilespmem:s12+$0x100];
	v23 =	vunpack.i.u.bf16.f32 v11;
	v11 =	vunpack.i.l.bf16.f32 v11;
	v14 =	vadd.bf16 v27, v14  }
0x2c5: {  	v26 =	vunpack.i.u.bf16.f32 v19;
	v24 =	vld [tilespmem:s9+$0x80];
	v25 =	vunpack.i.u.bf16.f32 v12;
	v12 =	vunpack.i.l.bf16.f32 v12;
	v10 =	vmovc v20  }
0x2c6: {  	v19 =	vunpack.i.l.bf16.f32 v19;
	v20 =	vld [tilespmem:s12+$0x180];
	v27 =	vunpack.i.u.bf16.f32 v14;
	v14 =	vunpack.i.l.bf16.f32 v14  }
0x2c7: {  	v11 =	vadd.f32 v11, v23;
	v16 =	vmul.bf16 v16, v3;
	v28 =	vld [tilespmem:s10+$0x0];
	v18 =	vmul.bf16 v18, v4  }
0x2c8: {  	v12 =	vadd.f32 v12, v25;
	v14 =	vadd.f32 v14, v27;
	v13 =	vmul.bf16 v13, v3;
	v23 =	vld [tilespmem:s12+$0x200]  }
0x2c9: {  	v15 =	vadd.f32 v21, v15;
	v25 =	vld [tilespmem:s10+$0x80];
	v16 =	vadd.bf16 v18, v16;
	v18 =	vmul.bf16 v22, v6  }
0x2ca: {  	s2 =	sadd.s32 $0x40, s2;
	v11 =	vpack.i.f32.bf16 v11, v17;
	v17 =	vadd.f32 v19, v26;
	v21 =	vmul.bf16 v24, v4;
	v22 =	vld [tilespmem:s12+$0x280]  }
0x2cb: {  	v19 =	vld [tilespmem:s25+$0x0];
	v16 =	vadd.bf16 v18, v16;
	v18 =	vmul.bf16 v20, v7;
	[tilespmem:s2+$0x0] =	vst v11;
	v11 =	vpack.i.f32.bf16 v12, v15  }
0x2cc: {  	v12 =	vadd.bf16 v21, v13;
	v13 =	vmul.bf16 v28, v3;
	v15 =	vld [tilespmem:s12+$0x300];
	[tilespmem:s3+$0x11C00] =	vst v11;
	v11 =	vpack.i.f32.bf16 v14, v17  }
0x2cd: {  	v14 =	vld [tilespmem:s25+$0x80];
	v16 =	vadd.bf16 v18, v16;
	v17 =	vmul.bf16 v23, v8;
	[tilespmem:s0+$0x11C00] =	vst v11  }
0x2ce: {  	v11 =	vmul.bf16 v25, v4;
	v18 =	vld [tilespmem:s12+$0x380]  }
0x2cf: {  	s12 =	sand.u32 $0xF80, s7;
	v20 =	vld [tilespmem:s9+$0x100];
	v16 =	vadd.bf16 v17, v16;
	v17 =	vmul.bf16 v22, v9  }
0x2d0: {  	s3 =	sor.u32 s12, s8;
	s0 =	sor.u32 s12, s11;
	s6 =	sor.u32 s12, s6;
	v11 =	vadd.bf16 v11, v13;
	v13 =	vld [tilespmem:s10+$0x100];
	v19 =	vmul.bf16 v19, v3  }
0x2d1: {  	v16 =	vadd.bf16 v17, v16;
	v15 =	vmul.bf16 v15, v5;
	v17 =	vld [tilespmem:s6+$0x12C00]  }
0x2d2: {  	v14 =	vmul.bf16 v14, v4;
	v21 =	vld [tilespmem:s25+$0x100]  }
0x2d3: {  	v22 =	vld [tilespmem:s9+$0x180];
	v15 =	vadd.bf16 v15, v16;
	v16 =	vmul.bf16 v18, v2  }
0x2d4: {  	v18 =	vmul.bf16 v20, v6;
	v20 =	vld [tilespmem:s10+$0x180];
	v14 =	vadd.bf16 v14, v19  }
0x2d5: {  	v13 =	vmul.bf16 v13, v6;
	v19 =	vld [tilespmem:s25+$0x180];
	v15 =	vadd.bf16 v16, v15  }
0x2d6: {  	v12 =	vadd.bf16 v18, v12;
	v16 =	vld [tilespmem:s9+$0x200];
	v18 =	vunpack.i.u.bf16.f32 v17  }
0x2d7: {  	v17 =	vunpack.i.l.bf16.f32 v17;
	v23 =	vld [tilespmem:s10+$0x200];
	v24 =	vunpack.i.u.bf16.f32 v15;
	v15 =	vunpack.i.l.bf16.f32 v15  }
0x2d8: {  	v21 =	vmul.bf16 v21, v6;
	v17 =	vadd.f32 v17, v18;
	v25 =	vld [tilespmem:s25+$0x200];
	v15 =	vadd.f32 v15, v24  }
0x2d9: {  	v11 =	vadd.bf16 v13, v11;
	v18 =	vmul.bf16 v22, v7;
	v22 =	vld [tilespmem:s9+$0x280];
	v13 =	vmul.bf16 v20, v7  }
0x2da: {  	v14 =	vadd.bf16 v21, v14;
	v20 =	vld [tilespmem:s10+$0x280];
	v19 =	vmul.bf16 v19, v7;
	v15 =	vpack.i.f32.bf16 v15, v17  }
0x2db: {  	v12 =	vadd.bf16 v18, v12;
	v16 =	vmul.bf16 v16, v8;
	v11 =	vadd.bf16 v13, v11;
	v13 =	vld [tilespmem:s25+$0x280];
	[tilespmem:s6+$0x11C00] =	vst v15  }
0x2dc: {  	v21 =	vld [tilespmem:s9+$0x300];
	v17 =	vmul.bf16 v23, v8;
	v18 =	vadd.bf16 v19, v14  }
.Ltmp5:
0x2dd: {  	v12 =	vadd.bf16 v16, v12;
	v15 =	vld [tilespmem:s10+$0x300];
	v16 =	vmul.bf16 v25, v8;
	(pc) =	sbr.rel @p0 .LBB2_9-.Ltmp5, $4  }
0x2de: {  	v19 =	vmul.bf16 v22, v9;
	v22 =	vadd.bf16 v17, v11;
	v14 =	vld [tilespmem:s25+$0x300]  }
0x2df: {  	v11 =	vld [tilespmem:s9+$0x380];
	v23 =	vmul.bf16 v20, v9;
	v18 =	vadd.bf16 v16, v18  }
0x2e0: {  	v17 =	vadd.bf16 v19, v12;
	v12 =	vld [tilespmem:s10+$0x380];
	v20 =	vmul.bf16 v13, v9  }
0x2e1: {  	s1 =	sadd.s32 $0x200, s1;
	s7 =	sadd.s32 $0x40, s7;
	v19 =	vmul.bf16 v21, v5;
	v16 =	vadd.bf16 v23, v22;
	v13 =	vld [tilespmem:s25+$0x380]  }
0x2e2: {  	v3 =	vmul.bf16 v15, v5;
	v4 =	vld [tilespmem:s3+$0x12C00]  }
0x2e3: {  	v6 =	vadd.bf16 v20, v18;
	v8 =	vld [tilespmem:s0+$0x12C00];
	v53 =	vunpack.i.u.bf16.f32 v10;
	v54 =	vunpack.i.l.bf16.f32 v10  }
0x2e4: {  	v7 =	vadd.bf16 v19, v17;
	v52 =	vmul.bf16 v14, v5;
	v9 =	vmul.bf16 v11, v2  }
0x2e5: {  	v56 =	vadd.f32 v54, v53;
	v3 =	vadd.bf16 v3, v16;
	v12 =	vmul.bf16 v12, v2  }
0x2e6: {  	v5 =	vadd.bf16 v52, v6;
	v55 =	vadd.bf16 v9, v7;
	v2 =	vmul.bf16 v13, v2  }
0x2e7: {  	v3 =	vadd.bf16 v12, v3;
	v57 =	vunpack.i.u.bf16.f32 v4;
	v4 =	vunpack.i.l.bf16.f32 v4  }
0x2e8: {  	v60 =	vunpack.i.u.bf16.f32 v8;
	v8 =	vunpack.i.l.bf16.f32 v8;
	v58 =	vunpack.i.u.bf16.f32 v55  }
0x2e9: {  	s1 =	rddreg [dreg:$0x4];
	v6 =	vunpack.i.l.bf16.f32 v55;
	v2 =	vadd.bf16 v2, v5;
	v4 =	vadd.f32 v4, v57  }
0x2ea: {  	s1 =	sor.u32 s1, s31;
	v59 =	vunpack.i.u.bf16.f32 v3;
	v3 =	vunpack.i.l.bf16.f32 v3;
	v6 =	vadd.f32 v6, v58  }
0x2eb: {  	s1 =	sadd.s32 $0xFFFFFFFF, s1;
	v61 =	vunpack.i.u.bf16.f32 v2;
	v2 =	vunpack.i.l.bf16.f32 v2;
	v3 =	vadd.f32 v3, v59  }
.Ltmp6:
0x2ec: {  	s2 =	sadd.s32 $0x40, s2;
	s5 =	sshll.u32 s1, $0x3;
	v63 =	vadd.f32 v8, v60;
	v2 =	vadd.f32 v2, v61;
	v62 =	vpack.i.f32.bf16 v6, v56;
	(pc) =	sbr.rel @p1 .LBB2_12-.Ltmp6, $4  }
0x2ed: {  	s11 =	rddreg [dreg:$0x2];
	s1 =	sshll.u32 s1, $0x8;
	s10 =	sand.u32 $0x30, s5;
	[tilespmem:s2+$0x0] =	vst v62;
	v3 =	vpack.i.f32.bf16 v3, v4  }
0x2ee: {  	s25 =	simm.s32 $0x80;
	s1 =	sand.u32 $0xFFFF800, s1;
	s2 =	sadd.s32 s11, s10;
	[tilespmem:s3+$0x11C00] =	vst v3;
	v2 =	vpack.i.f32.bf16 v2, v63  }
0x2ef: {  	s30 =	simm.s32 $0x200;
	s31 =	simm.s32 $0x11C00;
	s12 =	sadd.s32 s1, s2;
	[tilespmem:s0+$0x11C00] =	vst v2  }
0x2f0: {  	[hbm4b:s12+s25] =	stream.strided.scatter [tilespmem:s31], [sflag:$0x4], $0x1000, s30, s25, $0x38;
	[tilespmem:$0x13C00] =	vst v63  }
0x2f1: {  	s0 =	sadd.s32 $0x5, s29  }
0x2f2: {  	s1 =	sshll.u32 s0, $0x3  }
0x2f3: {  	s1 =	sand.u32 $0x3FFFFFF8, s1  }
0x2f4: {  	v2 =	vld.msk [tilespmem:s1+$0x0], $0xff;
	_ =	sdelay $0x4  }
0x2f5: {  	v3 =	vshll.u32 v2, $0x5  }
0x2f6: {  	v2 =	vand.u32 $0x3, v2;
	v3 =	vand.u32 $0xFFFFFF80, v3  }
0x2f7: {  	v2 =	vor.u32 v2, v3  }
0x2f8: {  	v2 =	vperm.xlane v2, v0;
	_ =	sdelay $0x1  }
0x2f9: {  	v2 =	vadd.s32 v1, v2;
	_ =	sdelay $0x3  }
0x2fa: {  	s10 =	rddreg [dreg:$0x0];
	s2 =	simm.s32 $0x8C00  }
0x2fb: {  	[tilespmem:s2], [sflag:$0x2] =	stream.indirect_vreg.gather [hbm4b:s10+s4], $0x80, v2, vm0, $0xb8;
	[tilespmem:$0x13C00] =	vst v63  }
0x2fc: {  	s11 =	rddreg [dreg:$0xa];
	s12 =	simm.s32 $0x9400  }
0x2fd: {  	[tilespmem:s12], [sflag:$0x2] =	stream.indirect_vreg.gather [hbm4b:s11+s4], $0x80, v2, vm0, $0xb8;
	[tilespmem:$0x13C00] =	vst v63  }
0x2fe: {  	s25 =	rddreg [dreg:$0xb];
	s29 =	simm.s32 $0x9C00  }
0x2ff: {  	[tilespmem:s29], [sflag:$0x2] =	stream.indirect_vreg.gather [hbm4b:s25+s4], $0x80, v2, vm0, $0xb8;
	[tilespmem:$0x13C00] =	vst v63  }
0x300: {  	s30 =	simm.s32 $0xA400  }
0x301: {  	[tilespmem:s30], [sflag:$0x2] =	stream.indirect_vreg.gather [hbm4b:s15+s4], $0x80, v2, vm0, $0xb8;
	[tilespmem:$0x13C00] =	vst v63  }
0x302: {  	s31 =	simm.s32 $0xAC00  }
0x303: {  	[tilespmem:s31], [sflag:$0x2] =	stream.indirect_vreg.gather [hbm4b:s13+s4], $0x80, v2, vm0, $0xb8;
	[tilespmem:$0x13C00] =	vst v63  }
0x304: {  	s2 =	simm.s32 $0xB400  }
0x305: {  	[tilespmem:s2], [sflag:$0x2] =	stream.indirect_vreg.gather [hbm4b:s16+s4], $0x80, v2, vm0, $0xb8;
	[tilespmem:$0x13C00] =	vst v63  }
0x306: {  	s3 =	simm.s32 $0xBC00  }
0x307: {  	[tilespmem:s3], [sflag:$0x2] =	stream.indirect_vreg.gather [hbm4b:s14+s4], $0x80, v2, vm0, $0xb8;
	[tilespmem:$0x13C00] =	vst v63  }
0x308: {  	s5 =	simm.s32 $0xC400  }
0x309: {  	[tilespmem:s5], [sflag:$0x2] =	stream.indirect_vreg.gather [hbm4b:s17+s4], $0x80, v2, vm0, $0xb8;
	[tilespmem:$0x13C00] =	vst v63  }
0x30a: {  	s6 =	simm.s32 $0xCC00  }
0x30b: {  	[tilespmem:s6], [sflag:$0x2] =	stream.indirect_vreg.gather [hbm4b:s18+s4], $0x80, v2, vm0, $0xb8;
	[tilespmem:$0x13C00] =	vst v63  }
0x30c: {  	s7 =	simm.s32 $0xD400  }
0x30d: {  	[tilespmem:s7], [sflag:$0x2] =	stream.indirect_vreg.gather [hbm4b:s19+s4], $0x80, v2, vm0, $0xb8;
	[tilespmem:$0x13C00] =	vst v63  }
0x30e: {  	s8 =	simm.s32 $0xDC00  }
0x30f: {  	[tilespmem:s8], [sflag:$0x2] =	stream.indirect_vreg.gather [hbm4b:s20+s4], $0x80, v2, vm0, $0xb8;
	[tilespmem:$0x13C00] =	vst v63  }
0x310: {  	s9 =	simm.s32 $0xE400  }
0x311: {  	[tilespmem:s9], [sflag:$0x2] =	stream.indirect_vreg.gather [hbm4b:s21+s4], $0x80, v2, vm0, $0xb8;
	[tilespmem:$0x13C00] =	vst v63  }
0x312: {  	s10 =	simm.s32 $0xEC00  }
0x313: {  	[tilespmem:s10], [sflag:$0x2] =	stream.indirect_vreg.gather [hbm4b:s22+s4], $0x80, v2, vm0, $0xb8;
	[tilespmem:$0x13C00] =	vst v63  }
0x314: {  	s11 =	simm.s32 $0xF400  }
0x315: {  	[tilespmem:s11], [sflag:$0x2] =	stream.indirect_vreg.gather [hbm4b:s23+s4], $0x80, v2, vm0, $0xb8;
	[tilespmem:$0x13C00] =	vst v63  }
0x316: {  	s0 =	sshll.u32 s0, $0xA;
	s12 =	simm.s32 $0xFC00;
	s29 =	rddreg [dreg:$0x7]  }
0x317: {  	[tilespmem:s12], [sflag:$0x2] =	stream.indirect_vreg.gather [hbm4b:s24+s4], $0x80, v2, vm0, $0xb8;
	[tilespmem:$0x13C00] =	vst v63  }
.Ltmp7:
0x318: {  	s0 =	sadd.s32 s29, s0;
	(pc) =	sbr.rel .LBB2_2-.Ltmp7, $4  }
0x319: {  	s25 =	simm.s32 $0x10400;
	s0 =	sshrl.u32 s0, $0x3;
	s30 =	rddreg [dreg:$0x5]  }
0x31a: {  	[tilespmem:s25], [sflag:$0x2] =	stream.indirect_vreg.gather [hbm4b:s26+s4], $0x80, v2, vm0, $0xb8;
	[tilespmem:$0x13C00] =	vst v63  }
0x31b: {  	s28 =	sadd.s32 $0x1, s28;
	s0 =	sadd.s32 s30, s0;
	s31 =	simm.s32 $0x800  }
0x31c: {  	[tilespmem:s31], [sflag:$0x6] =	stream.linear.gather [hbm4b:s0+s4], $0x400, $0x38;
	[tilespmem:$0x13C00] =	vst v63  }
.LBB2_13:
0x31d: {  	_ =	sfence.sel $0x180000  }
0x31e: {  	[bflag:$0x0] =	sbarrier.arrive $0xFFFF  }
0x31f: {  	_ =	strace $0x90000047  }
0x320: {  	s0 =	stileid.u32;
	[bflag:$0x2] =	sbarrier.arrive $0xFFFF  }
0x321: {  	p0 =	sne.s32 s0, $0x0;
	s0 =	rddreg [dreg:$0x3]  }
0x322: {  	s0 =	sadd.s32 @!p0 $0x100000, s0  }
0x323: {  	[sflag:s0] =	ssyncadd.tile.s32 @!p0 $0x1;
	_ =	shalt  }
.Lfunc_end2:
_tile_overlayer_lowered:
.L_overlay_start_2:
0x324: {  	(tag) =	ssettag $0x2  }
0x325: {  	s0 =	rddreg [dreg:$0x0];
	s2 =	stileid.u32  }
0x326: {  	s1 =	rddreg [dreg:$0x1];
	p0 =	sne.s32 s2, $0x0  }
0x327: {  	s3 =	rddreg [dreg:$0x2];
	[bflag:$0x3] =	sbarrier.arrive $0xFFFF;
	s2 =	simm.s32 @!p0 $0x1C07  }
0x328: {  	[timem:s3], [sflag:s2] =	dma.local @!p0 [hbm:s0], s1  }
0x329: {  	s0 =	simm.s32 @!p0 $0x7  }
0x32a: {  	_ =	swait.ge @!p0 [sflag:s0], s1  }
0x32b: {  	s1 =	ssub.s32 @!p0 $0x0, s1;
	[sflag:s0] =	ssyncset.done @!p0 $0x0  }
0x32c: {  	[sflag:s0] =	ssyncadd.s32 @!p0 s1  }
0x32d: {  	[bflag:$0x3] =	sbarrier.arrive $0xFFFF  }
0x32e: {  	_ =	shalt  }

</sc_bundles>
